<compile_context>
chip_gen: v7x
topology: tpu7x:2x2x1
jax: 0.10.2.dev20260603
libtpu: 0.0.44.dev20260713+nightly
codegen_flags: <defaults>
</compile_context>

<pallas_src>
import functools

import jax
import jax.numpy as jnp
from jax import lax
from jax.experimental import pallas as pl
from jax.experimental.pallas import tpu as pltpu
from jax.experimental.pallas import tpu_sc as plsc

_T = 128
_D = 64
_NC = 2
_NS = 16
_NW = _NC * _NS
_CH = 32
_RING = 3


def _setup_scratch(w_ref, b_ref, arg_ref, tgt_ref, wc_ref, wd_ref, bk_ref,
                   with_c):
    arg_row = arg_ref[...]
    tgt_col = tgt_ref[...]
    gi = lax.broadcasted_iota(jnp.int32, (_T, _D), 0)
    si = lax.broadcasted_iota(jnp.int32, (_D, _T), 1)
    gather_oh = (gi == arg_row).astype(jnp.float32)
    scatter_oh = (si == tgt_col).astype(jnp.float32)
    w = w_ref[...]
    dims = (((1,), (0,)), ((), ()))
    gw_d = lax.dot_general(gather_oh, jnp.abs(w), (((1,), (1,)), ((), ())),
                           preferred_element_type=jnp.float32)
    wd_ref[...] = lax.dot_general(gw_d, scatter_oh, dims,
                                  preferred_element_type=jnp.float32)
    if with_c:
        gw_c = lax.dot_general(gather_oh, w, (((1,), (1,)), ((), ())),
                               preferred_element_type=jnp.float32)
        wc_ref[...] = lax.dot_general(gw_c, scatter_oh, dims,
                                      preferred_element_type=jnp.float32)
        bk_ref[0:1, :] = lax.dot_general(b_ref[...], scatter_oh, dims,
                                         preferred_element_type=jnp.float32)
    bk_ref[1:2, :] = 1.0 - jnp.max(scatter_oh, axis=0, keepdims=True)


def _head_body(d_ref, w_ref, b_ref, arg_ref, tgt_ref, hd_ref,
               wc_ref, wd_ref, bk_ref):
    @pl.when(pl.program_id(0) == 0)
    def _setup():
        _setup_scratch(w_ref, b_ref, arg_ref, tgt_ref, wc_ref, wd_ref,
                       bk_ref, with_c=False)

    z = d_ref[...]
    dims = (((1,), (0,)), ((), ()))
    yd = lax.dot_general(z, wd_ref[...], dims,
                         preferred_element_type=jnp.float32)
    hd_ref[...] = z * bk_ref[1:2, :] + yd


def _c_body(c_ref, w_ref, b_ref, arg_ref, tgt_ref, co_ref,
            wc_ref, wd_ref, bk_ref):
    @pl.when(pl.program_id(0) == 0)
    def _setup():
        _setup_scratch(w_ref, b_ref, arg_ref, tgt_ref, wc_ref, wd_ref,
                       bk_ref, with_c=True)

    co_ref[...] = c_ref[...]
    x = c_ref[:, 0:_T]
    dims = (((1,), (0,)), ((), ()))
    yc = lax.dot_general(x, wc_ref[...], dims,
                         preferred_element_type=jnp.float32)
    co_ref[:, 0:_T] = x * bk_ref[1:2, :] + yc + bk_ref[0:1, :]


def _sc_assemble_body(head_hbm, delta_hbm, out_hbm,
                      buf0, buf1, buf2, ls0, ls1, ls2, ss0, ss1, ss2):
    B = head_hbm.shape[0]
    M = delta_hbm.shape[1]
    tail = M - _T
    rows_w = B // _NW
    nchunks = rows_w // _CH
    base = (lax.axis_index("s") * _NC + lax.axis_index("c")) * rows_w

    bufs = (buf0, buf1, buf2)
    lsems = (ls0, ls1, ls2)
    ssems = (ss0, ss1, ss2)
    pend_ld = [None] * _RING
    pend_st = [None] * _RING

    def issue(k):
        bslot = k % _RING
        if pend_st[bslot] is not None:
            pend_st[bslot].wait()
            pend_st[bslot] = None
        r = base + k * _CH
        cp_h = pltpu.async_copy(
            head_hbm.at[pl.ds(r, _CH), :],
            bufs[bslot].at[:, pl.ds(0, _T)], lsems[bslot])
        cp_t = pltpu.async_copy(
            delta_hbm.at[pl.ds(r, _CH), pl.ds(_T, tail)],
            bufs[bslot].at[:, pl.ds(_T, tail)], lsems[bslot])
        pend_ld[bslot] = (cp_h, cp_t)

    for k in range(_RING):
        issue(k)
    for k in range(nchunks):
        bslot = k % _RING
        cp_h, cp_t = pend_ld[bslot]
        cp_h.wait()
        cp_t.wait()
        r = base + k * _CH
        pend_st[bslot] = pltpu.async_copy(
            bufs[bslot], out_hbm.at[pl.ds(r, _CH), :], ssems[bslot])
        if k + _RING < nchunks:
            issue(k + _RING)
    for bslot in range(_RING):
        if pend_st[bslot] is not None:
            pend_st[bslot].wait()


def kernel(c, delta, W, b, arg_idx, target_idx):
    B, M = c.shape
    BR = 1024
    BRH = 2048
    b2 = b.reshape(1, _D)
    arg2 = arg_idx.reshape(1, _D)
    tgt2 = target_idx.reshape(_D, 1)
    scratch = [
        pltpu.VMEM((_T, _T), jnp.float32),
        pltpu.VMEM((_T, _T), jnp.float32),
        pltpu.VMEM((2, _T), jnp.float32),
    ]
    small_specs = [
        pl.BlockSpec((_D, _D), lambda i: (0, 0)),
        pl.BlockSpec((1, _D), lambda i: (0, 0)),
        pl.BlockSpec((1, _D), lambda i: (0, 0)),
        pl.BlockSpec((_D, 1), lambda i: (0, 0)),
    ]

    d_head = pl.pallas_call(
        _head_body,
        grid=(B // BRH,),
        in_specs=[pl.BlockSpec((BRH, _T), lambda i: (i, 0))] + small_specs,
        out_specs=pl.BlockSpec((BRH, _T), lambda i: (i, 0)),
        out_shape=jax.ShapeDtypeStruct((B, _T), jnp.float32),
        scratch_shapes=scratch,
    )(delta[:, 0:_T], W, b2, arg2, tgt2)

    mesh = plsc.VectorSubcoreMesh(core_axis_name="c", subcore_axis_name="s")
    sc_assemble = functools.partial(
        pl.kernel,
        mesh=mesh,
        out_type=jax.ShapeDtypeStruct((B, M), jnp.float32),
        scratch_types=[
            pltpu.VMEM((_CH, M), jnp.float32),
            pltpu.VMEM((_CH, M), jnp.float32),
            pltpu.VMEM((_CH, M), jnp.float32),
            pltpu.SemaphoreType.DMA,
            pltpu.SemaphoreType.DMA,
            pltpu.SemaphoreType.DMA,
            pltpu.SemaphoreType.DMA,
            pltpu.SemaphoreType.DMA,
            pltpu.SemaphoreType.DMA,
        ],
    )(_sc_assemble_body)
    out_d = sc_assemble(d_head, delta)

    out_c = pl.pallas_call(
        _c_body,
        grid=(B // BR,),
        in_specs=[pl.BlockSpec((BR, M), lambda i: (i, 0))] + small_specs,
        out_specs=pl.BlockSpec((BR, M), lambda i: (i, 0)),
        out_shape=jax.ShapeDtypeStruct((B, M), jnp.float32),
        scratch_shapes=scratch,
    )(c, W, b2, arg2, tgt2)

    return (out_c, out_d)

# --- scband reference (transcript-rebuilt; emitter-appended) ---
"""Pipeline reference for scband-assign-18468359372927 (READ-ONLY COPY).

The authoritative reference and input builder live on the scoring server;
editing this copy changes nothing except your own understanding.
"""

import jax, jax.numpy as jnp
import numpy as np

B = 16384   # batch of abstract states
M = 1024    # number of program variables per state
D = 64      # slice width read/written by the Assign statement


def setup_inputs(seed: int = 0) -> dict:
    key = jax.random.key(seed)
    k1, k2, k3, k4 = jax.random.split(key, 4)
    # abstract box domain: center c and nonnegative radius delta, shape [B, M]
    c = jax.random.normal(k1, (B, M), dtype=jnp.float32)
    delta = jax.random.uniform(k2, (B, M), dtype=jnp.float32)
    # parameters of f (a linear abstract transformer): y = x @ W.T + b
    W = jax.random.normal(k3, (D, D), dtype=jnp.float32) * (1.0 / np.sqrt(D))
    b = jax.random.normal(k4, (D,), dtype=jnp.float32) * 0.01
    # constructor index tensors (constants): read vars [0, 64), write vars [64, 128)
    arg_idx = jnp.arange(D, dtype=jnp.int32)
    target_idx = jnp.arange(D, 2 * D, dtype=jnp.int32)
    return {"c": c, "delta": delta, "W": W, "b": b,
            "arg_idx": arg_idx, "target_idx": target_idx}


def reference(c, delta, W, b, arg_idx, target_idx):
    # x.select_from_index(1, arg_idx): gather columns of both c and delta
    c_in = jnp.take(c, arg_idx, axis=1)          # [B, D]
    d_in = jnp.take(delta, arg_idx, axis=1)      # [B, D]
    # res = f(input): linear transformer on the box domain
    #   center propagates through W,b; radius through |W| (keeps delta >= 0)
    c_res = c_in @ W.T + b                        # [B, D]
    d_res = d_in @ jnp.abs(W).T                   # [B, D]
    # x.c[:, target_idx] = res.c ; x.delta[:, target_idx] = res.delta
    c_out = c.at[:, target_idx].set(c_res)
    d_out = delta.at[:, target_idx].set(d_res)
    return (c_out, d_out)

if __name__ == "__main__":
    import jax
    _d = setup_inputs()
    print(jax.jit(kernel)(*tuple(_d.values())))

</pallas_src>

<mosaic_0001>
#map = affine_map<(d0, d1) -> (0, 0)>
module attributes {stable_mosaic.version = 14 : i64} {
  func.func @_sc_assemble_body(%arg0: i32, %arg1: i32, %arg2: memref<16384x128xf32, #tpu.memory_space<hbm>>, %arg3: memref<16384x1024xf32, #tpu.memory_space<hbm>>, %arg4: memref<16384x1024xf32, #tpu.memory_space<hbm>>, %arg5: memref<32x1024xf32, #tpu.memory_space<vmem>>, %arg6: memref<32x1024xf32, #tpu.memory_space<vmem>>, %arg7: memref<32x1024xf32, #tpu.memory_space<vmem>>, %arg8: memref<!tpu.dma_semaphore, #tpu.memory_space<semaphore_mem>>, %arg9: memref<!tpu.dma_semaphore, #tpu.memory_space<semaphore_mem>>, %arg10: memref<!tpu.dma_semaphore, #tpu.memory_space<semaphore_mem>>, %arg11: memref<!tpu.dma_semaphore, #tpu.memory_space<semaphore_mem>>, %arg12: memref<!tpu.dma_semaphore, #tpu.memory_space<semaphore_mem>>, %arg13: memref<!tpu.dma_semaphore, #tpu.memory_space<semaphore_mem>>) attributes {dimension_semantics = [#tpu.dimension_semantics<core_parallel>, #tpu.dimension_semantics<subcore_parallel>], iteration_bounds = array<i64: 2, 16>, scalar_prefetch = 0 : i64, scratch_operands = 9 : i64, tpu.core_type = #tpu.core_type<sc_vector_subcore>, window_params = [{transform_indices = #map}, {transform_indices = #map}, {transform_indices = #map}]} {
    %mul3A = arith.constant 2 : i32
    %mul3A_0 = arith.muli %arg1, %mul3A : i32
    %add3A = arith.addi %mul3A_0, %arg0 : i32
    %mul3A_1 = arith.constant 512 : i32
    %mul3A_2 = arith.muli %add3A, %mul3A_1 : i32
    %add3A_3 = arith.constant 0 : i32
    %add3A_4 = arith.addi %mul3A_2, %add3A_3 : i32
    %dma_start3A = arith.constant 0 : i32
    %dma_start3A_5 = arith.constant 0 : i32
    %dma_start3A_6 = tpu.memref_slice %arg5[%dma_start3A, %dma_start3A_5] : memref<32x1024xf32, #tpu.memory_space<vmem>> -> memref<32x128xf32, #tpu.memory_space<vmem>>
    %dma_start3A_7 = arith.constant 0 : i32
    %dma_start3A_8 = tpu.memref_slice %arg2[%add3A_4, %dma_start3A_7] : memref<16384x128xf32, #tpu.memory_space<hbm>> -> memref<32x128xf32, #tpu.memory_space<hbm>>
    %dma_start3A_9 = arith.constant 0 : i32
    %dma_start3A_10 = arith.constant 0 : i32
    %dma_start3A_11 = tpu.memref_slice %arg5[%dma_start3A_9, %dma_start3A_10] : memref<32x1024xf32, #tpu.memory_space<vmem>> -> memref<32x128xf32, #tpu.memory_space<vmem>>
    %dma_start3A_12 = arith.constant 0 : i32
    %dma_start3A_13 = tpu.memref_slice %arg2[%add3A_4, %dma_start3A_12] : memref<16384x128xf32, #tpu.memory_space<hbm>> -> memref<32x128xf32, #tpu.memory_space<hbm>>
    tpu.enqueue_dma source(%dma_start3A_13 : memref<32x128xf32, #tpu.memory_space<hbm>>) target(%dma_start3A_11 : memref<32x128xf32, #tpu.memory_space<vmem>>) target_semaphore(%arg8 : memref<!tpu.dma_semaphore, #tpu.memory_space<semaphore_mem>>)
    %dma_start3A_14 = arith.constant 0 : i32
    %dma_start3A_15 = arith.constant 128 : i32
    %dma_start3A_16 = tpu.memref_slice %arg5[%dma_start3A_14, %dma_start3A_15] : memref<32x1024xf32, #tpu.memory_space<vmem>> -> memref<32x896xf32, #tpu.memory_space<vmem>>
    %dma_start3A_17 = arith.constant 128 : i32
    %dma_start3A_18 = tpu.memref_slice %arg3[%add3A_4, %dma_start3A_17] : memref<16384x1024xf32, #tpu.memory_space<hbm>> -> memref<32x896xf32, #tpu.memory_space<hbm>>
    %dma_start3A_19 = arith.constant 0 : i32
    %dma_start3A_20 = arith.constant 128 : i32
    %dma_start3A_21 = tpu.memref_slice %arg5[%dma_start3A_19, %dma_start3A_20] : memref<32x1024xf32, #tpu.memory_space<vmem>> -> memref<32x896xf32, #tpu.memory_space<vmem>>
    %dma_start3A_22 = arith.constant 128 : i32
    %dma_start3A_23 = tpu.memref_slice %arg3[%add3A_4, %dma_start3A_22] : memref<16384x1024xf32, #tpu.memory_space<hbm>> -> memref<32x896xf32, #tpu.memory_space<hbm>>
    tpu.enqueue_dma source(%dma_start3A_23 : memref<32x896xf32, #tpu.memory_space<hbm>>) target(%dma_start3A_21 : memref<32x896xf32, #tpu.memory_space<vmem>>) target_semaphore(%arg8 : memref<!tpu.dma_semaphore, #tpu.memory_space<semaphore_mem>>)
    %add3A_24 = arith.constant 32 : i32
    %add3A_25 = arith.addi %mul3A_2, %add3A_24 : i32
    %dma_start3A_26 = arith.constant 0 : i32
    %dma_start3A_27 = arith.constant 0 : i32
    %dma_start3A_28 = tpu.memref_slice %arg6[%dma_start3A_26, %dma_start3A_27] : memref<32x1024xf32, #tpu.memory_space<vmem>> -> memref<32x128xf32, #tpu.memory_space<vmem>>
    %dma_start3A_29 = arith.constant 0 : i32
    %dma_start3A_30 = tpu.memref_slice %arg2[%add3A_25, %dma_start3A_29] : memref<16384x128xf32, #tpu.memory_space<hbm>> -> memref<32x128xf32, #tpu.memory_space<hbm>>
    %dma_start3A_31 = arith.constant 0 : i32
    %dma_start3A_32 = arith.constant 0 : i32
    %dma_start3A_33 = tpu.memref_slice %arg6[%dma_start3A_31, %dma_start3A_32] : memref<32x1024xf32, #tpu.memory_space<vmem>> -> memref<32x128xf32, #tpu.memory_space<vmem>>
    %dma_start3A_34 = arith.constant 0 : i32
    %dma_start3A_35 = tpu.memref_slice %arg2[%add3A_25, %dma_start3A_34] : memref<16384x128xf32, #tpu.memory_space<hbm>> -> memref<32x128xf32, #tpu.memory_space<hbm>>
    tpu.enqueue_dma source(%dma_start3A_35 : memref<32x128xf32, #tpu.memory_space<hbm>>) target(%dma_start3A_33 : memref<32x128xf32, #tpu.memory_space<vmem>>) target_semaphore(%arg9 : memref<!tpu.dma_semaphore, #tpu.memory_space<semaphore_mem>>)
    %dma_start3A_36 = arith.constant 0 : i32
    %dma_start3A_37 = arith.constant 128 : i32
    %dma_start3A_38 = tpu.memref_slice %arg6[%dma_start3A_36, %dma_start3A_37] : memref<32x1024xf32, #tpu.memory_space<vmem>> -> memref<32x896xf32, #tpu.memory_space<vmem>>
    %dma_start3A_39 = arith.constant 128 : i32
    %dma_start3A_40 = tpu.memref_slice %arg3[%add3A_25, %dma_start3A_39] : memref<16384x1024xf32, #tpu.memory_space<hbm>> -> memref<32x896xf32, #tpu.memory_space<hbm>>
    %dma_start3A_41 = arith.constant 0 : i32
    %dma_start3A_42 = arith.constant 128 : i32
    %dma_start3A_43 = tpu.memref_slice %arg6[%dma_start3A_41, %dma_start3A_42] : memref<32x1024xf32, #tpu.memory_space<vmem>> -> memref<32x896xf32, #tpu.memory_space<vmem>>
    %dma_start3A_44 = arith.constant 128 : i32
    %dma_start3A_45 = tpu.memref_slice %arg3[%add3A_25, %dma_start3A_44] : memref<16384x1024xf32, #tpu.memory_space<hbm>> -> memref<32x896xf32, #tpu.memory_space<hbm>>
    tpu.enqueue_dma source(%dma_start3A_45 : memref<32x896xf32, #tpu.memory_space<hbm>>) target(%dma_start3A_43 : memref<32x896xf32, #tpu.memory_space<vmem>>) target_semaphore(%arg9 : memref<!tpu.dma_semaphore, #tpu.memory_space<semaphore_mem>>)
    %add3A_46 = arith.constant 64 : i32
    %add3A_47 = arith.addi %mul3A_2, %add3A_46 : i32
    %dma_start3A_48 = arith.constant 0 : i32
    %dma_start3A_49 = arith.constant 0 : i32
    %dma_start3A_50 = tpu.memref_slice %arg7[%dma_start3A_48, %dma_start3A_49] : memref<32x1024xf32, #tpu.memory_space<vmem>> -> memref<32x128xf32, #tpu.memory_space<vmem>>
    %dma_start3A_51 = arith.constant 0 : i32
    %dma_start3A_52 = tpu.memref_slice %arg2[%add3A_47, %dma_start3A_51] : memref<16384x128xf32, #tpu.memory_space<hbm>> -> memref<32x128xf32, #tpu.memory_space<hbm>>
    %dma_start3A_53 = arith.constant 0 : i32
    %dma_start3A_54 = arith.constant 0 : i32
    %dma_start3A_55 = tpu.memref_slice %arg7[%dma_start3A_53, %dma_start3A_54] : memref<32x1024xf32, #tpu.memory_space<vmem>> -> memref<32x128xf32, #tpu.memory_space<vmem>>
    %dma_start3A_56 = arith.constant 0 : i32
    %dma_start3A_57 = tpu.memref_slice %arg2[%add3A_47, %dma_start3A_56] : memref<16384x128xf32, #tpu.memory_space<hbm>> -> memref<32x128xf32, #tpu.memory_space<hbm>>
    tpu.enqueue_dma source(%dma_start3A_57 : memref<32x128xf32, #tpu.memory_space<hbm>>) target(%dma_start3A_55 : memref<32x128xf32, #tpu.memory_space<vmem>>) target_semaphore(%arg10 : memref<!tpu.dma_semaphore, #tpu.memory_space<semaphore_mem>>)
    %dma_start3A_58 = arith.constant 0 : i32
    %dma_start3A_59 = arith.constant 128 : i32
    %dma_start3A_60 = tpu.memref_slice %arg7[%dma_start3A_58, %dma_start3A_59] : memref<32x1024xf32, #tpu.memory_space<vmem>> -> memref<32x896xf32, #tpu.memory_space<vmem>>
    %dma_start3A_61 = arith.constant 128 : i32
    %dma_start3A_62 = tpu.memref_slice %arg3[%add3A_47, %dma_start3A_61] : memref<16384x1024xf32, #tpu.memory_space<hbm>> -> memref<32x896xf32, #tpu.memory_space<hbm>>
    %dma_start3A_63 = arith.constant 0 : i32
    %dma_start3A_64 = arith.constant 128 : i32
    %dma_start3A_65 = tpu.memref_slice %arg7[%dma_start3A_63, %dma_start3A_64] : memref<32x1024xf32, #tpu.memory_space<vmem>> -> memref<32x896xf32, #tpu.memory_space<vmem>>
    %dma_start3A_66 = arith.constant 128 : i32
    %dma_start3A_67 = tpu.memref_slice %arg3[%add3A_47, %dma_start3A_66] : memref<16384x1024xf32, #tpu.memory_space<hbm>> -> memref<32x896xf32, #tpu.memory_space<hbm>>
    tpu.enqueue_dma source(%dma_start3A_67 : memref<32x896xf32, #tpu.memory_space<hbm>>) target(%dma_start3A_65 : memref<32x896xf32, #tpu.memory_space<vmem>>) target_semaphore(%arg10 : memref<!tpu.dma_semaphore, #tpu.memory_space<semaphore_mem>>)
    %dma_wait3A = arith.constant 0 : i32
    %dma_wait3A_68 = arith.constant 0 : i32
    %dma_wait3A_69 = tpu.memref_slice %arg5[%dma_wait3A, %dma_wait3A_68] : memref<32x1024xf32, #tpu.memory_space<vmem>> -> memref<32x128xf32, #tpu.memory_space<vmem>>
    %dma_wait3A_70 = arith.constant 0 : i32
    %dma_wait3A_71 = tpu.memref_slice %arg2[%add3A_4, %dma_wait3A_70] : memref<16384x128xf32, #tpu.memory_space<hbm>> -> memref<32x128xf32, #tpu.memory_space<hbm>>
    %dma_wait3A_72 = arith.constant 0 : i32
    %dma_wait3A_73 = arith.constant 0 : i32
    %dma_wait3A_74 = tpu.memref_slice %arg5[%dma_wait3A_72, %dma_wait3A_73] : memref<32x1024xf32, #tpu.memory_space<vmem>> -> memref<32x128xf32, #tpu.memory_space<vmem>>
    %dma_wait3A_75 = arith.constant 0 : i32
    %dma_wait3A_76 = tpu.memref_slice %arg2[%add3A_4, %dma_wait3A_75] : memref<16384x128xf32, #tpu.memory_space<hbm>> -> memref<32x128xf32, #tpu.memory_space<hbm>>
    tpu.wait_dma2 semaphore(%arg8 : memref<!tpu.dma_semaphore, #tpu.memory_space<semaphore_mem>>) src(%dma_wait3A_76 : memref<32x128xf32, #tpu.memory_space<hbm>>) dst(%dma_wait3A_74 : memref<32x128xf32, #tpu.memory_space<vmem>>)
    %dma_wait3A_77 = arith.constant 0 : i32
    %dma_wait3A_78 = arith.constant 128 : i32
    %dma_wait3A_79 = tpu.memref_slice %arg5[%dma_wait3A_77, %dma_wait3A_78] : memref<32x1024xf32, #tpu.memory_space<vmem>> -> memref<32x896xf32, #tpu.memory_space<vmem>>
    %dma_wait3A_80 = arith.constant 128 : i32
    %dma_wait3A_81 = tpu.memref_slice %arg3[%add3A_4, %dma_wait3A_80] : memref<16384x1024xf32, #tpu.memory_space<hbm>> -> memref<32x896xf32, #tpu.memory_space<hbm>>
    %dma_wait3A_82 = arith.constant 0 : i32
    %dma_wait3A_83 = arith.constant 128 : i32
    %dma_wait3A_84 = tpu.memref_slice %arg5[%dma_wait3A_82, %dma_wait3A_83] : memref<32x1024xf32, #tpu.memory_space<vmem>> -> memref<32x896xf32, #tpu.memory_space<vmem>>
    %dma_wait3A_85 = arith.constant 128 : i32
    %dma_wait3A_86 = tpu.memref_slice %arg3[%add3A_4, %dma_wait3A_85] : memref<16384x1024xf32, #tpu.memory_space<hbm>> -> memref<32x896xf32, #tpu.memory_space<hbm>>
    tpu.wait_dma2 semaphore(%arg8 : memref<!tpu.dma_semaphore, #tpu.memory_space<semaphore_mem>>) src(%dma_wait3A_86 : memref<32x896xf32, #tpu.memory_space<hbm>>) dst(%dma_wait3A_84 : memref<32x896xf32, #tpu.memory_space<vmem>>)
    %add3A_87 = arith.constant 0 : i32
    %add3A_88 = arith.addi %mul3A_2, %add3A_87 : i32
    %dma_start3A_89 = arith.constant 0 : i32
    %dma_start3A_90 = tpu.memref_slice %arg4[%add3A_88, %dma_start3A_89] : memref<16384x1024xf32, #tpu.memory_space<hbm>> -> memref<32x1024xf32, #tpu.memory_space<hbm>>
    %dma_start3A_91 = arith.constant 0 : i32
    %dma_start3A_92 = tpu.memref_slice %arg4[%add3A_88, %dma_start3A_91] : memref<16384x1024xf32, #tpu.memory_space<hbm>> -> memref<32x1024xf32, #tpu.memory_space<hbm>>
    tpu.enqueue_dma source(%arg5 : memref<32x1024xf32, #tpu.memory_space<vmem>>) target(%dma_start3A_92 : memref<32x1024xf32, #tpu.memory_space<hbm>>) target_semaphore(%arg11 : memref<!tpu.dma_semaphore, #tpu.memory_space<semaphore_mem>>)
    %dma_wait3A_93 = arith.constant 0 : i32
    %dma_wait3A_94 = tpu.memref_slice %arg4[%add3A_88, %dma_wait3A_93] : memref<16384x1024xf32, #tpu.memory_space<hbm>> -> memref<32x1024xf32, #tpu.memory_space<hbm>>
    %dma_wait3A_95 = arith.constant 0 : i32
    %dma_wait3A_96 = tpu.memref_slice %arg4[%add3A_88, %dma_wait3A_95] : memref<16384x1024xf32, #tpu.memory_space<hbm>> -> memref<32x1024xf32, #tpu.memory_space<hbm>>
    tpu.wait_dma2 semaphore(%arg11 : memref<!tpu.dma_semaphore, #tpu.memory_space<semaphore_mem>>) src(%arg5 : memref<32x1024xf32, #tpu.memory_space<vmem>>) dst(%dma_wait3A_96 : memref<32x1024xf32, #tpu.memory_space<hbm>>)
    %add3A_97 = arith.constant 96 : i32
    %add3A_98 = arith.addi %mul3A_2, %add3A_97 : i32
    %dma_start3A_99 = arith.constant 0 : i32
    %dma_start3A_100 = arith.constant 0 : i32
    %dma_start3A_101 = tpu.memref_slice %arg5[%dma_start3A_99, %dma_start3A_100] : memref<32x1024xf32, #tpu.memory_space<vmem>> -> memref<32x128xf32, #tpu.memory_space<vmem>>
    %dma_start3A_102 = arith.constant 0 : i32
    %dma_start3A_103 = tpu.memref_slice %arg2[%add3A_98, %dma_start3A_102] : memref<16384x128xf32, #tpu.memory_space<hbm>> -> memref<32x128xf32, #tpu.memory_space<hbm>>
    %dma_start3A_104 = arith.constant 0 : i32
    %dma_start3A_105 = arith.constant 0 : i32
    %dma_start3A_106 = tpu.memref_slice %arg5[%dma_start3A_104, %dma_start3A_105] : memref<32x1024xf32, #tpu.memory_space<vmem>> -> memref<32x128xf32, #tpu.memory_space<vmem>>
    %dma_start3A_107 = arith.constant 0 : i32
    %dma_start3A_108 = tpu.memref_slice %arg2[%add3A_98, %dma_start3A_107] : memref<16384x128xf32, #tpu.memory_space<hbm>> -> memref<32x128xf32, #tpu.memory_space<hbm>>
    tpu.enqueue_dma source(%dma_start3A_108 : memref<32x128xf32, #tpu.memory_space<hbm>>) target(%dma_start3A_106 : memref<32x128xf32, #tpu.memory_space<vmem>>) target_semaphore(%arg8 : memref<!tpu.dma_semaphore, #tpu.memory_space<semaphore_mem>>)
    %dma_start3A_109 = arith.constant 0 : i32
    %dma_start3A_110 = arith.constant 128 : i32
    %dma_start3A_111 = tpu.memref_slice %arg5[%dma_start3A_109, %dma_start3A_110] : memref<32x1024xf32, #tpu.memory_space<vmem>> -> memref<32x896xf32, #tpu.memory_space<vmem>>
    %dma_start3A_112 = arith.constant 128 : i32
    %dma_start3A_113 = tpu.memref_slice %arg3[%add3A_98, %dma_start3A_112] : memref<16384x1024xf32, #tpu.memory_space<hbm>> -> memref<32x896xf32, #tpu.memory_space<hbm>>
    %dma_start3A_114 = arith.constant 0 : i32
    %dma_start3A_115 = arith.constant 128 : i32
    %dma_start3A_116 = tpu.memref_slice %arg5[%dma_start3A_114, %dma_start3A_115] : memref<32x1024xf32, #tpu.memory_space<vmem>> -> memref<32x896xf32, #tpu.memory_space<vmem>>
    %dma_start3A_117 = arith.constant 128 : i32
    %dma_start3A_118 = tpu.memref_slice %arg3[%add3A_98, %dma_start3A_117] : memref<16384x1024xf32, #tpu.memory_space<hbm>> -> memref<32x896xf32, #tpu.memory_space<hbm>>
    tpu.enqueue_dma source(%dma_start3A_118 : memref<32x896xf32, #tpu.memory_space<hbm>>) target(%dma_start3A_116 : memref<32x896xf32, #tpu.memory_space<vmem>>) target_semaphore(%arg8 : memref<!tpu.dma_semaphore, #tpu.memory_space<semaphore_mem>>)
    %dma_wait3A_119 = arith.constant 0 : i32
    %dma_wait3A_120 = arith.constant 0 : i32
    %dma_wait3A_121 = tpu.memref_slice %arg6[%dma_wait3A_119, %dma_wait3A_120] : memref<32x1024xf32, #tpu.memory_space<vmem>> -> memref<32x128xf32, #tpu.memory_space<vmem>>
    %dma_wait3A_122 = arith.constant 0 : i32
    %dma_wait3A_123 = tpu.memref_slice %arg2[%add3A_25, %dma_wait3A_122] : memref<16384x128xf32, #tpu.memory_space<hbm>> -> memref<32x128xf32, #tpu.memory_space<hbm>>
    %dma_wait3A_124 = arith.constant 0 : i32
    %dma_wait3A_125 = arith.constant 0 : i32
    %dma_wait3A_126 = tpu.memref_slice %arg6[%dma_wait3A_124, %dma_wait3A_125] : memref<32x1024xf32, #tpu.memory_space<vmem>> -> memref<32x128xf32, #tpu.memory_space<vmem>>
    %dma_wait3A_127 = arith.constant 0 : i32
    %dma_wait3A_128 = tpu.memref_slice %arg2[%add3A_25, %dma_wait3A_127] : memref<16384x128xf32, #tpu.memory_space<hbm>> -> memref<32x128xf32, #tpu.memory_space<hbm>>
    tpu.wait_dma2 semaphore(%arg9 : memref<!tpu.dma_semaphore, #tpu.memory_space<semaphore_mem>>) src(%dma_wait3A_128 : memref<32x128xf32, #tpu.memory_space<hbm>>) dst(%dma_wait3A_126 : memref<32x128xf32, #tpu.memory_space<vmem>>)
    %dma_wait3A_129 = arith.constant 0 : i32
    %dma_wait3A_130 = arith.constant 128 : i32
    %dma_wait3A_131 = tpu.memref_slice %arg6[%dma_wait3A_129, %dma_wait3A_130] : memref<32x1024xf32, #tpu.memory_space<vmem>> -> memref<32x896xf32, #tpu.memory_space<vmem>>
    %dma_wait3A_132 = arith.constant 128 : i32
    %dma_wait3A_133 = tpu.memref_slice %arg3[%add3A_25, %dma_wait3A_132] : memref<16384x1024xf32, #tpu.memory_space<hbm>> -> memref<32x896xf32, #tpu.memory_space<hbm>>
    %dma_wait3A_134 = arith.constant 0 : i32
    %dma_wait3A_135 = arith.constant 128 : i32
    %dma_wait3A_136 = tpu.memref_slice %arg6[%dma_wait3A_134, %dma_wait3A_135] : memref<32x1024xf32, #tpu.memory_space<vmem>> -> memref<32x896xf32, #tpu.memory_space<vmem>>
    %dma_wait3A_137 = arith.constant 128 : i32
    %dma_wait3A_138 = tpu.memref_slice %arg3[%add3A_25, %dma_wait3A_137] : memref<16384x1024xf32, #tpu.memory_space<hbm>> -> memref<32x896xf32, #tpu.memory_space<hbm>>
    tpu.wait_dma2 semaphore(%arg9 : memref<!tpu.dma_semaphore, #tpu.memory_space<semaphore_mem>>) src(%dma_wait3A_138 : memref<32x896xf32, #tpu.memory_space<hbm>>) dst(%dma_wait3A_136 : memref<32x896xf32, #tpu.memory_space<vmem>>)
    %add3A_139 = arith.constant 32 : i32
    %add3A_140 = arith.addi %mul3A_2, %add3A_139 : i32
    %dma_start3A_141 = arith.constant 0 : i32
    %dma_start3A_142 = tpu.memref_slice %arg4[%add3A_140, %dma_start3A_141] : memref<16384x1024xf32, #tpu.memory_space<hbm>> -> memref<32x1024xf32, #tpu.memory_space<hbm>>
    %dma_start3A_143 = arith.constant 0 : i32
    %dma_start3A_144 = tpu.memref_slice %arg4[%add3A_140, %dma_start3A_143] : memref<16384x1024xf32, #tpu.memory_space<hbm>> -> memref<32x1024xf32, #tpu.memory_space<hbm>>
    tpu.enqueue_dma source(%arg6 : memref<32x1024xf32, #tpu.memory_space<vmem>>) target(%dma_start3A_144 : memref<32x1024xf32, #tpu.memory_space<hbm>>) target_semaphore(%arg12 : memref<!tpu.dma_semaphore, #tpu.memory_space<semaphore_mem>>)
    %dma_wait3A_145 = arith.constant 0 : i32
    %dma_wait3A_146 = tpu.memref_slice %arg4[%add3A_140, %dma_wait3A_145] : memref<16384x1024xf32, #tpu.memory_space<hbm>> -> memref<32x1024xf32, #tpu.memory_space<hbm>>
    %dma_wait3A_147 = arith.constant 0 : i32
    %dma_wait3A_148 = tpu.memref_slice %arg4[%add3A_140, %dma_wait3A_147] : memref<16384x1024xf32, #tpu.memory_space<hbm>> -> memref<32x1024xf32, #tpu.memory_space<hbm>>
    tpu.wait_dma2 semaphore(%arg12 : memref<!tpu.dma_semaphore, #tpu.memory_space<semaphore_mem>>) src(%arg6 : memref<32x1024xf32, #tpu.memory_space<vmem>>) dst(%dma_wait3A_148 : memref<32x1024xf32, #tpu.memory_space<hbm>>)
    %add3A_149 = arith.constant 128 : i32
    %add3A_150 = arith.addi %mul3A_2, %add3A_149 : i32
    %dma_start3A_151 = arith.constant 0 : i32
    %dma_start3A_152 = arith.constant 0 : i32
    %dma_start3A_153 = tpu.memref_slice %arg6[%dma_start3A_151, %dma_start3A_152] : memref<32x1024xf32, #tpu.memory_space<vmem>> -> memref<32x128xf32, #tpu.memory_space<vmem>>
    %dma_start3A_154 = arith.constant 0 : i32
    %dma_start3A_155 = tpu.memref_slice %arg2[%add3A_150, %dma_start3A_154] : memref<16384x128xf32, #tpu.memory_space<hbm>> -> memref<32x128xf32, #tpu.memory_space<hbm>>
    %dma_start3A_156 = arith.constant 0 : i32
    %dma_start3A_157 = arith.constant 0 : i32
    %dma_start3A_158 = tpu.memref_slice %arg6[%dma_start3A_156, %dma_start3A_157] : memref<32x1024xf32, #tpu.memory_space<vmem>> -> memref<32x128xf32, #tpu.memory_space<vmem>>
    %dma_start3A_159 = arith.constant 0 : i32
    %dma_start3A_160 = tpu.memref_slice %arg2[%add3A_150, %dma_start3A_159] : memref<16384x128xf32, #tpu.memory_space<hbm>> -> memref<32x128xf32, #tpu.memory_space<hbm>>
    tpu.enqueue_dma source(%dma_start3A_160 : memref<32x128xf32, #tpu.memory_space<hbm>>) target(%dma_start3A_158 : memref<32x128xf32, #tpu.memory_space<vmem>>) target_semaphore(%arg9 : memref<!tpu.dma_semaphore, #tpu.memory_space<semaphore_mem>>)
    %dma_start3A_161 = arith.constant 0 : i32
    %dma_start3A_162 = arith.constant 128 : i32
    %dma_start3A_163 = tpu.memref_slice %arg6[%dma_start3A_161, %dma_start3A_162] : memref<32x1024xf32, #tpu.memory_space<vmem>> -> memref<32x896xf32, #tpu.memory_space<vmem>>
    %dma_start3A_164 = arith.constant 128 : i32
    %dma_start3A_165 = tpu.memref_slice %arg3[%add3A_150, %dma_start3A_164] : memref<16384x1024xf32, #tpu.memory_space<hbm>> -> memref<32x896xf32, #tpu.memory_space<hbm>>
    %dma_start3A_166 = arith.constant 0 : i32
    %dma_start3A_167 = arith.constant 128 : i32
    %dma_start3A_168 = tpu.memref_slice %arg6[%dma_start3A_166, %dma_start3A_167] : memref<32x1024xf32, #tpu.memory_space<vmem>> -> memref<32x896xf32, #tpu.memory_space<vmem>>
    %dma_start3A_169 = arith.constant 128 : i32
    %dma_start3A_170 = tpu.memref_slice %arg3[%add3A_150, %dma_start3A_169] : memref<16384x1024xf32, #tpu.memory_space<hbm>> -> memref<32x896xf32, #tpu.memory_space<hbm>>
    tpu.enqueue_dma source(%dma_start3A_170 : memref<32x896xf32, #tpu.memory_space<hbm>>) target(%dma_start3A_168 : memref<32x896xf32, #tpu.memory_space<vmem>>) target_semaphore(%arg9 : memref<!tpu.dma_semaphore, #tpu.memory_space<semaphore_mem>>)
    %dma_wait3A_171 = arith.constant 0 : i32
    %dma_wait3A_172 = arith.constant 0 : i32
    %dma_wait3A_173 = tpu.memref_slice %arg7[%dma_wait3A_171, %dma_wait3A_172] : memref<32x1024xf32, #tpu.memory_space<vmem>> -> memref<32x128xf32, #tpu.memory_space<vmem>>
    %dma_wait3A_174 = arith.constant 0 : i32
    %dma_wait3A_175 = tpu.memref_slice %arg2[%add3A_47, %dma_wait3A_174] : memref<16384x128xf32, #tpu.memory_space<hbm>> -> memref<32x128xf32, #tpu.memory_space<hbm>>
    %dma_wait3A_176 = arith.constant 0 : i32
    %dma_wait3A_177 = arith.constant 0 : i32
    %dma_wait3A_178 = tpu.memref_slice %arg7[%dma_wait3A_176, %dma_wait3A_177] : memref<32x1024xf32, #tpu.memory_space<vmem>> -> memref<32x128xf32, #tpu.memory_space<vmem>>
    %dma_wait3A_179 = arith.constant 0 : i32
    %dma_wait3A_180 = tpu.memref_slice %arg2[%add3A_47, %dma_wait3A_179] : memref<16384x128xf32, #tpu.memory_space<hbm>> -> memref<32x128xf32, #tpu.memory_space<hbm>>
    tpu.wait_dma2 semaphore(%arg10 : memref<!tpu.dma_semaphore, #tpu.memory_space<semaphore_mem>>) src(%dma_wait3A_180 : memref<32x128xf32, #tpu.memory_space<hbm>>) dst(%dma_wait3A_178 : memref<32x128xf32, #tpu.memory_space<vmem>>)
    %dma_wait3A_181 = arith.constant 0 : i32
    %dma_wait3A_182 = arith.constant 128 : i32
    %dma_wait3A_183 = tpu.memref_slice %arg7[%dma_wait3A_181, %dma_wait3A_182] : memref<32x1024xf32, #tpu.memory_space<vmem>> -> memref<32x896xf32, #tpu.memory_space<vmem>>
    %dma_wait3A_184 = arith.constant 128 : i32
    %dma_wait3A_185 = tpu.memref_slice %arg3[%add3A_47, %dma_wait3A_184] : memref<16384x1024xf32, #tpu.memory_space<hbm>> -> memref<32x896xf32, #tpu.memory_space<hbm>>
    %dma_wait3A_186 = arith.constant 0 : i32
    %dma_wait3A_187 = arith.constant 128 : i32
    %dma_wait3A_188 = tpu.memref_slice %arg7[%dma_wait3A_186, %dma_wait3A_187] : memref<32x1024xf32, #tpu.memory_space<vmem>> -> memref<32x896xf32, #tpu.memory_space<vmem>>
    %dma_wait3A_189 = arith.constant 128 : i32
    %dma_wait3A_190 = tpu.memref_slice %arg3[%add3A_47, %dma_wait3A_189] : memref<16384x1024xf32, #tpu.memory_space<hbm>> -> memref<32x896xf32, #tpu.memory_space<hbm>>
    tpu.wait_dma2 semaphore(%arg10 : memref<!tpu.dma_semaphore, #tpu.memory_space<semaphore_mem>>) src(%dma_wait3A_190 : memref<32x896xf32, #tpu.memory_space<hbm>>) dst(%dma_wait3A_188 : memref<32x896xf32, #tpu.memory_space<vmem>>)
    %add3A_191 = arith.constant 64 : i32
    %add3A_192 = arith.addi %mul3A_2, %add3A_191 : i32
    %dma_start3A_193 = arith.constant 0 : i32
    %dma_start3A_194 = tpu.memref_slice %arg4[%add3A_192, %dma_start3A_193] : memref<16384x1024xf32, #tpu.memory_space<hbm>> -> memref<32x1024xf32, #tpu.memory_space<hbm>>
    %dma_start3A_195 = arith.constant 0 : i32
    %dma_start3A_196 = tpu.memref_slice %arg4[%add3A_192, %dma_start3A_195] : memref<16384x1024xf32, #tpu.memory_space<hbm>> -> memref<32x1024xf32, #tpu.memory_space<hbm>>
    tpu.enqueue_dma source(%arg7 : memref<32x1024xf32, #tpu.memory_space<vmem>>) target(%dma_start3A_196 : memref<32x1024xf32, #tpu.memory_space<hbm>>) target_semaphore(%arg13 : memref<!tpu.dma_semaphore, #tpu.memory_space<semaphore_mem>>)
    %dma_wait3A_197 = arith.constant 0 : i32
    %dma_wait3A_198 = tpu.memref_slice %arg4[%add3A_192, %dma_wait3A_197] : memref<16384x1024xf32, #tpu.memory_space<hbm>> -> memref<32x1024xf32, #tpu.memory_space<hbm>>
    %dma_wait3A_199 = arith.constant 0 : i32
    %dma_wait3A_200 = tpu.memref_slice %arg4[%add3A_192, %dma_wait3A_199] : memref<16384x1024xf32, #tpu.memory_space<hbm>> -> memref<32x1024xf32, #tpu.memory_space<hbm>>
    tpu.wait_dma2 semaphore(%arg13 : memref<!tpu.dma_semaphore, #tpu.memory_space<semaphore_mem>>) src(%arg7 : memref<32x1024xf32, #tpu.memory_space<vmem>>) dst(%dma_wait3A_200 : memref<32x1024xf32, #tpu.memory_space<hbm>>)
    %add3A_201 = arith.constant 160 : i32
    %add3A_202 = arith.addi %mul3A_2, %add3A_201 : i32
    %dma_start3A_203 = arith.constant 0 : i32
    %dma_start3A_204 = arith.constant 0 : i32
    %dma_start3A_205 = tpu.memref_slice %arg7[%dma_start3A_203, %dma_start3A_204] : memref<32x1024xf32, #tpu.memory_space<vmem>> -> memref<32x128xf32, #tpu.memory_space<vmem>>
    %dma_start3A_206 = arith.constant 0 : i32
    %dma_start3A_207 = tpu.memref_slice %arg2[%add3A_202, %dma_start3A_206] : memref<16384x128xf32, #tpu.memory_space<hbm>> -> memref<32x128xf32, #tpu.memory_space<hbm>>
    %dma_start3A_208 = arith.constant 0 : i32
    %dma_start3A_209 = arith.constant 0 : i32
    %dma_start3A_210 = tpu.memref_slice %arg7[%dma_start3A_208, %dma_start3A_209] : memref<32x1024xf32, #tpu.memory_space<vmem>> -> memref<32x128xf32, #tpu.memory_space<vmem>>
    %dma_start3A_211 = arith.constant 0 : i32
    %dma_start3A_212 = tpu.memref_slice %arg2[%add3A_202, %dma_start3A_211] : memref<16384x128xf32, #tpu.memory_space<hbm>> -> memref<32x128xf32, #tpu.memory_space<hbm>>
    tpu.enqueue_dma source(%dma_start3A_212 : memref<32x128xf32, #tpu.memory_space<hbm>>) target(%dma_start3A_210 : memref<32x128xf32, #tpu.memory_space<vmem>>) target_semaphore(%arg10 : memref<!tpu.dma_semaphore, #tpu.memory_space<semaphore_mem>>)
    %dma_start3A_213 = arith.constant 0 : i32
    %dma_start3A_214 = arith.constant 128 : i32
    %dma_start3A_215 = tpu.memref_slice %arg7[%dma_start3A_213, %dma_start3A_214] : memref<32x1024xf32, #tpu.memory_space<vmem>> -> memref<32x896xf32, #tpu.memory_space<vmem>>
    %dma_start3A_216 = arith.constant 128 : i32
    %dma_start3A_217 = tpu.memref_slice %arg3[%add3A_202, %dma_start3A_216] : memref<16384x1024xf32, #tpu.memory_space<hbm>> -> memref<32x896xf32, #tpu.memory_space<hbm>>
    %dma_start3A_218 = arith.constant 0 : i32
    %dma_start3A_219 = arith.constant 128 : i32
    %dma_start3A_220 = tpu.memref_slice %arg7[%dma_start3A_218, %dma_start3A_219] : memref<32x1024xf32, #tpu.memory_space<vmem>> -> memref<32x896xf32, #tpu.memory_space<vmem>>
    %dma_start3A_221 = arith.constant 128 : i32
    %dma_start3A_222 = tpu.memref_slice %arg3[%add3A_202, %dma_start3A_221] : memref<16384x1024xf32, #tpu.memory_space<hbm>> -> memref<32x896xf32, #tpu.memory_space<hbm>>
    tpu.enqueue_dma source(%dma_start3A_222 : memref<32x896xf32, #tpu.memory_space<hbm>>) target(%dma_start3A_220 : memref<32x896xf32, #tpu.memory_space<vmem>>) target_semaphore(%arg10 : memref<!tpu.dma_semaphore, #tpu.memory_space<semaphore_mem>>)
    %dma_wait3A_223 = arith.constant 0 : i32
    %dma_wait3A_224 = arith.constant 0 : i32
    %dma_wait3A_225 = tpu.memref_slice %arg5[%dma_wait3A_223, %dma_wait3A_224] : memref<32x1024xf32, #tpu.memory_space<vmem>> -> memref<32x128xf32, #tpu.memory_space<vmem>>
    %dma_wait3A_226 = arith.constant 0 : i32
    %dma_wait3A_227 = tpu.memref_slice %arg2[%add3A_98, %dma_wait3A_226] : memref<16384x128xf32, #tpu.memory_space<hbm>> -> memref<32x128xf32, #tpu.memory_space<hbm>>
    %dma_wait3A_228 = arith.constant 0 : i32
    %dma_wait3A_229 = arith.constant 0 : i32
    %dma_wait3A_230 = tpu.memref_slice %arg5[%dma_wait3A_228, %dma_wait3A_229] : memref<32x1024xf32, #tpu.memory_space<vmem>> -> memref<32x128xf32, #tpu.memory_space<vmem>>
    %dma_wait3A_231 = arith.constant 0 : i32
    %dma_wait3A_232 = tpu.memref_slice %arg2[%add3A_98, %dma_wait3A_231] : memref<16384x128xf32, #tpu.memory_space<hbm>> -> memref<32x128xf32, #tpu.memory_space<hbm>>
    tpu.wait_dma2 semaphore(%arg8 : memref<!tpu.dma_semaphore, #tpu.memory_space<semaphore_mem>>) src(%dma_wait3A_232 : memref<32x128xf32, #tpu.memory_space<hbm>>) dst(%dma_wait3A_230 : memref<32x128xf32, #tpu.memory_space<vmem>>)
    %dma_wait3A_233 = arith.constant 0 : i32
    %dma_wait3A_234 = arith.constant 128 : i32
    %dma_wait3A_235 = tpu.memref_slice %arg5[%dma_wait3A_233, %dma_wait3A_234] : memref<32x1024xf32, #tpu.memory_space<vmem>> -> memref<32x896xf32, #tpu.memory_space<vmem>>
    %dma_wait3A_236 = arith.constant 128 : i32
    %dma_wait3A_237 = tpu.memref_slice %arg3[%add3A_98, %dma_wait3A_236] : memref<16384x1024xf32, #tpu.memory_space<hbm>> -> memref<32x896xf32, #tpu.memory_space<hbm>>
    %dma_wait3A_238 = arith.constant 0 : i32
    %dma_wait3A_239 = arith.constant 128 : i32
    %dma_wait3A_240 = tpu.memref_slice %arg5[%dma_wait3A_238, %dma_wait3A_239] : memref<32x1024xf32, #tpu.memory_space<vmem>> -> memref<32x896xf32, #tpu.memory_space<vmem>>
    %dma_wait3A_241 = arith.constant 128 : i32
    %dma_wait3A_242 = tpu.memref_slice %arg3[%add3A_98, %dma_wait3A_241] : memref<16384x1024xf32, #tpu.memory_space<hbm>> -> memref<32x896xf32, #tpu.memory_space<hbm>>
    tpu.wait_dma2 semaphore(%arg8 : memref<!tpu.dma_semaphore, #tpu.memory_space<semaphore_mem>>) src(%dma_wait3A_242 : memref<32x896xf32, #tpu.memory_space<hbm>>) dst(%dma_wait3A_240 : memref<32x896xf32, #tpu.memory_space<vmem>>)
    %add3A_243 = arith.constant 96 : i32
    %add3A_244 = arith.addi %mul3A_2, %add3A_243 : i32
    %dma_start3A_245 = arith.constant 0 : i32
    %dma_start3A_246 = tpu.memref_slice %arg4[%add3A_244, %dma_start3A_245] : memref<16384x1024xf32, #tpu.memory_space<hbm>> -> memref<32x1024xf32, #tpu.memory_space<hbm>>
    %dma_start3A_247 = arith.constant 0 : i32
    %dma_start3A_248 = tpu.memref_slice %arg4[%add3A_244, %dma_start3A_247] : memref<16384x1024xf32, #tpu.memory_space<hbm>> -> memref<32x1024xf32, #tpu.memory_space<hbm>>
    tpu.enqueue_dma source(%arg5 : memref<32x1024xf32, #tpu.memory_space<vmem>>) target(%dma_start3A_248 : memref<32x1024xf32, #tpu.memory_space<hbm>>) target_semaphore(%arg11 : memref<!tpu.dma_semaphore, #tpu.memory_space<semaphore_mem>>)
    %dma_wait3A_249 = arith.constant 0 : i32
    %dma_wait3A_250 = tpu.memref_slice %arg4[%add3A_244, %dma_wait3A_249] : memref<16384x1024xf32, #tpu.memory_space<hbm>> -> memref<32x1024xf32, #tpu.memory_space<hbm>>
    %dma_wait3A_251 = arith.constant 0 : i32
    %dma_wait3A_252 = tpu.memref_slice %arg4[%add3A_244, %dma_wait3A_251] : memref<16384x1024xf32, #tpu.memory_space<hbm>> -> memref<32x1024xf32, #tpu.memory_space<hbm>>
    tpu.wait_dma2 semaphore(%arg11 : memref<!tpu.dma_semaphore, #tpu.memory_space<semaphore_mem>>) src(%arg5 : memref<32x1024xf32, #tpu.memory_space<vmem>>) dst(%dma_wait3A_252 : memref<32x1024xf32, #tpu.memory_space<hbm>>)
    %add3A_253 = arith.constant 192 : i32
    %add3A_254 = arith.addi %mul3A_2, %add3A_253 : i32
    %dma_start3A_255 = arith.constant 0 : i32
    %dma_start3A_256 = arith.constant 0 : i32
    %dma_start3A_257 = tpu.memref_slice %arg5[%dma_start3A_255, %dma_start3A_256] : memref<32x1024xf32, #tpu.memory_space<vmem>> -> memref<32x128xf32, #tpu.memory_space<vmem>>
    %dma_start3A_258 = arith.constant 0 : i32
    %dma_start3A_259 = tpu.memref_slice %arg2[%add3A_254, %dma_start3A_258] : memref<16384x128xf32, #tpu.memory_space<hbm>> -> memref<32x128xf32, #tpu.memory_space<hbm>>
    %dma_start3A_260 = arith.constant 0 : i32
    %dma_start3A_261 = arith.constant 0 : i32
    %dma_start3A_262 = tpu.memref_slice %arg5[%dma_start3A_260, %dma_start3A_261] : memref<32x1024xf32, #tpu.memory_space<vmem>> -> memref<32x128xf32, #tpu.memory_space<vmem>>
    %dma_start3A_263 = arith.constant 0 : i32
    %dma_start3A_264 = tpu.memref_slice %arg2[%add3A_254, %dma_start3A_263] : memref<16384x128xf32, #tpu.memory_space<hbm>> -> memref<32x128xf32, #tpu.memory_space<hbm>>
    tpu.enqueue_dma source(%dma_start3A_264 : memref<32x128xf32, #tpu.memory_space<hbm>>) target(%dma_start3A_262 : memref<32x128xf32, #tpu.memory_space<vmem>>) target_semaphore(%arg8 : memref<!tpu.dma_semaphore, #tpu.memory_space<semaphore_mem>>)
    %dma_start3A_265 = arith.constant 0 : i32
    %dma_start3A_266 = arith.constant 128 : i32
    %dma_start3A_267 = tpu.memref_slice %arg5[%dma_start3A_265, %dma_start3A_266] : memref<32x1024xf32, #tpu.memory_space<vmem>> -> memref<32x896xf32, #tpu.memory_space<vmem>>
    %dma_start3A_268 = arith.constant 128 : i32
    %dma_start3A_269 = tpu.memref_slice %arg3[%add3A_254, %dma_start3A_268] : memref<16384x1024xf32, #tpu.memory_space<hbm>> -> memref<32x896xf32, #tpu.memory_space<hbm>>
    %dma_start3A_270 = arith.constant 0 : i32
    %dma_start3A_271 = arith.constant 128 : i32
    %dma_start3A_272 = tpu.memref_slice %arg5[%dma_start3A_270, %dma_start3A_271] : memref<32x1024xf32, #tpu.memory_space<vmem>> -> memref<32x896xf32, #tpu.memory_space<vmem>>
    %dma_start3A_273 = arith.constant 128 : i32
    %dma_start3A_274 = tpu.memref_slice %arg3[%add3A_254, %dma_start3A_273] : memref<16384x1024xf32, #tpu.memory_space<hbm>> -> memref<32x896xf32, #tpu.memory_space<hbm>>
    tpu.enqueue_dma source(%dma_start3A_274 : memref<32x896xf32, #tpu.memory_space<hbm>>) target(%dma_start3A_272 : memref<32x896xf32, #tpu.memory_space<vmem>>) target_semaphore(%arg8 : memref<!tpu.dma_semaphore, #tpu.memory_space<semaphore_mem>>)
    %dma_wait3A_275 = arith.constant 0 : i32
    %dma_wait3A_276 = arith.constant 0 : i32
    %dma_wait3A_277 = tpu.memref_slice %arg6[%dma_wait3A_275, %dma_wait3A_276] : memref<32x1024xf32, #tpu.memory_space<vmem>> -> memref<32x128xf32, #tpu.memory_space<vmem>>
    %dma_wait3A_278 = arith.constant 0 : i32
    %dma_wait3A_279 = tpu.memref_slice %arg2[%add3A_150, %dma_wait3A_278] : memref<16384x128xf32, #tpu.memory_space<hbm>> -> memref<32x128xf32, #tpu.memory_space<hbm>>
    %dma_wait3A_280 = arith.constant 0 : i32
    %dma_wait3A_281 = arith.constant 0 : i32
    %dma_wait3A_282 = tpu.memref_slice %arg6[%dma_wait3A_280, %dma_wait3A_281] : memref<32x1024xf32, #tpu.memory_space<vmem>> -> memref<32x128xf32, #tpu.memory_space<vmem>>
    %dma_wait3A_283 = arith.constant 0 : i32
    %dma_wait3A_284 = tpu.memref_slice %arg2[%add3A_150, %dma_wait3A_283] : memref<16384x128xf32, #tpu.memory_space<hbm>> -> memref<32x128xf32, #tpu.memory_space<hbm>>
    tpu.wait_dma2 semaphore(%arg9 : memref<!tpu.dma_semaphore, #tpu.memory_space<semaphore_mem>>) src(%dma_wait3A_284 : memref<32x128xf32, #tpu.memory_space<hbm>>) dst(%dma_wait3A_282 : memref<32x128xf32, #tpu.memory_space<vmem>>)
    %dma_wait3A_285 = arith.constant 0 : i32
    %dma_wait3A_286 = arith.constant 128 : i32
    %dma_wait3A_287 = tpu.memref_slice %arg6[%dma_wait3A_285, %dma_wait3A_286] : memref<32x1024xf32, #tpu.memory_space<vmem>> -> memref<32x896xf32, #tpu.memory_space<vmem>>
    %dma_wait3A_288 = arith.constant 128 : i32
    %dma_wait3A_289 = tpu.memref_slice %arg3[%add3A_150, %dma_wait3A_288] : memref<16384x1024xf32, #tpu.memory_space<hbm>> -> memref<32x896xf32, #tpu.memory_space<hbm>>
    %dma_wait3A_290 = arith.constant 0 : i32
    %dma_wait3A_291 = arith.constant 128 : i32
    %dma_wait3A_292 = tpu.memref_slice %arg6[%dma_wait3A_290, %dma_wait3A_291] : memref<32x1024xf32, #tpu.memory_space<vmem>> -> memref<32x896xf32, #tpu.memory_space<vmem>>
    %dma_wait3A_293 = arith.constant 128 : i32
    %dma_wait3A_294 = tpu.memref_slice %arg3[%add3A_150, %dma_wait3A_293] : memref<16384x1024xf32, #tpu.memory_space<hbm>> -> memref<32x896xf32, #tpu.memory_space<hbm>>
    tpu.wait_dma2 semaphore(%arg9 : memref<!tpu.dma_semaphore, #tpu.memory_space<semaphore_mem>>) src(%dma_wait3A_294 : memref<32x896xf32, #tpu.memory_space<hbm>>) dst(%dma_wait3A_292 : memref<32x896xf32, #tpu.memory_space<vmem>>)
    %add3A_295 = arith.constant 128 : i32
    %add3A_296 = arith.addi %mul3A_2, %add3A_295 : i32
    %dma_start3A_297 = arith.constant 0 : i32
    %dma_start3A_298 = tpu.memref_slice %arg4[%add3A_296, %dma_start3A_297] : memref<16384x1024xf32, #tpu.memory_space<hbm>> -> memref<32x1024xf32, #tpu.memory_space<hbm>>
    %dma_start3A_299 = arith.constant 0 : i32
    %dma_start3A_300 = tpu.memref_slice %arg4[%add3A_296, %dma_start3A_299] : memref<16384x1024xf32, #tpu.memory_space<hbm>> -> memref<32x1024xf32, #tpu.memory_space<hbm>>
    tpu.enqueue_dma source(%arg6 : memref<32x1024xf32, #tpu.memory_space<vmem>>) target(%dma_start3A_300 : memref<32x1024xf32, #tpu.memory_space<hbm>>) target_semaphore(%arg12 : memref<!tpu.dma_semaphore, #tpu.memory_space<semaphore_mem>>)
    %dma_wait3A_301 = arith.constant 0 : i32
    %dma_wait3A_302 = tpu.memref_slice %arg4[%add3A_296, %dma_wait3A_301] : memref<16384x1024xf32, #tpu.memory_space<hbm>> -> memref<32x1024xf32, #tpu.memory_space<hbm>>
    %dma_wait3A_303 = arith.constant 0 : i32
    %dma_wait3A_304 = tpu.memref_slice %arg4[%add3A_296, %dma_wait3A_303] : memref<16384x1024xf32, #tpu.memory_space<hbm>> -> memref<32x1024xf32, #tpu.memory_space<hbm>>
    tpu.wait_dma2 semaphore(%arg12 : memref<!tpu.dma_semaphore, #tpu.memory_space<semaphore_mem>>) src(%arg6 : memref<32x1024xf32, #tpu.memory_space<vmem>>) dst(%dma_wait3A_304 : memref<32x1024xf32, #tpu.memory_space<hbm>>)
    %add3A_305 = arith.constant 224 : i32
    %add3A_306 = arith.addi %mul3A_2, %add3A_305 : i32
    %dma_start3A_307 = arith.constant 0 : i32
    %dma_start3A_308 = arith.constant 0 : i32
    %dma_start3A_309 = tpu.memref_slice %arg6[%dma_start3A_307, %dma_start3A_308] : memref<32x1024xf32, #tpu.memory_space<vmem>> -> memref<32x128xf32, #tpu.memory_space<vmem>>
    %dma_start3A_310 = arith.constant 0 : i32
    %dma_start3A_311 = tpu.memref_slice %arg2[%add3A_306, %dma_start3A_310] : memref<16384x128xf32, #tpu.memory_space<hbm>> -> memref<32x128xf32, #tpu.memory_space<hbm>>
    %dma_start3A_312 = arith.constant 0 : i32
    %dma_start3A_313 = arith.constant 0 : i32
    %dma_start3A_314 = tpu.memref_slice %arg6[%dma_start3A_312, %dma_start3A_313] : memref<32x1024xf32, #tpu.memory_space<vmem>> -> memref<32x128xf32, #tpu.memory_space<vmem>>
    %dma_start3A_315 = arith.constant 0 : i32
    %dma_start3A_316 = tpu.memref_slice %arg2[%add3A_306, %dma_start3A_315] : memref<16384x128xf32, #tpu.memory_space<hbm>> -> memref<32x128xf32, #tpu.memory_space<hbm>>
    tpu.enqueue_dma source(%dma_start3A_316 : memref<32x128xf32, #tpu.memory_space<hbm>>) target(%dma_start3A_314 : memref<32x128xf32, #tpu.memory_space<vmem>>) target_semaphore(%arg9 : memref<!tpu.dma_semaphore, #tpu.memory_space<semaphore_mem>>)
    %dma_start3A_317 = arith.constant 0 : i32
    %dma_start3A_318 = arith.constant 128 : i32
    %dma_start3A_319 = tpu.memref_slice %arg6[%dma_start3A_317, %dma_start3A_318] : memref<32x1024xf32, #tpu.memory_space<vmem>> -> memref<32x896xf32, #tpu.memory_space<vmem>>
    %dma_start3A_320 = arith.constant 128 : i32
    %dma_start3A_321 = tpu.memref_slice %arg3[%add3A_306, %dma_start3A_320] : memref<16384x1024xf32, #tpu.memory_space<hbm>> -> memref<32x896xf32, #tpu.memory_space<hbm>>
    %dma_start3A_322 = arith.constant 0 : i32
    %dma_start3A_323 = arith.constant 128 : i32
    %dma_start3A_324 = tpu.memref_slice %arg6[%dma_start3A_322, %dma_start3A_323] : memref<32x1024xf32, #tpu.memory_space<vmem>> -> memref<32x896xf32, #tpu.memory_space<vmem>>
    %dma_start3A_325 = arith.constant 128 : i32
    %dma_start3A_326 = tpu.memref_slice %arg3[%add3A_306, %dma_start3A_325] : memref<16384x1024xf32, #tpu.memory_space<hbm>> -> memref<32x896xf32, #tpu.memory_space<hbm>>
    tpu.enqueue_dma source(%dma_start3A_326 : memref<32x896xf32, #tpu.memory_space<hbm>>) target(%dma_start3A_324 : memref<32x896xf32, #tpu.memory_space<vmem>>) target_semaphore(%arg9 : memref<!tpu.dma_semaphore, #tpu.memory_space<semaphore_mem>>)
    %dma_wait3A_327 = arith.constant 0 : i32
    %dma_wait3A_328 = arith.constant 0 : i32
    %dma_wait3A_329 = tpu.memref_slice %arg7[%dma_wait3A_327, %dma_wait3A_328] : memref<32x1024xf32, #tpu.memory_space<vmem>> -> memref<32x128xf32, #tpu.memory_space<vmem>>
    %dma_wait3A_330 = arith.constant 0 : i32
    %dma_wait3A_331 = tpu.memref_slice %arg2[%add3A_202, %dma_wait3A_330] : memref<16384x128xf32, #tpu.memory_space<hbm>> -> memref<32x128xf32, #tpu.memory_space<hbm>>
    %dma_wait3A_332 = arith.constant 0 : i32
    %dma_wait3A_333 = arith.constant 0 : i32
    %dma_wait3A_334 = tpu.memref_slice %arg7[%dma_wait3A_332, %dma_wait3A_333] : memref<32x1024xf32, #tpu.memory_space<vmem>> -> memref<32x128xf32, #tpu.memory_space<vmem>>
    %dma_wait3A_335 = arith.constant 0 : i32
    %dma_wait3A_336 = tpu.memref_slice %arg2[%add3A_202, %dma_wait3A_335] : memref<16384x128xf32, #tpu.memory_space<hbm>> -> memref<32x128xf32, #tpu.memory_space<hbm>>
    tpu.wait_dma2 semaphore(%arg10 : memref<!tpu.dma_semaphore, #tpu.memory_space<semaphore_mem>>) src(%dma_wait3A_336 : memref<32x128xf32, #tpu.memory_space<hbm>>) dst(%dma_wait3A_334 : memref<32x128xf32, #tpu.memory_space<vmem>>)
    %dma_wait3A_337 = arith.constant 0 : i32
    %dma_wait3A_338 = arith.constant 128 : i32
    %dma_wait3A_339 = tpu.memref_slice %arg7[%dma_wait3A_337, %dma_wait3A_338] : memref<32x1024xf32, #tpu.memory_space<vmem>> -> memref<32x896xf32, #tpu.memory_space<vmem>>
    %dma_wait3A_340 = arith.constant 128 : i32
    %dma_wait3A_341 = tpu.memref_slice %arg3[%add3A_202, %dma_wait3A_340] : memref<16384x1024xf32, #tpu.memory_space<hbm>> -> memref<32x896xf32, #tpu.memory_space<hbm>>
    %dma_wait3A_342 = arith.constant 0 : i32
    %dma_wait3A_343 = arith.constant 128 : i32
    %dma_wait3A_344 = tpu.memref_slice %arg7[%dma_wait3A_342, %dma_wait3A_343] : memref<32x1024xf32, #tpu.memory_space<vmem>> -> memref<32x896xf32, #tpu.memory_space<vmem>>
    %dma_wait3A_345 = arith.constant 128 : i32
    %dma_wait3A_346 = tpu.memref_slice %arg3[%add3A_202, %dma_wait3A_345] : memref<16384x1024xf32, #tpu.memory_space<hbm>> -> memref<32x896xf32, #tpu.memory_space<hbm>>
    tpu.wait_dma2 semaphore(%arg10 : memref<!tpu.dma_semaphore, #tpu.memory_space<semaphore_mem>>) src(%dma_wait3A_346 : memref<32x896xf32, #tpu.memory_space<hbm>>) dst(%dma_wait3A_344 : memref<32x896xf32, #tpu.memory_space<vmem>>)
    %add3A_347 = arith.constant 160 : i32
    %add3A_348 = arith.addi %mul3A_2, %add3A_347 : i32
    %dma_start3A_349 = arith.constant 0 : i32
    %dma_start3A_350 = tpu.memref_slice %arg4[%add3A_348, %dma_start3A_349] : memref<16384x1024xf32, #tpu.memory_space<hbm>> -> memref<32x1024xf32, #tpu.memory_space<hbm>>
    %dma_start3A_351 = arith.constant 0 : i32
    %dma_start3A_352 = tpu.memref_slice %arg4[%add3A_348, %dma_start3A_351] : memref<16384x1024xf32, #tpu.memory_space<hbm>> -> memref<32x1024xf32, #tpu.memory_space<hbm>>
    tpu.enqueue_dma source(%arg7 : memref<32x1024xf32, #tpu.memory_space<vmem>>) target(%dma_start3A_352 : memref<32x1024xf32, #tpu.memory_space<hbm>>) target_semaphore(%arg13 : memref<!tpu.dma_semaphore, #tpu.memory_space<semaphore_mem>>)
    %dma_wait3A_353 = arith.constant 0 : i32
    %dma_wait3A_354 = tpu.memref_slice %arg4[%add3A_348, %dma_wait3A_353] : memref<16384x1024xf32, #tpu.memory_space<hbm>> -> memref<32x1024xf32, #tpu.memory_space<hbm>>
    %dma_wait3A_355 = arith.constant 0 : i32
    %dma_wait3A_356 = tpu.memref_slice %arg4[%add3A_348, %dma_wait3A_355] : memref<16384x1024xf32, #tpu.memory_space<hbm>> -> memref<32x1024xf32, #tpu.memory_space<hbm>>
    tpu.wait_dma2 semaphore(%arg13 : memref<!tpu.dma_semaphore, #tpu.memory_space<semaphore_mem>>) src(%arg7 : memref<32x1024xf32, #tpu.memory_space<vmem>>) dst(%dma_wait3A_356 : memref<32x1024xf32, #tpu.memory_space<hbm>>)
    %add3A_357 = arith.constant 256 : i32
    %add3A_358 = arith.addi %mul3A_2, %add3A_357 : i32
    %dma_start3A_359 = arith.constant 0 : i32
    %dma_start3A_360 = arith.constant 0 : i32
    %dma_start3A_361 = tpu.memref_slice %arg7[%dma_start3A_359, %dma_start3A_360] : memref<32x1024xf32, #tpu.memory_space<vmem>> -> memref<32x128xf32, #tpu.memory_space<vmem>>
    %dma_start3A_362 = arith.constant 0 : i32
    %dma_start3A_363 = tpu.memref_slice %arg2[%add3A_358, %dma_start3A_362] : memref<16384x128xf32, #tpu.memory_space<hbm>> -> memref<32x128xf32, #tpu.memory_space<hbm>>
    %dma_start3A_364 = arith.constant 0 : i32
    %dma_start3A_365 = arith.constant 0 : i32
    %dma_start3A_366 = tpu.memref_slice %arg7[%dma_start3A_364, %dma_start3A_365] : memref<32x1024xf32, #tpu.memory_space<vmem>> -> memref<32x128xf32, #tpu.memory_space<vmem>>
    %dma_start3A_367 = arith.constant 0 : i32
    %dma_start3A_368 = tpu.memref_slice %arg2[%add3A_358, %dma_start3A_367] : memref<16384x128xf32, #tpu.memory_space<hbm>> -> memref<32x128xf32, #tpu.memory_space<hbm>>
    tpu.enqueue_dma source(%dma_start3A_368 : memref<32x128xf32, #tpu.memory_space<hbm>>) target(%dma_start3A_366 : memref<32x128xf32, #tpu.memory_space<vmem>>) target_semaphore(%arg10 : memref<!tpu.dma_semaphore, #tpu.memory_space<semaphore_mem>>)
    %dma_start3A_369 = arith.constant 0 : i32
    %dma_start3A_370 = arith.constant 128 : i32
    %dma_start3A_371 = tpu.memref_slice %arg7[%dma_start3A_369, %dma_start3A_370] : memref<32x1024xf32, #tpu.memory_space<vmem>> -> memref<32x896xf32, #tpu.memory_space<vmem>>
    %dma_start3A_372 = arith.constant 128 : i32
    %dma_start3A_373 = tpu.memref_slice %arg3[%add3A_358, %dma_start3A_372] : memref<16384x1024xf32, #tpu.memory_space<hbm>> -> memref<32x896xf32, #tpu.memory_space<hbm>>
    %dma_start3A_374 = arith.constant 0 : i32
    %dma_start3A_375 = arith.constant 128 : i32
    %dma_start3A_376 = tpu.memref_slice %arg7[%dma_start3A_374, %dma_start3A_375] : memref<32x1024xf32, #tpu.memory_space<vmem>> -> memref<32x896xf32, #tpu.memory_space<vmem>>
    %dma_start3A_377 = arith.constant 128 : i32
    %dma_start3A_378 = tpu.memref_slice %arg3[%add3A_358, %dma_start3A_377] : memref<16384x1024xf32, #tpu.memory_space<hbm>> -> memref<32x896xf32, #tpu.memory_space<hbm>>
    tpu.enqueue_dma source(%dma_start3A_378 : memref<32x896xf32, #tpu.memory_space<hbm>>) target(%dma_start3A_376 : memref<32x896xf32, #tpu.memory_space<vmem>>) target_semaphore(%arg10 : memref<!tpu.dma_semaphore, #tpu.memory_space<semaphore_mem>>)
    %dma_wait3A_379 = arith.constant 0 : i32
    %dma_wait3A_380 = arith.constant 0 : i32
    %dma_wait3A_381 = tpu.memref_slice %arg5[%dma_wait3A_379, %dma_wait3A_380] : memref<32x1024xf32, #tpu.memory_space<vmem>> -> memref<32x128xf32, #tpu.memory_space<vmem>>
    %dma_wait3A_382 = arith.constant 0 : i32
    %dma_wait3A_383 = tpu.memref_slice %arg2[%add3A_254, %dma_wait3A_382] : memref<16384x128xf32, #tpu.memory_space<hbm>> -> memref<32x128xf32, #tpu.memory_space<hbm>>
    %dma_wait3A_384 = arith.constant 0 : i32
    %dma_wait3A_385 = arith.constant 0 : i32
    %dma_wait3A_386 = tpu.memref_slice %arg5[%dma_wait3A_384, %dma_wait3A_385] : memref<32x1024xf32, #tpu.memory_space<vmem>> -> memref<32x128xf32, #tpu.memory_space<vmem>>
    %dma_wait3A_387 = arith.constant 0 : i32
    %dma_wait3A_388 = tpu.memref_slice %arg2[%add3A_254, %dma_wait3A_387] : memref<16384x128xf32, #tpu.memory_space<hbm>> -> memref<32x128xf32, #tpu.memory_space<hbm>>
    tpu.wait_dma2 semaphore(%arg8 : memref<!tpu.dma_semaphore, #tpu.memory_space<semaphore_mem>>) src(%dma_wait3A_388 : memref<32x128xf32, #tpu.memory_space<hbm>>) dst(%dma_wait3A_386 : memref<32x128xf32, #tpu.memory_space<vmem>>)
    %dma_wait3A_389 = arith.constant 0 : i32
    %dma_wait3A_390 = arith.constant 128 : i32
    %dma_wait3A_391 = tpu.memref_slice %arg5[%dma_wait3A_389, %dma_wait3A_390] : memref<32x1024xf32, #tpu.memory_space<vmem>> -> memref<32x896xf32, #tpu.memory_space<vmem>>
    %dma_wait3A_392 = arith.constant 128 : i32
    %dma_wait3A_393 = tpu.memref_slice %arg3[%add3A_254, %dma_wait3A_392] : memref<16384x1024xf32, #tpu.memory_space<hbm>> -> memref<32x896xf32, #tpu.memory_space<hbm>>
    %dma_wait3A_394 = arith.constant 0 : i32
    %dma_wait3A_395 = arith.constant 128 : i32
    %dma_wait3A_396 = tpu.memref_slice %arg5[%dma_wait3A_394, %dma_wait3A_395] : memref<32x1024xf32, #tpu.memory_space<vmem>> -> memref<32x896xf32, #tpu.memory_space<vmem>>
    %dma_wait3A_397 = arith.constant 128 : i32
    %dma_wait3A_398 = tpu.memref_slice %arg3[%add3A_254, %dma_wait3A_397] : memref<16384x1024xf32, #tpu.memory_space<hbm>> -> memref<32x896xf32, #tpu.memory_space<hbm>>
    tpu.wait_dma2 semaphore(%arg8 : memref<!tpu.dma_semaphore, #tpu.memory_space<semaphore_mem>>) src(%dma_wait3A_398 : memref<32x896xf32, #tpu.memory_space<hbm>>) dst(%dma_wait3A_396 : memref<32x896xf32, #tpu.memory_space<vmem>>)
    %add3A_399 = arith.constant 192 : i32
    %add3A_400 = arith.addi %mul3A_2, %add3A_399 : i32
    %dma_start3A_401 = arith.constant 0 : i32
    %dma_start3A_402 = tpu.memref_slice %arg4[%add3A_400, %dma_start3A_401] : memref<16384x1024xf32, #tpu.memory_space<hbm>> -> memref<32x1024xf32, #tpu.memory_space<hbm>>
    %dma_start3A_403 = arith.constant 0 : i32
    %dma_start3A_404 = tpu.memref_slice %arg4[%add3A_400, %dma_start3A_403] : memref<16384x1024xf32, #tpu.memory_space<hbm>> -> memref<32x1024xf32, #tpu.memory_space<hbm>>
    tpu.enqueue_dma source(%arg5 : memref<32x1024xf32, #tpu.memory_space<vmem>>) target(%dma_start3A_404 : memref<32x1024xf32, #tpu.memory_space<hbm>>) target_semaphore(%arg11 : memref<!tpu.dma_semaphore, #tpu.memory_space<semaphore_mem>>)
    %dma_wait3A_405 = arith.constant 0 : i32
    %dma_wait3A_406 = tpu.memref_slice %arg4[%add3A_400, %dma_wait3A_405] : memref<16384x1024xf32, #tpu.memory_space<hbm>> -> memref<32x1024xf32, #tpu.memory_space<hbm>>
    %dma_wait3A_407 = arith.constant 0 : i32
    %dma_wait3A_408 = tpu.memref_slice %arg4[%add3A_400, %dma_wait3A_407] : memref<16384x1024xf32, #tpu.memory_space<hbm>> -> memref<32x1024xf32, #tpu.memory_space<hbm>>
    tpu.wait_dma2 semaphore(%arg11 : memref<!tpu.dma_semaphore, #tpu.memory_space<semaphore_mem>>) src(%arg5 : memref<32x1024xf32, #tpu.memory_space<vmem>>) dst(%dma_wait3A_408 : memref<32x1024xf32, #tpu.memory_space<hbm>>)
    %add3A_409 = arith.constant 288 : i32
    %add3A_410 = arith.addi %mul3A_2, %add3A_409 : i32
    %dma_start3A_411 = arith.constant 0 : i32
    %dma_start3A_412 = arith.constant 0 : i32
    %dma_start3A_413 = tpu.memref_slice %arg5[%dma_start3A_411, %dma_start3A_412] : memref<32x1024xf32, #tpu.memory_space<vmem>> -> memref<32x128xf32, #tpu.memory_space<vmem>>
    %dma_start3A_414 = arith.constant 0 : i32
    %dma_start3A_415 = tpu.memref_slice %arg2[%add3A_410, %dma_start3A_414] : memref<16384x128xf32, #tpu.memory_space<hbm>> -> memref<32x128xf32, #tpu.memory_space<hbm>>
    %dma_start3A_416 = arith.constant 0 : i32
    %dma_start3A_417 = arith.constant 0 : i32
    %dma_start3A_418 = tpu.memref_slice %arg5[%dma_start3A_416, %dma_start3A_417] : memref<32x1024xf32, #tpu.memory_space<vmem>> -> memref<32x128xf32, #tpu.memory_space<vmem>>
    %dma_start3A_419 = arith.constant 0 : i32
    %dma_start3A_420 = tpu.memref_slice %arg2[%add3A_410, %dma_start3A_419] : memref<16384x128xf32, #tpu.memory_space<hbm>> -> memref<32x128xf32, #tpu.memory_space<hbm>>
    tpu.enqueue_dma source(%dma_start3A_420 : memref<32x128xf32, #tpu.memory_space<hbm>>) target(%dma_start3A_418 : memref<32x128xf32, #tpu.memory_space<vmem>>) target_semaphore(%arg8 : memref<!tpu.dma_semaphore, #tpu.memory_space<semaphore_mem>>)
    %dma_start3A_421 = arith.constant 0 : i32
    %dma_start3A_422 = arith.constant 128 : i32
    %dma_start3A_423 = tpu.memref_slice %arg5[%dma_start3A_421, %dma_start3A_422] : memref<32x1024xf32, #tpu.memory_space<vmem>> -> memref<32x896xf32, #tpu.memory_space<vmem>>
    %dma_start3A_424 = arith.constant 128 : i32
    %dma_start3A_425 = tpu.memref_slice %arg3[%add3A_410, %dma_start3A_424] : memref<16384x1024xf32, #tpu.memory_space<hbm>> -> memref<32x896xf32, #tpu.memory_space<hbm>>
    %dma_start3A_426 = arith.constant 0 : i32
    %dma_start3A_427 = arith.constant 128 : i32
    %dma_start3A_428 = tpu.memref_slice %arg5[%dma_start3A_426, %dma_start3A_427] : memref<32x1024xf32, #tpu.memory_space<vmem>> -> memref<32x896xf32, #tpu.memory_space<vmem>>
    %dma_start3A_429 = arith.constant 128 : i32
    %dma_start3A_430 = tpu.memref_slice %arg3[%add3A_410, %dma_start3A_429] : memref<16384x1024xf32, #tpu.memory_space<hbm>> -> memref<32x896xf32, #tpu.memory_space<hbm>>
    tpu.enqueue_dma source(%dma_start3A_430 : memref<32x896xf32, #tpu.memory_space<hbm>>) target(%dma_start3A_428 : memref<32x896xf32, #tpu.memory_space<vmem>>) target_semaphore(%arg8 : memref<!tpu.dma_semaphore, #tpu.memory_space<semaphore_mem>>)
    %dma_wait3A_431 = arith.constant 0 : i32
    %dma_wait3A_432 = arith.constant 0 : i32
    %dma_wait3A_433 = tpu.memref_slice %arg6[%dma_wait3A_431, %dma_wait3A_432] : memref<32x1024xf32, #tpu.memory_space<vmem>> -> memref<32x128xf32, #tpu.memory_space<vmem>>
    %dma_wait3A_434 = arith.constant 0 : i32
    %dma_wait3A_435 = tpu.memref_slice %arg2[%add3A_306, %dma_wait3A_434] : memref<16384x128xf32, #tpu.memory_space<hbm>> -> memref<32x128xf32, #tpu.memory_space<hbm>>
    %dma_wait3A_436 = arith.constant 0 : i32
    %dma_wait3A_437 = arith.constant 0 : i32
    %dma_wait3A_438 = tpu.memref_slice %arg6[%dma_wait3A_436, %dma_wait3A_437] : memref<32x1024xf32, #tpu.memory_space<vmem>> -> memref<32x128xf32, #tpu.memory_space<vmem>>
    %dma_wait3A_439 = arith.constant 0 : i32
    %dma_wait3A_440 = tpu.memref_slice %arg2[%add3A_306, %dma_wait3A_439] : memref<16384x128xf32, #tpu.memory_space<hbm>> -> memref<32x128xf32, #tpu.memory_space<hbm>>
    tpu.wait_dma2 semaphore(%arg9 : memref<!tpu.dma_semaphore, #tpu.memory_space<semaphore_mem>>) src(%dma_wait3A_440 : memref<32x128xf32, #tpu.memory_space<hbm>>) dst(%dma_wait3A_438 : memref<32x128xf32, #tpu.memory_space<vmem>>)
    %dma_wait3A_441 = arith.constant 0 : i32
    %dma_wait3A_442 = arith.constant 128 : i32
    %dma_wait3A_443 = tpu.memref_slice %arg6[%dma_wait3A_441, %dma_wait3A_442] : memref<32x1024xf32, #tpu.memory_space<vmem>> -> memref<32x896xf32, #tpu.memory_space<vmem>>
    %dma_wait3A_444 = arith.constant 128 : i32
    %dma_wait3A_445 = tpu.memref_slice %arg3[%add3A_306, %dma_wait3A_444] : memref<16384x1024xf32, #tpu.memory_space<hbm>> -> memref<32x896xf32, #tpu.memory_space<hbm>>
    %dma_wait3A_446 = arith.constant 0 : i32
    %dma_wait3A_447 = arith.constant 128 : i32
    %dma_wait3A_448 = tpu.memref_slice %arg6[%dma_wait3A_446, %dma_wait3A_447] : memref<32x1024xf32, #tpu.memory_space<vmem>> -> memref<32x896xf32, #tpu.memory_space<vmem>>
    %dma_wait3A_449 = arith.constant 128 : i32
    %dma_wait3A_450 = tpu.memref_slice %arg3[%add3A_306, %dma_wait3A_449] : memref<16384x1024xf32, #tpu.memory_space<hbm>> -> memref<32x896xf32, #tpu.memory_space<hbm>>
    tpu.wait_dma2 semaphore(%arg9 : memref<!tpu.dma_semaphore, #tpu.memory_space<semaphore_mem>>) src(%dma_wait3A_450 : memref<32x896xf32, #tpu.memory_space<hbm>>) dst(%dma_wait3A_448 : memref<32x896xf32, #tpu.memory_space<vmem>>)
    %add3A_451 = arith.constant 224 : i32
    %add3A_452 = arith.addi %mul3A_2, %add3A_451 : i32
    %dma_start3A_453 = arith.constant 0 : i32
    %dma_start3A_454 = tpu.memref_slice %arg4[%add3A_452, %dma_start3A_453] : memref<16384x1024xf32, #tpu.memory_space<hbm>> -> memref<32x1024xf32, #tpu.memory_space<hbm>>
    %dma_start3A_455 = arith.constant 0 : i32
    %dma_start3A_456 = tpu.memref_slice %arg4[%add3A_452, %dma_start3A_455] : memref<16384x1024xf32, #tpu.memory_space<hbm>> -> memref<32x1024xf32, #tpu.memory_space<hbm>>
    tpu.enqueue_dma source(%arg6 : memref<32x1024xf32, #tpu.memory_space<vmem>>) target(%dma_start3A_456 : memref<32x1024xf32, #tpu.memory_space<hbm>>) target_semaphore(%arg12 : memref<!tpu.dma_semaphore, #tpu.memory_space<semaphore_mem>>)
    %dma_wait3A_457 = arith.constant 0 : i32
    %dma_wait3A_458 = tpu.memref_slice %arg4[%add3A_452, %dma_wait3A_457] : memref<16384x1024xf32, #tpu.memory_space<hbm>> -> memref<32x1024xf32, #tpu.memory_space<hbm>>
    %dma_wait3A_459 = arith.constant 0 : i32
    %dma_wait3A_460 = tpu.memref_slice %arg4[%add3A_452, %dma_wait3A_459] : memref<16384x1024xf32, #tpu.memory_space<hbm>> -> memref<32x1024xf32, #tpu.memory_space<hbm>>
    tpu.wait_dma2 semaphore(%arg12 : memref<!tpu.dma_semaphore, #tpu.memory_space<semaphore_mem>>) src(%arg6 : memref<32x1024xf32, #tpu.memory_space<vmem>>) dst(%dma_wait3A_460 : memref<32x1024xf32, #tpu.memory_space<hbm>>)
    %add3A_461 = arith.constant 320 : i32
    %add3A_462 = arith.addi %mul3A_2, %add3A_461 : i32
    %dma_start3A_463 = arith.constant 0 : i32
    %dma_start3A_464 = arith.constant 0 : i32
    %dma_start3A_465 = tpu.memref_slice %arg6[%dma_start3A_463, %dma_start3A_464] : memref<32x1024xf32, #tpu.memory_space<vmem>> -> memref<32x128xf32, #tpu.memory_space<vmem>>
    %dma_start3A_466 = arith.constant 0 : i32
    %dma_start3A_467 = tpu.memref_slice %arg2[%add3A_462, %dma_start3A_466] : memref<16384x128xf32, #tpu.memory_space<hbm>> -> memref<32x128xf32, #tpu.memory_space<hbm>>
    %dma_start3A_468 = arith.constant 0 : i32
    %dma_start3A_469 = arith.constant 0 : i32
    %dma_start3A_470 = tpu.memref_slice %arg6[%dma_start3A_468, %dma_start3A_469] : memref<32x1024xf32, #tpu.memory_space<vmem>> -> memref<32x128xf32, #tpu.memory_space<vmem>>
    %dma_start3A_471 = arith.constant 0 : i32
    %dma_start3A_472 = tpu.memref_slice %arg2[%add3A_462, %dma_start3A_471] : memref<16384x128xf32, #tpu.memory_space<hbm>> -> memref<32x128xf32, #tpu.memory_space<hbm>>
    tpu.enqueue_dma source(%dma_start3A_472 : memref<32x128xf32, #tpu.memory_space<hbm>>) target(%dma_start3A_470 : memref<32x128xf32, #tpu.memory_space<vmem>>) target_semaphore(%arg9 : memref<!tpu.dma_semaphore, #tpu.memory_space<semaphore_mem>>)
    %dma_start3A_473 = arith.constant 0 : i32
    %dma_start3A_474 = arith.constant 128 : i32
    %dma_start3A_475 = tpu.memref_slice %arg6[%dma_start3A_473, %dma_start3A_474] : memref<32x1024xf32, #tpu.memory_space<vmem>> -> memref<32x896xf32, #tpu.memory_space<vmem>>
    %dma_start3A_476 = arith.constant 128 : i32
    %dma_start3A_477 = tpu.memref_slice %arg3[%add3A_462, %dma_start3A_476] : memref<16384x1024xf32, #tpu.memory_space<hbm>> -> memref<32x896xf32, #tpu.memory_space<hbm>>
    %dma_start3A_478 = arith.constant 0 : i32
    %dma_start3A_479 = arith.constant 128 : i32
    %dma_start3A_480 = tpu.memref_slice %arg6[%dma_start3A_478, %dma_start3A_479] : memref<32x1024xf32, #tpu.memory_space<vmem>> -> memref<32x896xf32, #tpu.memory_space<vmem>>
    %dma_start3A_481 = arith.constant 128 : i32
    %dma_start3A_482 = tpu.memref_slice %arg3[%add3A_462, %dma_start3A_481] : memref<16384x1024xf32, #tpu.memory_space<hbm>> -> memref<32x896xf32, #tpu.memory_space<hbm>>
    tpu.enqueue_dma source(%dma_start3A_482 : memref<32x896xf32, #tpu.memory_space<hbm>>) target(%dma_start3A_480 : memref<32x896xf32, #tpu.memory_space<vmem>>) target_semaphore(%arg9 : memref<!tpu.dma_semaphore, #tpu.memory_space<semaphore_mem>>)
    %dma_wait3A_483 = arith.constant 0 : i32
    %dma_wait3A_484 = arith.constant 0 : i32
    %dma_wait3A_485 = tpu.memref_slice %arg7[%dma_wait3A_483, %dma_wait3A_484] : memref<32x1024xf32, #tpu.memory_space<vmem>> -> memref<32x128xf32, #tpu.memory_space<vmem>>
    %dma_wait3A_486 = arith.constant 0 : i32
    %dma_wait3A_487 = tpu.memref_slice %arg2[%add3A_358, %dma_wait3A_486] : memref<16384x128xf32, #tpu.memory_space<hbm>> -> memref<32x128xf32, #tpu.memory_space<hbm>>
    %dma_wait3A_488 = arith.constant 0 : i32
    %dma_wait3A_489 = arith.constant 0 : i32
    %dma_wait3A_490 = tpu.memref_slice %arg7[%dma_wait3A_488, %dma_wait3A_489] : memref<32x1024xf32, #tpu.memory_space<vmem>> -> memref<32x128xf32, #tpu.memory_space<vmem>>
    %dma_wait3A_491 = arith.constant 0 : i32
    %dma_wait3A_492 = tpu.memref_slice %arg2[%add3A_358, %dma_wait3A_491] : memref<16384x128xf32, #tpu.memory_space<hbm>> -> memref<32x128xf32, #tpu.memory_space<hbm>>
    tpu.wait_dma2 semaphore(%arg10 : memref<!tpu.dma_semaphore, #tpu.memory_space<semaphore_mem>>) src(%dma_wait3A_492 : memref<32x128xf32, #tpu.memory_space<hbm>>) dst(%dma_wait3A_490 : memref<32x128xf32, #tpu.memory_space<vmem>>)
    %dma_wait3A_493 = arith.constant 0 : i32
    %dma_wait3A_494 = arith.constant 128 : i32
    %dma_wait3A_495 = tpu.memref_slice %arg7[%dma_wait3A_493, %dma_wait3A_494] : memref<32x1024xf32, #tpu.memory_space<vmem>> -> memref<32x896xf32, #tpu.memory_space<vmem>>
    %dma_wait3A_496 = arith.constant 128 : i32
    %dma_wait3A_497 = tpu.memref_slice %arg3[%add3A_358, %dma_wait3A_496] : memref<16384x1024xf32, #tpu.memory_space<hbm>> -> memref<32x896xf32, #tpu.memory_space<hbm>>
    %dma_wait3A_498 = arith.constant 0 : i32
    %dma_wait3A_499 = arith.constant 128 : i32
    %dma_wait3A_500 = tpu.memref_slice %arg7[%dma_wait3A_498, %dma_wait3A_499] : memref<32x1024xf32, #tpu.memory_space<vmem>> -> memref<32x896xf32, #tpu.memory_space<vmem>>
    %dma_wait3A_501 = arith.constant 128 : i32
    %dma_wait3A_502 = tpu.memref_slice %arg3[%add3A_358, %dma_wait3A_501] : memref<16384x1024xf32, #tpu.memory_space<hbm>> -> memref<32x896xf32, #tpu.memory_space<hbm>>
    tpu.wait_dma2 semaphore(%arg10 : memref<!tpu.dma_semaphore, #tpu.memory_space<semaphore_mem>>) src(%dma_wait3A_502 : memref<32x896xf32, #tpu.memory_space<hbm>>) dst(%dma_wait3A_500 : memref<32x896xf32, #tpu.memory_space<vmem>>)
    %add3A_503 = arith.constant 256 : i32
    %add3A_504 = arith.addi %mul3A_2, %add3A_503 : i32
    %dma_start3A_505 = arith.constant 0 : i32
    %dma_start3A_506 = tpu.memref_slice %arg4[%add3A_504, %dma_start3A_505] : memref<16384x1024xf32, #tpu.memory_space<hbm>> -> memref<32x1024xf32, #tpu.memory_space<hbm>>
    %dma_start3A_507 = arith.constant 0 : i32
    %dma_start3A_508 = tpu.memref_slice %arg4[%add3A_504, %dma_start3A_507] : memref<16384x1024xf32, #tpu.memory_space<hbm>> -> memref<32x1024xf32, #tpu.memory_space<hbm>>
    tpu.enqueue_dma source(%arg7 : memref<32x1024xf32, #tpu.memory_space<vmem>>) target(%dma_start3A_508 : memref<32x1024xf32, #tpu.memory_space<hbm>>) target_semaphore(%arg13 : memref<!tpu.dma_semaphore, #tpu.memory_space<semaphore_mem>>)
    %dma_wait3A_509 = arith.constant 0 : i32
    %dma_wait3A_510 = tpu.memref_slice %arg4[%add3A_504, %dma_wait3A_509] : memref<16384x1024xf32, #tpu.memory_space<hbm>> -> memref<32x1024xf32, #tpu.memory_space<hbm>>
    %dma_wait3A_511 = arith.constant 0 : i32
    %dma_wait3A_512 = tpu.memref_slice %arg4[%add3A_504, %dma_wait3A_511] : memref<16384x1024xf32, #tpu.memory_space<hbm>> -> memref<32x1024xf32, #tpu.memory_space<hbm>>
    tpu.wait_dma2 semaphore(%arg13 : memref<!tpu.dma_semaphore, #tpu.memory_space<semaphore_mem>>) src(%arg7 : memref<32x1024xf32, #tpu.memory_space<vmem>>) dst(%dma_wait3A_512 : memref<32x1024xf32, #tpu.memory_space<hbm>>)
    %add3A_513 = arith.constant 352 : i32
    %add3A_514 = arith.addi %mul3A_2, %add3A_513 : i32
    %dma_start3A_515 = arith.constant 0 : i32
    %dma_start3A_516 = arith.constant 0 : i32
    %dma_start3A_517 = tpu.memref_slice %arg7[%dma_start3A_515, %dma_start3A_516] : memref<32x1024xf32, #tpu.memory_space<vmem>> -> memref<32x128xf32, #tpu.memory_space<vmem>>
    %dma_start3A_518 = arith.constant 0 : i32
    %dma_start3A_519 = tpu.memref_slice %arg2[%add3A_514, %dma_start3A_518] : memref<16384x128xf32, #tpu.memory_space<hbm>> -> memref<32x128xf32, #tpu.memory_space<hbm>>
    %dma_start3A_520 = arith.constant 0 : i32
    %dma_start3A_521 = arith.constant 0 : i32
    %dma_start3A_522 = tpu.memref_slice %arg7[%dma_start3A_520, %dma_start3A_521] : memref<32x1024xf32, #tpu.memory_space<vmem>> -> memref<32x128xf32, #tpu.memory_space<vmem>>
    %dma_start3A_523 = arith.constant 0 : i32
    %dma_start3A_524 = tpu.memref_slice %arg2[%add3A_514, %dma_start3A_523] : memref<16384x128xf32, #tpu.memory_space<hbm>> -> memref<32x128xf32, #tpu.memory_space<hbm>>
    tpu.enqueue_dma source(%dma_start3A_524 : memref<32x128xf32, #tpu.memory_space<hbm>>) target(%dma_start3A_522 : memref<32x128xf32, #tpu.memory_space<vmem>>) target_semaphore(%arg10 : memref<!tpu.dma_semaphore, #tpu.memory_space<semaphore_mem>>)
    %dma_start3A_525 = arith.constant 0 : i32
    %dma_start3A_526 = arith.constant 128 : i32
    %dma_start3A_527 = tpu.memref_slice %arg7[%dma_start3A_525, %dma_start3A_526] : memref<32x1024xf32, #tpu.memory_space<vmem>> -> memref<32x896xf32, #tpu.memory_space<vmem>>
    %dma_start3A_528 = arith.constant 128 : i32
    %dma_start3A_529 = tpu.memref_slice %arg3[%add3A_514, %dma_start3A_528] : memref<16384x1024xf32, #tpu.memory_space<hbm>> -> memref<32x896xf32, #tpu.memory_space<hbm>>
    %dma_start3A_530 = arith.constant 0 : i32
    %dma_start3A_531 = arith.constant 128 : i32
    %dma_start3A_532 = tpu.memref_slice %arg7[%dma_start3A_530, %dma_start3A_531] : memref<32x1024xf32, #tpu.memory_space<vmem>> -> memref<32x896xf32, #tpu.memory_space<vmem>>
    %dma_start3A_533 = arith.constant 128 : i32
    %dma_start3A_534 = tpu.memref_slice %arg3[%add3A_514, %dma_start3A_533] : memref<16384x1024xf32, #tpu.memory_space<hbm>> -> memref<32x896xf32, #tpu.memory_space<hbm>>
    tpu.enqueue_dma source(%dma_start3A_534 : memref<32x896xf32, #tpu.memory_space<hbm>>) target(%dma_start3A_532 : memref<32x896xf32, #tpu.memory_space<vmem>>) target_semaphore(%arg10 : memref<!tpu.dma_semaphore, #tpu.memory_space<semaphore_mem>>)
    %dma_wait3A_535 = arith.constant 0 : i32
    %dma_wait3A_536 = arith.constant 0 : i32
    %dma_wait3A_537 = tpu.memref_slice %arg5[%dma_wait3A_535, %dma_wait3A_536] : memref<32x1024xf32, #tpu.memory_space<vmem>> -> memref<32x128xf32, #tpu.memory_space<vmem>>
    %dma_wait3A_538 = arith.constant 0 : i32
    %dma_wait3A_539 = tpu.memref_slice %arg2[%add3A_410, %dma_wait3A_538] : memref<16384x128xf32, #tpu.memory_space<hbm>> -> memref<32x128xf32, #tpu.memory_space<hbm>>
    %dma_wait3A_540 = arith.constant 0 : i32
    %dma_wait3A_541 = arith.constant 0 : i32
    %dma_wait3A_542 = tpu.memref_slice %arg5[%dma_wait3A_540, %dma_wait3A_541] : memref<32x1024xf32, #tpu.memory_space<vmem>> -> memref<32x128xf32, #tpu.memory_space<vmem>>
    %dma_wait3A_543 = arith.constant 0 : i32
    %dma_wait3A_544 = tpu.memref_slice %arg2[%add3A_410, %dma_wait3A_543] : memref<16384x128xf32, #tpu.memory_space<hbm>> -> memref<32x128xf32, #tpu.memory_space<hbm>>
    tpu.wait_dma2 semaphore(%arg8 : memref<!tpu.dma_semaphore, #tpu.memory_space<semaphore_mem>>) src(%dma_wait3A_544 : memref<32x128xf32, #tpu.memory_space<hbm>>) dst(%dma_wait3A_542 : memref<32x128xf32, #tpu.memory_space<vmem>>)
    %dma_wait3A_545 = arith.constant 0 : i32
    %dma_wait3A_546 = arith.constant 128 : i32
    %dma_wait3A_547 = tpu.memref_slice %arg5[%dma_wait3A_545, %dma_wait3A_546] : memref<32x1024xf32, #tpu.memory_space<vmem>> -> memref<32x896xf32, #tpu.memory_space<vmem>>
    %dma_wait3A_548 = arith.constant 128 : i32
    %dma_wait3A_549 = tpu.memref_slice %arg3[%add3A_410, %dma_wait3A_548] : memref<16384x1024xf32, #tpu.memory_space<hbm>> -> memref<32x896xf32, #tpu.memory_space<hbm>>
    %dma_wait3A_550 = arith.constant 0 : i32
    %dma_wait3A_551 = arith.constant 128 : i32
    %dma_wait3A_552 = tpu.memref_slice %arg5[%dma_wait3A_550, %dma_wait3A_551] : memref<32x1024xf32, #tpu.memory_space<vmem>> -> memref<32x896xf32, #tpu.memory_space<vmem>>
    %dma_wait3A_553 = arith.constant 128 : i32
    %dma_wait3A_554 = tpu.memref_slice %arg3[%add3A_410, %dma_wait3A_553] : memref<16384x1024xf32, #tpu.memory_space<hbm>> -> memref<32x896xf32, #tpu.memory_space<hbm>>
    tpu.wait_dma2 semaphore(%arg8 : memref<!tpu.dma_semaphore, #tpu.memory_space<semaphore_mem>>) src(%dma_wait3A_554 : memref<32x896xf32, #tpu.memory_space<hbm>>) dst(%dma_wait3A_552 : memref<32x896xf32, #tpu.memory_space<vmem>>)
    %add3A_555 = arith.constant 288 : i32
    %add3A_556 = arith.addi %mul3A_2, %add3A_555 : i32
    %dma_start3A_557 = arith.constant 0 : i32
    %dma_start3A_558 = tpu.memref_slice %arg4[%add3A_556, %dma_start3A_557] : memref<16384x1024xf32, #tpu.memory_space<hbm>> -> memref<32x1024xf32, #tpu.memory_space<hbm>>
    %dma_start3A_559 = arith.constant 0 : i32
    %dma_start3A_560 = tpu.memref_slice %arg4[%add3A_556, %dma_start3A_559] : memref<16384x1024xf32, #tpu.memory_space<hbm>> -> memref<32x1024xf32, #tpu.memory_space<hbm>>
    tpu.enqueue_dma source(%arg5 : memref<32x1024xf32, #tpu.memory_space<vmem>>) target(%dma_start3A_560 : memref<32x1024xf32, #tpu.memory_space<hbm>>) target_semaphore(%arg11 : memref<!tpu.dma_semaphore, #tpu.memory_space<semaphore_mem>>)
    %dma_wait3A_561 = arith.constant 0 : i32
    %dma_wait3A_562 = tpu.memref_slice %arg4[%add3A_556, %dma_wait3A_561] : memref<16384x1024xf32, #tpu.memory_space<hbm>> -> memref<32x1024xf32, #tpu.memory_space<hbm>>
    %dma_wait3A_563 = arith.constant 0 : i32
    %dma_wait3A_564 = tpu.memref_slice %arg4[%add3A_556, %dma_wait3A_563] : memref<16384x1024xf32, #tpu.memory_space<hbm>> -> memref<32x1024xf32, #tpu.memory_space<hbm>>
    tpu.wait_dma2 semaphore(%arg11 : memref<!tpu.dma_semaphore, #tpu.memory_space<semaphore_mem>>) src(%arg5 : memref<32x1024xf32, #tpu.memory_space<vmem>>) dst(%dma_wait3A_564 : memref<32x1024xf32, #tpu.memory_space<hbm>>)
    %add3A_565 = arith.constant 384 : i32
    %add3A_566 = arith.addi %mul3A_2, %add3A_565 : i32
    %dma_start3A_567 = arith.constant 0 : i32
    %dma_start3A_568 = arith.constant 0 : i32
    %dma_start3A_569 = tpu.memref_slice %arg5[%dma_start3A_567, %dma_start3A_568] : memref<32x1024xf32, #tpu.memory_space<vmem>> -> memref<32x128xf32, #tpu.memory_space<vmem>>
    %dma_start3A_570 = arith.constant 0 : i32
    %dma_start3A_571 = tpu.memref_slice %arg2[%add3A_566, %dma_start3A_570] : memref<16384x128xf32, #tpu.memory_space<hbm>> -> memref<32x128xf32, #tpu.memory_space<hbm>>
    %dma_start3A_572 = arith.constant 0 : i32
    %dma_start3A_573 = arith.constant 0 : i32
    %dma_start3A_574 = tpu.memref_slice %arg5[%dma_start3A_572, %dma_start3A_573] : memref<32x1024xf32, #tpu.memory_space<vmem>> -> memref<32x128xf32, #tpu.memory_space<vmem>>
    %dma_start3A_575 = arith.constant 0 : i32
    %dma_start3A_576 = tpu.memref_slice %arg2[%add3A_566, %dma_start3A_575] : memref<16384x128xf32, #tpu.memory_space<hbm>> -> memref<32x128xf32, #tpu.memory_space<hbm>>
    tpu.enqueue_dma source(%dma_start3A_576 : memref<32x128xf32, #tpu.memory_space<hbm>>) target(%dma_start3A_574 : memref<32x128xf32, #tpu.memory_space<vmem>>) target_semaphore(%arg8 : memref<!tpu.dma_semaphore, #tpu.memory_space<semaphore_mem>>)
    %dma_start3A_577 = arith.constant 0 : i32
    %dma_start3A_578 = arith.constant 128 : i32
    %dma_start3A_579 = tpu.memref_slice %arg5[%dma_start3A_577, %dma_start3A_578] : memref<32x1024xf32, #tpu.memory_space<vmem>> -> memref<32x896xf32, #tpu.memory_space<vmem>>
    %dma_start3A_580 = arith.constant 128 : i32
    %dma_start3A_581 = tpu.memref_slice %arg3[%add3A_566, %dma_start3A_580] : memref<16384x1024xf32, #tpu.memory_space<hbm>> -> memref<32x896xf32, #tpu.memory_space<hbm>>
    %dma_start3A_582 = arith.constant 0 : i32
    %dma_start3A_583 = arith.constant 128 : i32
    %dma_start3A_584 = tpu.memref_slice %arg5[%dma_start3A_582, %dma_start3A_583] : memref<32x1024xf32, #tpu.memory_space<vmem>> -> memref<32x896xf32, #tpu.memory_space<vmem>>
    %dma_start3A_585 = arith.constant 128 : i32
    %dma_start3A_586 = tpu.memref_slice %arg3[%add3A_566, %dma_start3A_585] : memref<16384x1024xf32, #tpu.memory_space<hbm>> -> memref<32x896xf32, #tpu.memory_space<hbm>>
    tpu.enqueue_dma source(%dma_start3A_586 : memref<32x896xf32, #tpu.memory_space<hbm>>) target(%dma_start3A_584 : memref<32x896xf32, #tpu.memory_space<vmem>>) target_semaphore(%arg8 : memref<!tpu.dma_semaphore, #tpu.memory_space<semaphore_mem>>)
    %dma_wait3A_587 = arith.constant 0 : i32
    %dma_wait3A_588 = arith.constant 0 : i32
    %dma_wait3A_589 = tpu.memref_slice %arg6[%dma_wait3A_587, %dma_wait3A_588] : memref<32x1024xf32, #tpu.memory_space<vmem>> -> memref<32x128xf32, #tpu.memory_space<vmem>>
    %dma_wait3A_590 = arith.constant 0 : i32
    %dma_wait3A_591 = tpu.memref_slice %arg2[%add3A_462, %dma_wait3A_590] : memref<16384x128xf32, #tpu.memory_space<hbm>> -> memref<32x128xf32, #tpu.memory_space<hbm>>
    %dma_wait3A_592 = arith.constant 0 : i32
    %dma_wait3A_593 = arith.constant 0 : i32
    %dma_wait3A_594 = tpu.memref_slice %arg6[%dma_wait3A_592, %dma_wait3A_593] : memref<32x1024xf32, #tpu.memory_space<vmem>> -> memref<32x128xf32, #tpu.memory_space<vmem>>
    %dma_wait3A_595 = arith.constant 0 : i32
    %dma_wait3A_596 = tpu.memref_slice %arg2[%add3A_462, %dma_wait3A_595] : memref<16384x128xf32, #tpu.memory_space<hbm>> -> memref<32x128xf32, #tpu.memory_space<hbm>>
    tpu.wait_dma2 semaphore(%arg9 : memref<!tpu.dma_semaphore, #tpu.memory_space<semaphore_mem>>) src(%dma_wait3A_596 : memref<32x128xf32, #tpu.memory_space<hbm>>) dst(%dma_wait3A_594 : memref<32x128xf32, #tpu.memory_space<vmem>>)
    %dma_wait3A_597 = arith.constant 0 : i32
    %dma_wait3A_598 = arith.constant 128 : i32
    %dma_wait3A_599 = tpu.memref_slice %arg6[%dma_wait3A_597, %dma_wait3A_598] : memref<32x1024xf32, #tpu.memory_space<vmem>> -> memref<32x896xf32, #tpu.memory_space<vmem>>
    %dma_wait3A_600 = arith.constant 128 : i32
    %dma_wait3A_601 = tpu.memref_slice %arg3[%add3A_462, %dma_wait3A_600] : memref<16384x1024xf32, #tpu.memory_space<hbm>> -> memref<32x896xf32, #tpu.memory_space<hbm>>
    %dma_wait3A_602 = arith.constant 0 : i32
    %dma_wait3A_603 = arith.constant 128 : i32
    %dma_wait3A_604 = tpu.memref_slice %arg6[%dma_wait3A_602, %dma_wait3A_603] : memref<32x1024xf32, #tpu.memory_space<vmem>> -> memref<32x896xf32, #tpu.memory_space<vmem>>
    %dma_wait3A_605 = arith.constant 128 : i32
    %dma_wait3A_606 = tpu.memref_slice %arg3[%add3A_462, %dma_wait3A_605] : memref<16384x1024xf32, #tpu.memory_space<hbm>> -> memref<32x896xf32, #tpu.memory_space<hbm>>
    tpu.wait_dma2 semaphore(%arg9 : memref<!tpu.dma_semaphore, #tpu.memory_space<semaphore_mem>>) src(%dma_wait3A_606 : memref<32x896xf32, #tpu.memory_space<hbm>>) dst(%dma_wait3A_604 : memref<32x896xf32, #tpu.memory_space<vmem>>)
    %add3A_607 = arith.constant 320 : i32
    %add3A_608 = arith.addi %mul3A_2, %add3A_607 : i32
    %dma_start3A_609 = arith.constant 0 : i32
    %dma_start3A_610 = tpu.memref_slice %arg4[%add3A_608, %dma_start3A_609] : memref<16384x1024xf32, #tpu.memory_space<hbm>> -> memref<32x1024xf32, #tpu.memory_space<hbm>>
    %dma_start3A_611 = arith.constant 0 : i32
    %dma_start3A_612 = tpu.memref_slice %arg4[%add3A_608, %dma_start3A_611] : memref<16384x1024xf32, #tpu.memory_space<hbm>> -> memref<32x1024xf32, #tpu.memory_space<hbm>>
    tpu.enqueue_dma source(%arg6 : memref<32x1024xf32, #tpu.memory_space<vmem>>) target(%dma_start3A_612 : memref<32x1024xf32, #tpu.memory_space<hbm>>) target_semaphore(%arg12 : memref<!tpu.dma_semaphore, #tpu.memory_space<semaphore_mem>>)
    %dma_wait3A_613 = arith.constant 0 : i32
    %dma_wait3A_614 = tpu.memref_slice %arg4[%add3A_608, %dma_wait3A_613] : memref<16384x1024xf32, #tpu.memory_space<hbm>> -> memref<32x1024xf32, #tpu.memory_space<hbm>>
    %dma_wait3A_615 = arith.constant 0 : i32
    %dma_wait3A_616 = tpu.memref_slice %arg4[%add3A_608, %dma_wait3A_615] : memref<16384x1024xf32, #tpu.memory_space<hbm>> -> memref<32x1024xf32, #tpu.memory_space<hbm>>
    tpu.wait_dma2 semaphore(%arg12 : memref<!tpu.dma_semaphore, #tpu.memory_space<semaphore_mem>>) src(%arg6 : memref<32x1024xf32, #tpu.memory_space<vmem>>) dst(%dma_wait3A_616 : memref<32x1024xf32, #tpu.memory_space<hbm>>)
    %add3A_617 = arith.constant 416 : i32
    %add3A_618 = arith.addi %mul3A_2, %add3A_617 : i32
    %dma_start3A_619 = arith.constant 0 : i32
    %dma_start3A_620 = arith.constant 0 : i32
    %dma_start3A_621 = tpu.memref_slice %arg6[%dma_start3A_619, %dma_start3A_620] : memref<32x1024xf32, #tpu.memory_space<vmem>> -> memref<32x128xf32, #tpu.memory_space<vmem>>
    %dma_start3A_622 = arith.constant 0 : i32
    %dma_start3A_623 = tpu.memref_slice %arg2[%add3A_618, %dma_start3A_622] : memref<16384x128xf32, #tpu.memory_space<hbm>> -> memref<32x128xf32, #tpu.memory_space<hbm>>
    %dma_start3A_624 = arith.constant 0 : i32
    %dma_start3A_625 = arith.constant 0 : i32
    %dma_start3A_626 = tpu.memref_slice %arg6[%dma_start3A_624, %dma_start3A_625] : memref<32x1024xf32, #tpu.memory_space<vmem>> -> memref<32x128xf32, #tpu.memory_space<vmem>>
    %dma_start3A_627 = arith.constant 0 : i32
    %dma_start3A_628 = tpu.memref_slice %arg2[%add3A_618, %dma_start3A_627] : memref<16384x128xf32, #tpu.memory_space<hbm>> -> memref<32x128xf32, #tpu.memory_space<hbm>>
    tpu.enqueue_dma source(%dma_start3A_628 : memref<32x128xf32, #tpu.memory_space<hbm>>) target(%dma_start3A_626 : memref<32x128xf32, #tpu.memory_space<vmem>>) target_semaphore(%arg9 : memref<!tpu.dma_semaphore, #tpu.memory_space<semaphore_mem>>)
    %dma_start3A_629 = arith.constant 0 : i32
    %dma_start3A_630 = arith.constant 128 : i32
    %dma_start3A_631 = tpu.memref_slice %arg6[%dma_start3A_629, %dma_start3A_630] : memref<32x1024xf32, #tpu.memory_space<vmem>> -> memref<32x896xf32, #tpu.memory_space<vmem>>
    %dma_start3A_632 = arith.constant 128 : i32
    %dma_start3A_633 = tpu.memref_slice %arg3[%add3A_618, %dma_start3A_632] : memref<16384x1024xf32, #tpu.memory_space<hbm>> -> memref<32x896xf32, #tpu.memory_space<hbm>>
    %dma_start3A_634 = arith.constant 0 : i32
    %dma_start3A_635 = arith.constant 128 : i32
    %dma_start3A_636 = tpu.memref_slice %arg6[%dma_start3A_634, %dma_start3A_635] : memref<32x1024xf32, #tpu.memory_space<vmem>> -> memref<32x896xf32, #tpu.memory_space<vmem>>
    %dma_start3A_637 = arith.constant 128 : i32
    %dma_start3A_638 = tpu.memref_slice %arg3[%add3A_618, %dma_start3A_637] : memref<16384x1024xf32, #tpu.memory_space<hbm>> -> memref<32x896xf32, #tpu.memory_space<hbm>>
    tpu.enqueue_dma source(%dma_start3A_638 : memref<32x896xf32, #tpu.memory_space<hbm>>) target(%dma_start3A_636 : memref<32x896xf32, #tpu.memory_space<vmem>>) target_semaphore(%arg9 : memref<!tpu.dma_semaphore, #tpu.memory_space<semaphore_mem>>)
    %dma_wait3A_639 = arith.constant 0 : i32
    %dma_wait3A_640 = arith.constant 0 : i32
    %dma_wait3A_641 = tpu.memref_slice %arg7[%dma_wait3A_639, %dma_wait3A_640] : memref<32x1024xf32, #tpu.memory_space<vmem>> -> memref<32x128xf32, #tpu.memory_space<vmem>>
    %dma_wait3A_642 = arith.constant 0 : i32
    %dma_wait3A_643 = tpu.memref_slice %arg2[%add3A_514, %dma_wait3A_642] : memref<16384x128xf32, #tpu.memory_space<hbm>> -> memref<32x128xf32, #tpu.memory_space<hbm>>
    %dma_wait3A_644 = arith.constant 0 : i32
    %dma_wait3A_645 = arith.constant 0 : i32
    %dma_wait3A_646 = tpu.memref_slice %arg7[%dma_wait3A_644, %dma_wait3A_645] : memref<32x1024xf32, #tpu.memory_space<vmem>> -> memref<32x128xf32, #tpu.memory_space<vmem>>
    %dma_wait3A_647 = arith.constant 0 : i32
    %dma_wait3A_648 = tpu.memref_slice %arg2[%add3A_514, %dma_wait3A_647] : memref<16384x128xf32, #tpu.memory_space<hbm>> -> memref<32x128xf32, #tpu.memory_space<hbm>>
    tpu.wait_dma2 semaphore(%arg10 : memref<!tpu.dma_semaphore, #tpu.memory_space<semaphore_mem>>) src(%dma_wait3A_648 : memref<32x128xf32, #tpu.memory_space<hbm>>) dst(%dma_wait3A_646 : memref<32x128xf32, #tpu.memory_space<vmem>>)
    %dma_wait3A_649 = arith.constant 0 : i32
    %dma_wait3A_650 = arith.constant 128 : i32
    %dma_wait3A_651 = tpu.memref_slice %arg7[%dma_wait3A_649, %dma_wait3A_650] : memref<32x1024xf32, #tpu.memory_space<vmem>> -> memref<32x896xf32, #tpu.memory_space<vmem>>
    %dma_wait3A_652 = arith.constant 128 : i32
    %dma_wait3A_653 = tpu.memref_slice %arg3[%add3A_514, %dma_wait3A_652] : memref<16384x1024xf32, #tpu.memory_space<hbm>> -> memref<32x896xf32, #tpu.memory_space<hbm>>
    %dma_wait3A_654 = arith.constant 0 : i32
    %dma_wait3A_655 = arith.constant 128 : i32
    %dma_wait3A_656 = tpu.memref_slice %arg7[%dma_wait3A_654, %dma_wait3A_655] : memref<32x1024xf32, #tpu.memory_space<vmem>> -> memref<32x896xf32, #tpu.memory_space<vmem>>
    %dma_wait3A_657 = arith.constant 128 : i32
    %dma_wait3A_658 = tpu.memref_slice %arg3[%add3A_514, %dma_wait3A_657] : memref<16384x1024xf32, #tpu.memory_space<hbm>> -> memref<32x896xf32, #tpu.memory_space<hbm>>
    tpu.wait_dma2 semaphore(%arg10 : memref<!tpu.dma_semaphore, #tpu.memory_space<semaphore_mem>>) src(%dma_wait3A_658 : memref<32x896xf32, #tpu.memory_space<hbm>>) dst(%dma_wait3A_656 : memref<32x896xf32, #tpu.memory_space<vmem>>)
    %add3A_659 = arith.constant 352 : i32
    %add3A_660 = arith.addi %mul3A_2, %add3A_659 : i32
    %dma_start3A_661 = arith.constant 0 : i32
    %dma_start3A_662 = tpu.memref_slice %arg4[%add3A_660, %dma_start3A_661] : memref<16384x1024xf32, #tpu.memory_space<hbm>> -> memref<32x1024xf32, #tpu.memory_space<hbm>>
    %dma_start3A_663 = arith.constant 0 : i32
    %dma_start3A_664 = tpu.memref_slice %arg4[%add3A_660, %dma_start3A_663] : memref<16384x1024xf32, #tpu.memory_space<hbm>> -> memref<32x1024xf32, #tpu.memory_space<hbm>>
    tpu.enqueue_dma source(%arg7 : memref<32x1024xf32, #tpu.memory_space<vmem>>) target(%dma_start3A_664 : memref<32x1024xf32, #tpu.memory_space<hbm>>) target_semaphore(%arg13 : memref<!tpu.dma_semaphore, #tpu.memory_space<semaphore_mem>>)
    %dma_wait3A_665 = arith.constant 0 : i32
    %dma_wait3A_666 = tpu.memref_slice %arg4[%add3A_660, %dma_wait3A_665] : memref<16384x1024xf32, #tpu.memory_space<hbm>> -> memref<32x1024xf32, #tpu.memory_space<hbm>>
    %dma_wait3A_667 = arith.constant 0 : i32
    %dma_wait3A_668 = tpu.memref_slice %arg4[%add3A_660, %dma_wait3A_667] : memref<16384x1024xf32, #tpu.memory_space<hbm>> -> memref<32x1024xf32, #tpu.memory_space<hbm>>
    tpu.wait_dma2 semaphore(%arg13 : memref<!tpu.dma_semaphore, #tpu.memory_space<semaphore_mem>>) src(%arg7 : memref<32x1024xf32, #tpu.memory_space<vmem>>) dst(%dma_wait3A_668 : memref<32x1024xf32, #tpu.memory_space<hbm>>)
    %add3A_669 = arith.constant 448 : i32
    %add3A_670 = arith.addi %mul3A_2, %add3A_669 : i32
    %dma_start3A_671 = arith.constant 0 : i32
    %dma_start3A_672 = arith.constant 0 : i32
    %dma_start3A_673 = tpu.memref_slice %arg7[%dma_start3A_671, %dma_start3A_672] : memref<32x1024xf32, #tpu.memory_space<vmem>> -> memref<32x128xf32, #tpu.memory_space<vmem>>
    %dma_start3A_674 = arith.constant 0 : i32
    %dma_start3A_675 = tpu.memref_slice %arg2[%add3A_670, %dma_start3A_674] : memref<16384x128xf32, #tpu.memory_space<hbm>> -> memref<32x128xf32, #tpu.memory_space<hbm>>
    %dma_start3A_676 = arith.constant 0 : i32
    %dma_start3A_677 = arith.constant 0 : i32
    %dma_start3A_678 = tpu.memref_slice %arg7[%dma_start3A_676, %dma_start3A_677] : memref<32x1024xf32, #tpu.memory_space<vmem>> -> memref<32x128xf32, #tpu.memory_space<vmem>>
    %dma_start3A_679 = arith.constant 0 : i32
    %dma_start3A_680 = tpu.memref_slice %arg2[%add3A_670, %dma_start3A_679] : memref<16384x128xf32, #tpu.memory_space<hbm>> -> memref<32x128xf32, #tpu.memory_space<hbm>>
    tpu.enqueue_dma source(%dma_start3A_680 : memref<32x128xf32, #tpu.memory_space<hbm>>) target(%dma_start3A_678 : memref<32x128xf32, #tpu.memory_space<vmem>>) target_semaphore(%arg10 : memref<!tpu.dma_semaphore, #tpu.memory_space<semaphore_mem>>)
    %dma_start3A_681 = arith.constant 0 : i32
    %dma_start3A_682 = arith.constant 128 : i32
    %dma_start3A_683 = tpu.memref_slice %arg7[%dma_start3A_681, %dma_start3A_682] : memref<32x1024xf32, #tpu.memory_space<vmem>> -> memref<32x896xf32, #tpu.memory_space<vmem>>
    %dma_start3A_684 = arith.constant 128 : i32
    %dma_start3A_685 = tpu.memref_slice %arg3[%add3A_670, %dma_start3A_684] : memref<16384x1024xf32, #tpu.memory_space<hbm>> -> memref<32x896xf32, #tpu.memory_space<hbm>>
    %dma_start3A_686 = arith.constant 0 : i32
    %dma_start3A_687 = arith.constant 128 : i32
    %dma_start3A_688 = tpu.memref_slice %arg7[%dma_start3A_686, %dma_start3A_687] : memref<32x1024xf32, #tpu.memory_space<vmem>> -> memref<32x896xf32, #tpu.memory_space<vmem>>
    %dma_start3A_689 = arith.constant 128 : i32
    %dma_start3A_690 = tpu.memref_slice %arg3[%add3A_670, %dma_start3A_689] : memref<16384x1024xf32, #tpu.memory_space<hbm>> -> memref<32x896xf32, #tpu.memory_space<hbm>>
    tpu.enqueue_dma source(%dma_start3A_690 : memref<32x896xf32, #tpu.memory_space<hbm>>) target(%dma_start3A_688 : memref<32x896xf32, #tpu.memory_space<vmem>>) target_semaphore(%arg10 : memref<!tpu.dma_semaphore, #tpu.memory_space<semaphore_mem>>)
    %dma_wait3A_691 = arith.constant 0 : i32
    %dma_wait3A_692 = arith.constant 0 : i32
    %dma_wait3A_693 = tpu.memref_slice %arg5[%dma_wait3A_691, %dma_wait3A_692] : memref<32x1024xf32, #tpu.memory_space<vmem>> -> memref<32x128xf32, #tpu.memory_space<vmem>>
    %dma_wait3A_694 = arith.constant 0 : i32
    %dma_wait3A_695 = tpu.memref_slice %arg2[%add3A_566, %dma_wait3A_694] : memref<16384x128xf32, #tpu.memory_space<hbm>> -> memref<32x128xf32, #tpu.memory_space<hbm>>
    %dma_wait3A_696 = arith.constant 0 : i32
    %dma_wait3A_697 = arith.constant 0 : i32
    %dma_wait3A_698 = tpu.memref_slice %arg5[%dma_wait3A_696, %dma_wait3A_697] : memref<32x1024xf32, #tpu.memory_space<vmem>> -> memref<32x128xf32, #tpu.memory_space<vmem>>
    %dma_wait3A_699 = arith.constant 0 : i32
    %dma_wait3A_700 = tpu.memref_slice %arg2[%add3A_566, %dma_wait3A_699] : memref<16384x128xf32, #tpu.memory_space<hbm>> -> memref<32x128xf32, #tpu.memory_space<hbm>>
    tpu.wait_dma2 semaphore(%arg8 : memref<!tpu.dma_semaphore, #tpu.memory_space<semaphore_mem>>) src(%dma_wait3A_700 : memref<32x128xf32, #tpu.memory_space<hbm>>) dst(%dma_wait3A_698 : memref<32x128xf32, #tpu.memory_space<vmem>>)
    %dma_wait3A_701 = arith.constant 0 : i32
    %dma_wait3A_702 = arith.constant 128 : i32
    %dma_wait3A_703 = tpu.memref_slice %arg5[%dma_wait3A_701, %dma_wait3A_702] : memref<32x1024xf32, #tpu.memory_space<vmem>> -> memref<32x896xf32, #tpu.memory_space<vmem>>
    %dma_wait3A_704 = arith.constant 128 : i32
    %dma_wait3A_705 = tpu.memref_slice %arg3[%add3A_566, %dma_wait3A_704] : memref<16384x1024xf32, #tpu.memory_space<hbm>> -> memref<32x896xf32, #tpu.memory_space<hbm>>
    %dma_wait3A_706 = arith.constant 0 : i32
    %dma_wait3A_707 = arith.constant 128 : i32
    %dma_wait3A_708 = tpu.memref_slice %arg5[%dma_wait3A_706, %dma_wait3A_707] : memref<32x1024xf32, #tpu.memory_space<vmem>> -> memref<32x896xf32, #tpu.memory_space<vmem>>
    %dma_wait3A_709 = arith.constant 128 : i32
    %dma_wait3A_710 = tpu.memref_slice %arg3[%add3A_566, %dma_wait3A_709] : memref<16384x1024xf32, #tpu.memory_space<hbm>> -> memref<32x896xf32, #tpu.memory_space<hbm>>
    tpu.wait_dma2 semaphore(%arg8 : memref<!tpu.dma_semaphore, #tpu.memory_space<semaphore_mem>>) src(%dma_wait3A_710 : memref<32x896xf32, #tpu.memory_space<hbm>>) dst(%dma_wait3A_708 : memref<32x896xf32, #tpu.memory_space<vmem>>)
    %add3A_711 = arith.constant 384 : i32
    %add3A_712 = arith.addi %mul3A_2, %add3A_711 : i32
    %dma_start3A_713 = arith.constant 0 : i32
    %dma_start3A_714 = tpu.memref_slice %arg4[%add3A_712, %dma_start3A_713] : memref<16384x1024xf32, #tpu.memory_space<hbm>> -> memref<32x1024xf32, #tpu.memory_space<hbm>>
    %dma_start3A_715 = arith.constant 0 : i32
    %dma_start3A_716 = tpu.memref_slice %arg4[%add3A_712, %dma_start3A_715] : memref<16384x1024xf32, #tpu.memory_space<hbm>> -> memref<32x1024xf32, #tpu.memory_space<hbm>>
    tpu.enqueue_dma source(%arg5 : memref<32x1024xf32, #tpu.memory_space<vmem>>) target(%dma_start3A_716 : memref<32x1024xf32, #tpu.memory_space<hbm>>) target_semaphore(%arg11 : memref<!tpu.dma_semaphore, #tpu.memory_space<semaphore_mem>>)
    %dma_wait3A_717 = arith.constant 0 : i32
    %dma_wait3A_718 = tpu.memref_slice %arg4[%add3A_712, %dma_wait3A_717] : memref<16384x1024xf32, #tpu.memory_space<hbm>> -> memref<32x1024xf32, #tpu.memory_space<hbm>>
    %dma_wait3A_719 = arith.constant 0 : i32
    %dma_wait3A_720 = tpu.memref_slice %arg4[%add3A_712, %dma_wait3A_719] : memref<16384x1024xf32, #tpu.memory_space<hbm>> -> memref<32x1024xf32, #tpu.memory_space<hbm>>
    tpu.wait_dma2 semaphore(%arg11 : memref<!tpu.dma_semaphore, #tpu.memory_space<semaphore_mem>>) src(%arg5 : memref<32x1024xf32, #tpu.memory_space<vmem>>) dst(%dma_wait3A_720 : memref<32x1024xf32, #tpu.memory_space<hbm>>)
    %add3A_721 = arith.constant 480 : i32
    %add3A_722 = arith.addi %mul3A_2, %add3A_721 : i32
    %dma_start3A_723 = arith.constant 0 : i32
    %dma_start3A_724 = arith.constant 0 : i32
    %dma_start3A_725 = tpu.memref_slice %arg5[%dma_start3A_723, %dma_start3A_724] : memref<32x1024xf32, #tpu.memory_space<vmem>> -> memref<32x128xf32, #tpu.memory_space<vmem>>
    %dma_start3A_726 = arith.constant 0 : i32
    %dma_start3A_727 = tpu.memref_slice %arg2[%add3A_722, %dma_start3A_726] : memref<16384x128xf32, #tpu.memory_space<hbm>> -> memref<32x128xf32, #tpu.memory_space<hbm>>
    %dma_start3A_728 = arith.constant 0 : i32
    %dma_start3A_729 = arith.constant 0 : i32
    %dma_start3A_730 = tpu.memref_slice %arg5[%dma_start3A_728, %dma_start3A_729] : memref<32x1024xf32, #tpu.memory_space<vmem>> -> memref<32x128xf32, #tpu.memory_space<vmem>>
    %dma_start3A_731 = arith.constant 0 : i32
    %dma_start3A_732 = tpu.memref_slice %arg2[%add3A_722, %dma_start3A_731] : memref<16384x128xf32, #tpu.memory_space<hbm>> -> memref<32x128xf32, #tpu.memory_space<hbm>>
    tpu.enqueue_dma source(%dma_start3A_732 : memref<32x128xf32, #tpu.memory_space<hbm>>) target(%dma_start3A_730 : memref<32x128xf32, #tpu.memory_space<vmem>>) target_semaphore(%arg8 : memref<!tpu.dma_semaphore, #tpu.memory_space<semaphore_mem>>)
    %dma_start3A_733 = arith.constant 0 : i32
    %dma_start3A_734 = arith.constant 128 : i32
    %dma_start3A_735 = tpu.memref_slice %arg5[%dma_start3A_733, %dma_start3A_734] : memref<32x1024xf32, #tpu.memory_space<vmem>> -> memref<32x896xf32, #tpu.memory_space<vmem>>
    %dma_start3A_736 = arith.constant 128 : i32
    %dma_start3A_737 = tpu.memref_slice %arg3[%add3A_722, %dma_start3A_736] : memref<16384x1024xf32, #tpu.memory_space<hbm>> -> memref<32x896xf32, #tpu.memory_space<hbm>>
    %dma_start3A_738 = arith.constant 0 : i32
    %dma_start3A_739 = arith.constant 128 : i32
    %dma_start3A_740 = tpu.memref_slice %arg5[%dma_start3A_738, %dma_start3A_739] : memref<32x1024xf32, #tpu.memory_space<vmem>> -> memref<32x896xf32, #tpu.memory_space<vmem>>
    %dma_start3A_741 = arith.constant 128 : i32
    %dma_start3A_742 = tpu.memref_slice %arg3[%add3A_722, %dma_start3A_741] : memref<16384x1024xf32, #tpu.memory_space<hbm>> -> memref<32x896xf32, #tpu.memory_space<hbm>>
    tpu.enqueue_dma source(%dma_start3A_742 : memref<32x896xf32, #tpu.memory_space<hbm>>) target(%dma_start3A_740 : memref<32x896xf32, #tpu.memory_space<vmem>>) target_semaphore(%arg8 : memref<!tpu.dma_semaphore, #tpu.memory_space<semaphore_mem>>)
    %dma_wait3A_743 = arith.constant 0 : i32
    %dma_wait3A_744 = arith.constant 0 : i32
    %dma_wait3A_745 = tpu.memref_slice %arg6[%dma_wait3A_743, %dma_wait3A_744] : memref<32x1024xf32, #tpu.memory_space<vmem>> -> memref<32x128xf32, #tpu.memory_space<vmem>>
    %dma_wait3A_746 = arith.constant 0 : i32
    %dma_wait3A_747 = tpu.memref_slice %arg2[%add3A_618, %dma_wait3A_746] : memref<16384x128xf32, #tpu.memory_space<hbm>> -> memref<32x128xf32, #tpu.memory_space<hbm>>
    %dma_wait3A_748 = arith.constant 0 : i32
    %dma_wait3A_749 = arith.constant 0 : i32
    %dma_wait3A_750 = tpu.memref_slice %arg6[%dma_wait3A_748, %dma_wait3A_749] : memref<32x1024xf32, #tpu.memory_space<vmem>> -> memref<32x128xf32, #tpu.memory_space<vmem>>
    %dma_wait3A_751 = arith.constant 0 : i32
    %dma_wait3A_752 = tpu.memref_slice %arg2[%add3A_618, %dma_wait3A_751] : memref<16384x128xf32, #tpu.memory_space<hbm>> -> memref<32x128xf32, #tpu.memory_space<hbm>>
    tpu.wait_dma2 semaphore(%arg9 : memref<!tpu.dma_semaphore, #tpu.memory_space<semaphore_mem>>) src(%dma_wait3A_752 : memref<32x128xf32, #tpu.memory_space<hbm>>) dst(%dma_wait3A_750 : memref<32x128xf32, #tpu.memory_space<vmem>>)
    %dma_wait3A_753 = arith.constant 0 : i32
    %dma_wait3A_754 = arith.constant 128 : i32
    %dma_wait3A_755 = tpu.memref_slice %arg6[%dma_wait3A_753, %dma_wait3A_754] : memref<32x1024xf32, #tpu.memory_space<vmem>> -> memref<32x896xf32, #tpu.memory_space<vmem>>
    %dma_wait3A_756 = arith.constant 128 : i32
    %dma_wait3A_757 = tpu.memref_slice %arg3[%add3A_618, %dma_wait3A_756] : memref<16384x1024xf32, #tpu.memory_space<hbm>> -> memref<32x896xf32, #tpu.memory_space<hbm>>
    %dma_wait3A_758 = arith.constant 0 : i32
    %dma_wait3A_759 = arith.constant 128 : i32
    %dma_wait3A_760 = tpu.memref_slice %arg6[%dma_wait3A_758, %dma_wait3A_759] : memref<32x1024xf32, #tpu.memory_space<vmem>> -> memref<32x896xf32, #tpu.memory_space<vmem>>
    %dma_wait3A_761 = arith.constant 128 : i32
    %dma_wait3A_762 = tpu.memref_slice %arg3[%add3A_618, %dma_wait3A_761] : memref<16384x1024xf32, #tpu.memory_space<hbm>> -> memref<32x896xf32, #tpu.memory_space<hbm>>
    tpu.wait_dma2 semaphore(%arg9 : memref<!tpu.dma_semaphore, #tpu.memory_space<semaphore_mem>>) src(%dma_wait3A_762 : memref<32x896xf32, #tpu.memory_space<hbm>>) dst(%dma_wait3A_760 : memref<32x896xf32, #tpu.memory_space<vmem>>)
    %add3A_763 = arith.constant 416 : i32
    %add3A_764 = arith.addi %mul3A_2, %add3A_763 : i32
    %dma_start3A_765 = arith.constant 0 : i32
    %dma_start3A_766 = tpu.memref_slice %arg4[%add3A_764, %dma_start3A_765] : memref<16384x1024xf32, #tpu.memory_space<hbm>> -> memref<32x1024xf32, #tpu.memory_space<hbm>>
    %dma_start3A_767 = arith.constant 0 : i32
    %dma_start3A_768 = tpu.memref_slice %arg4[%add3A_764, %dma_start3A_767] : memref<16384x1024xf32, #tpu.memory_space<hbm>> -> memref<32x1024xf32, #tpu.memory_space<hbm>>
    tpu.enqueue_dma source(%arg6 : memref<32x1024xf32, #tpu.memory_space<vmem>>) target(%dma_start3A_768 : memref<32x1024xf32, #tpu.memory_space<hbm>>) target_semaphore(%arg12 : memref<!tpu.dma_semaphore, #tpu.memory_space<semaphore_mem>>)
    %dma_wait3A_769 = arith.constant 0 : i32
    %dma_wait3A_770 = arith.constant 0 : i32
    %dma_wait3A_771 = tpu.memref_slice %arg7[%dma_wait3A_769, %dma_wait3A_770] : memref<32x1024xf32, #tpu.memory_space<vmem>> -> memref<32x128xf32, #tpu.memory_space<vmem>>
    %dma_wait3A_772 = arith.constant 0 : i32
    %dma_wait3A_773 = tpu.memref_slice %arg2[%add3A_670, %dma_wait3A_772] : memref<16384x128xf32, #tpu.memory_space<hbm>> -> memref<32x128xf32, #tpu.memory_space<hbm>>
    %dma_wait3A_774 = arith.constant 0 : i32
    %dma_wait3A_775 = arith.constant 0 : i32
    %dma_wait3A_776 = tpu.memref_slice %arg7[%dma_wait3A_774, %dma_wait3A_775] : memref<32x1024xf32, #tpu.memory_space<vmem>> -> memref<32x128xf32, #tpu.memory_space<vmem>>
    %dma_wait3A_777 = arith.constant 0 : i32
    %dma_wait3A_778 = tpu.memref_slice %arg2[%add3A_670, %dma_wait3A_777] : memref<16384x128xf32, #tpu.memory_space<hbm>> -> memref<32x128xf32, #tpu.memory_space<hbm>>
    tpu.wait_dma2 semaphore(%arg10 : memref<!tpu.dma_semaphore, #tpu.memory_space<semaphore_mem>>) src(%dma_wait3A_778 : memref<32x128xf32, #tpu.memory_space<hbm>>) dst(%dma_wait3A_776 : memref<32x128xf32, #tpu.memory_space<vmem>>)
    %dma_wait3A_779 = arith.constant 0 : i32
    %dma_wait3A_780 = arith.constant 128 : i32
    %dma_wait3A_781 = tpu.memref_slice %arg7[%dma_wait3A_779, %dma_wait3A_780] : memref<32x1024xf32, #tpu.memory_space<vmem>> -> memref<32x896xf32, #tpu.memory_space<vmem>>
    %dma_wait3A_782 = arith.constant 128 : i32
    %dma_wait3A_783 = tpu.memref_slice %arg3[%add3A_670, %dma_wait3A_782] : memref<16384x1024xf32, #tpu.memory_space<hbm>> -> memref<32x896xf32, #tpu.memory_space<hbm>>
    %dma_wait3A_784 = arith.constant 0 : i32
    %dma_wait3A_785 = arith.constant 128 : i32
    %dma_wait3A_786 = tpu.memref_slice %arg7[%dma_wait3A_784, %dma_wait3A_785] : memref<32x1024xf32, #tpu.memory_space<vmem>> -> memref<32x896xf32, #tpu.memory_space<vmem>>
    %dma_wait3A_787 = arith.constant 128 : i32
    %dma_wait3A_788 = tpu.memref_slice %arg3[%add3A_670, %dma_wait3A_787] : memref<16384x1024xf32, #tpu.memory_space<hbm>> -> memref<32x896xf32, #tpu.memory_space<hbm>>
    tpu.wait_dma2 semaphore(%arg10 : memref<!tpu.dma_semaphore, #tpu.memory_space<semaphore_mem>>) src(%dma_wait3A_788 : memref<32x896xf32, #tpu.memory_space<hbm>>) dst(%dma_wait3A_786 : memref<32x896xf32, #tpu.memory_space<vmem>>)
    %add3A_789 = arith.constant 448 : i32
    %add3A_790 = arith.addi %mul3A_2, %add3A_789 : i32
    %dma_start3A_791 = arith.constant 0 : i32
    %dma_start3A_792 = tpu.memref_slice %arg4[%add3A_790, %dma_start3A_791] : memref<16384x1024xf32, #tpu.memory_space<hbm>> -> memref<32x1024xf32, #tpu.memory_space<hbm>>
    %dma_start3A_793 = arith.constant 0 : i32
    %dma_start3A_794 = tpu.memref_slice %arg4[%add3A_790, %dma_start3A_793] : memref<16384x1024xf32, #tpu.memory_space<hbm>> -> memref<32x1024xf32, #tpu.memory_space<hbm>>
    tpu.enqueue_dma source(%arg7 : memref<32x1024xf32, #tpu.memory_space<vmem>>) target(%dma_start3A_794 : memref<32x1024xf32, #tpu.memory_space<hbm>>) target_semaphore(%arg13 : memref<!tpu.dma_semaphore, #tpu.memory_space<semaphore_mem>>)
    %dma_wait3A_795 = arith.constant 0 : i32
    %dma_wait3A_796 = arith.constant 0 : i32
    %dma_wait3A_797 = tpu.memref_slice %arg5[%dma_wait3A_795, %dma_wait3A_796] : memref<32x1024xf32, #tpu.memory_space<vmem>> -> memref<32x128xf32, #tpu.memory_space<vmem>>
    %dma_wait3A_798 = arith.constant 0 : i32
    %dma_wait3A_799 = tpu.memref_slice %arg2[%add3A_722, %dma_wait3A_798] : memref<16384x128xf32, #tpu.memory_space<hbm>> -> memref<32x128xf32, #tpu.memory_space<hbm>>
    %dma_wait3A_800 = arith.constant 0 : i32
    %dma_wait3A_801 = arith.constant 0 : i32
    %dma_wait3A_802 = tpu.memref_slice %arg5[%dma_wait3A_800, %dma_wait3A_801] : memref<32x1024xf32, #tpu.memory_space<vmem>> -> memref<32x128xf32, #tpu.memory_space<vmem>>
    %dma_wait3A_803 = arith.constant 0 : i32
    %dma_wait3A_804 = tpu.memref_slice %arg2[%add3A_722, %dma_wait3A_803] : memref<16384x128xf32, #tpu.memory_space<hbm>> -> memref<32x128xf32, #tpu.memory_space<hbm>>
    tpu.wait_dma2 semaphore(%arg8 : memref<!tpu.dma_semaphore, #tpu.memory_space<semaphore_mem>>) src(%dma_wait3A_804 : memref<32x128xf32, #tpu.memory_space<hbm>>) dst(%dma_wait3A_802 : memref<32x128xf32, #tpu.memory_space<vmem>>)
    %dma_wait3A_805 = arith.constant 0 : i32
    %dma_wait3A_806 = arith.constant 128 : i32
    %dma_wait3A_807 = tpu.memref_slice %arg5[%dma_wait3A_805, %dma_wait3A_806] : memref<32x1024xf32, #tpu.memory_space<vmem>> -> memref<32x896xf32, #tpu.memory_space<vmem>>
    %dma_wait3A_808 = arith.constant 128 : i32
    %dma_wait3A_809 = tpu.memref_slice %arg3[%add3A_722, %dma_wait3A_808] : memref<16384x1024xf32, #tpu.memory_space<hbm>> -> memref<32x896xf32, #tpu.memory_space<hbm>>
    %dma_wait3A_810 = arith.constant 0 : i32
    %dma_wait3A_811 = arith.constant 128 : i32
    %dma_wait3A_812 = tpu.memref_slice %arg5[%dma_wait3A_810, %dma_wait3A_811] : memref<32x1024xf32, #tpu.memory_space<vmem>> -> memref<32x896xf32, #tpu.memory_space<vmem>>
    %dma_wait3A_813 = arith.constant 128 : i32
    %dma_wait3A_814 = tpu.memref_slice %arg3[%add3A_722, %dma_wait3A_813] : memref<16384x1024xf32, #tpu.memory_space<hbm>> -> memref<32x896xf32, #tpu.memory_space<hbm>>
    tpu.wait_dma2 semaphore(%arg8 : memref<!tpu.dma_semaphore, #tpu.memory_space<semaphore_mem>>) src(%dma_wait3A_814 : memref<32x896xf32, #tpu.memory_space<hbm>>) dst(%dma_wait3A_812 : memref<32x896xf32, #tpu.memory_space<vmem>>)
    %add3A_815 = arith.constant 480 : i32
    %add3A_816 = arith.addi %mul3A_2, %add3A_815 : i32
    %dma_start3A_817 = arith.constant 0 : i32
    %dma_start3A_818 = tpu.memref_slice %arg4[%add3A_816, %dma_start3A_817] : memref<16384x1024xf32, #tpu.memory_space<hbm>> -> memref<32x1024xf32, #tpu.memory_space<hbm>>
    %dma_start3A_819 = arith.constant 0 : i32
    %dma_start3A_820 = tpu.memref_slice %arg4[%add3A_816, %dma_start3A_819] : memref<16384x1024xf32, #tpu.memory_space<hbm>> -> memref<32x1024xf32, #tpu.memory_space<hbm>>
    tpu.enqueue_dma source(%arg5 : memref<32x1024xf32, #tpu.memory_space<vmem>>) target(%dma_start3A_820 : memref<32x1024xf32, #tpu.memory_space<hbm>>) target_semaphore(%arg11 : memref<!tpu.dma_semaphore, #tpu.memory_space<semaphore_mem>>)
    %dma_wait3A_821 = arith.constant 0 : i32
    %dma_wait3A_822 = tpu.memref_slice %arg4[%add3A_816, %dma_wait3A_821] : memref<16384x1024xf32, #tpu.memory_space<hbm>> -> memref<32x1024xf32, #tpu.memory_space<hbm>>
    %dma_wait3A_823 = arith.constant 0 : i32
    %dma_wait3A_824 = tpu.memref_slice %arg4[%add3A_816, %dma_wait3A_823] : memref<16384x1024xf32, #tpu.memory_space<hbm>> -> memref<32x1024xf32, #tpu.memory_space<hbm>>
    tpu.wait_dma2 semaphore(%arg11 : memref<!tpu.dma_semaphore, #tpu.memory_space<semaphore_mem>>) src(%arg5 : memref<32x1024xf32, #tpu.memory_space<vmem>>) dst(%dma_wait3A_824 : memref<32x1024xf32, #tpu.memory_space<hbm>>)
    %dma_wait3A_825 = arith.constant 0 : i32
    %dma_wait3A_826 = tpu.memref_slice %arg4[%add3A_764, %dma_wait3A_825] : memref<16384x1024xf32, #tpu.memory_space<hbm>> -> memref<32x1024xf32, #tpu.memory_space<hbm>>
    %dma_wait3A_827 = arith.constant 0 : i32
    %dma_wait3A_828 = tpu.memref_slice %arg4[%add3A_764, %dma_wait3A_827] : memref<16384x1024xf32, #tpu.memory_space<hbm>> -> memref<32x1024xf32, #tpu.memory_space<hbm>>
    tpu.wait_dma2 semaphore(%arg12 : memref<!tpu.dma_semaphore, #tpu.memory_space<semaphore_mem>>) src(%arg6 : memref<32x1024xf32, #tpu.memory_space<vmem>>) dst(%dma_wait3A_828 : memref<32x1024xf32, #tpu.memory_space<hbm>>)
    %dma_wait3A_829 = arith.constant 0 : i32
    %dma_wait3A_830 = tpu.memref_slice %arg4[%add3A_790, %dma_wait3A_829] : memref<16384x1024xf32, #tpu.memory_space<hbm>> -> memref<32x1024xf32, #tpu.memory_space<hbm>>
    %dma_wait3A_831 = arith.constant 0 : i32
    %dma_wait3A_832 = tpu.memref_slice %arg4[%add3A_790, %dma_wait3A_831] : memref<16384x1024xf32, #tpu.memory_space<hbm>> -> memref<32x1024xf32, #tpu.memory_space<hbm>>
    tpu.wait_dma2 semaphore(%arg13 : memref<!tpu.dma_semaphore, #tpu.memory_space<semaphore_mem>>) src(%arg7 : memref<32x1024xf32, #tpu.memory_space<vmem>>) dst(%dma_wait3A_832 : memref<32x1024xf32, #tpu.memory_space<hbm>>)
    return
  }
}

module attributes {stable_mosaic.version = 14 : i64} {
  func.func @_head_body(%arg0: i32, %arg1: memref<2048x128xf32, #tpu.memory_space<vmem>>, %arg2: memref<64x64xf32, #tpu.memory_space<vmem>>, %arg3: memref<1x64xf32, #tpu.memory_space<vmem>>, %arg4: memref<1x64xi32, #tpu.memory_space<vmem>>, %arg5: memref<64x1xi32, #tpu.memory_space<vmem>>, %arg6: memref<2048x128xf32, #tpu.memory_space<vmem>>, %arg7: memref<128x128xf32, #tpu.memory_space<vmem>>, %arg8: memref<128x128xf32, #tpu.memory_space<vmem>>, %arg9: memref<2x128xf32, #tpu.memory_space<vmem>>) attributes {dimension_semantics = [#tpu.dimension_semantics<arbitrary>], iteration_bounds = array<i64: 8>, scalar_prefetch = 0 : i64, scratch_operands = 3 : i64, tpu.core_type = #tpu.core_type<tc>, window_params = [{transform_indices = @transform_0, window_bounds = array<i64: 2048, 128>}, {pipeline_mode = #tpu.pipeline_mode<synchronous>, transform_indices = @transform_1, window_bounds = array<i64: 64, 64>}, {pipeline_mode = #tpu.pipeline_mode<synchronous>, transform_indices = @transform_2, window_bounds = array<i64: 1, 64>}, {pipeline_mode = #tpu.pipeline_mode<synchronous>, transform_indices = @transform_3, window_bounds = array<i64: 1, 64>}, {pipeline_mode = #tpu.pipeline_mode<synchronous>, transform_indices = @transform_4, window_bounds = array<i64: 64, 1>}, {transform_indices = @transform_5, window_bounds = array<i64: 2048, 128>}]} {
    %eq3A = arith.constant 0 : i32
    %eq3A_0 = arith.cmpi eq, %arg0, %eq3A : i32
    %convert_element_type3A = arith.extui %eq3A_0 : i1 to i32
    %cond3A = arith.constant 0 : i32
    %cond3A_1 = arith.cmpi ne, %convert_element_type3A, %cond3A : i32
    scf.if %cond3A_1 {
      %get3A_14 = arith.constant 0 : index
      %get3A_15 = arith.constant 0 : index
      %get3A_16 = vector.load %arg4[%get3A_14, %get3A_15] : memref<1x64xi32, #tpu.memory_space<vmem>>, vector<1x64xi32>
      %get3A_17 = arith.constant 0 : index
      %get3A_18 = arith.constant 0 : index
      %get3A_19 = vector.load %arg5[%get3A_17, %get3A_18] : memref<64x1xi32, #tpu.memory_space<vmem>>, vector<64x1xi32>
      %iota3A = tpu.iota {dimensions = array<i32: 0>} : vector<128x64xi32>
      %iota3A_20 = tpu.iota {dimensions = array<i32: 1>} : vector<64x128xi32>
      %eq3A_21 = vector.broadcast %get3A_16 : vector<1x64xi32> to vector<128x64xi32>
      %eq3A_22 = arith.cmpi eq, %iota3A, %eq3A_21 : vector<128x64xi32>
      %convert_element_type3A_23 = arith.extui %eq3A_22 : vector<128x64xi1> to vector<128x64xi32>
      %convert_element_type3A_24 = arith.sitofp %convert_element_type3A_23 : vector<128x64xi32> to vector<128x64xf32>
      %eq3A_25 = vector.broadcast %get3A_19 : vector<64x1xi32> to vector<64x128xi32>
      %eq3A_26 = arith.cmpi eq, %iota3A_20, %eq3A_25 : vector<64x128xi32>
      %convert_element_type3A_27 = arith.extui %eq3A_26 : vector<64x128xi1> to vector<64x128xi32>
      %convert_element_type3A_28 = arith.sitofp %convert_element_type3A_27 : vector<64x128xi32> to vector<64x128xf32>
      %get3A_29 = arith.constant 0 : index
      %get3A_30 = arith.constant 0 : index
      %get3A_31 = vector.load %arg2[%get3A_29, %get3A_30] : memref<64x64xf32, #tpu.memory_space<vmem>>, vector<64x64xf32>
      %abs3A = math.absf %get3A_31 : vector<64x64xf32>
      %dot_general3A_32 = arith.constant dense<0.000000e+00> : vector<128x64xf32>
      %dot_general3A_33 = tpu.matmul %convert_element_type3A_24, %abs3A, %dot_general3A_32 {dimension_numbers = #tpu.dot_dimension_numbers<[1], [1], [0], [0], [0, 0, 1, 0], [], []>, transpose_lhs_hint = false} : vector<128x64xf32>, vector<64x64xf32>, vector<128x64xf32> -> vector<128x64xf32>
      %dot_general3A_34 = arith.constant dense<0.000000e+00> : vector<128x128xf32>
      %dot_general3A_35 = tpu.matmul %dot_general3A_33, %convert_element_type3A_28, %dot_general3A_34 {dimension_numbers = #tpu.dot_dimension_numbers<[1], [0], [0], [1], [0, 0, 1, 1], [], []>, transpose_lhs_hint = false} : vector<128x64xf32>, vector<64x128xf32>, vector<128x128xf32> -> vector<128x128xf32>
      %swap3A_36 = arith.constant 0 : index
      %swap3A_37 = arith.constant 0 : index
      %swap3A_38 = vector.load %arg8[%swap3A_36, %swap3A_37] : memref<128x128xf32, #tpu.memory_space<vmem>>, vector<128x128xf32>
      tpu.vector_store %arg8[%swap3A_36, %swap3A_37], %dot_general3A_35 {strides = array<i32>} : memref<128x128xf32, #tpu.memory_space<vmem>>, vector<128x128xf32>,
      %reduce_max3A = arith.constant dense<0xFF800000> : vector<128xf32>
      %reduce_max3A_39 = vector.multi_reduction <maximumf>, %convert_element_type3A_28, %reduce_max3A [0] : vector<64x128xf32> to vector<128xf32>
      %broadcast_in_dim3A = vector.shape_cast %reduce_max3A_39 : vector<128xf32> to vector<1x128xf32>
      %sub3A = arith.constant 1.000000e+00 : f32
      %sub3A_40 = vector.broadcast %sub3A : f32 to vector<1x128xf32>
      %sub3A_41 = arith.subf %sub3A_40, %broadcast_in_dim3A : vector<1x128xf32>
      %swap3A_42 = arith.constant 1 : index
      %swap3A_43 = arith.constant 0 : index
      %swap3A_44 = vector.load %arg9[%swap3A_42, %swap3A_43] : memref<2x128xf32, #tpu.memory_space<vmem>>, vector<1x128xf32>
      tpu.vector_store %arg9[%swap3A_42, %swap3A_43], %sub3A_41 {strides = array<i32>} : memref<2x128xf32, #tpu.memory_space<vmem>>, vector<1x128xf32>,
    } else {
    }
    %get3A = arith.constant 0 : index
    %get3A_2 = arith.constant 0 : index
    %get3A_3 = vector.load %arg1[%get3A, %get3A_2] : memref<2048x128xf32, #tpu.memory_space<vmem>>, vector<2048x128xf32>
    %get3A_4 = arith.constant 0 : index
    %get3A_5 = arith.constant 0 : index
    %get3A_6 = vector.load %arg8[%get3A_4, %get3A_5] : memref<128x128xf32, #tpu.memory_space<vmem>>, vector<128x128xf32>
    %dot_general3A = arith.constant dense<0.000000e+00> : vector<2048x128xf32>
    %dot_general3A_7 = tpu.matmul %get3A_3, %get3A_6, %dot_general3A {dimension_numbers = #tpu.dot_dimension_numbers<[1], [0], [0], [1], [0, 0, 1, 1], [], []>, transpose_lhs_hint = false} : vector<2048x128xf32>, vector<128x128xf32>, vector<2048x128xf32> -> vector<2048x128xf32>
    %get3A_8 = arith.constant 1 : index
    %get3A_9 = arith.constant 0 : index
    %get3A_10 = vector.load %arg9[%get3A_8, %get3A_9] : memref<2x128xf32, #tpu.memory_space<vmem>>, vector<1x128xf32>
    %mul3A = vector.broadcast %get3A_10 : vector<1x128xf32> to vector<2048x128xf32>
    %mul3A_11 = arith.mulf %get3A_3, %mul3A : vector<2048x128xf32>
    %add3A = arith.addf %mul3A_11, %dot_general3A_7 : vector<2048x128xf32>
    %swap3A = arith.constant 0 : index
    %swap3A_12 = arith.constant 0 : index
    %swap3A_13 = vector.load %arg6[%swap3A, %swap3A_12] : memref<2048x128xf32, #tpu.memory_space<vmem>>, vector<2048x128xf32>
    tpu.vector_store %arg6[%swap3A, %swap3A_12], %add3A {strides = array<i32>} : memref<2048x128xf32, #tpu.memory_space<vmem>>, vector<2048x128xf32>,
    return
  }
  func.func @transform_0(%arg0: i32) -> (i32, i32) {
    %c0_i32 = arith.constant 0 : i32
    %c0_i32_0 = arith.constant 0 : i32
    return %arg0, %c0_i32 : i32, i32
  }
  func.func @transform_1(%arg0: i32) -> (i32, i32) {
    %c0_i32 = arith.constant 0 : i32
    %c0_i32_0 = arith.constant 0 : i32
    %c0_i32_1 = arith.constant 0 : i32
    return %c0_i32, %c0_i32_0 : i32, i32
  }
  func.func @transform_2(%arg0: i32) -> (i32, i32) {
    %c0_i32 = arith.constant 0 : i32
    %c0_i32_0 = arith.constant 0 : i32
    %c0_i32_1 = arith.constant 0 : i32
    return %c0_i32, %c0_i32_0 : i32, i32
  }
  func.func @transform_3(%arg0: i32) -> (i32, i32) {
    %c0_i32 = arith.constant 0 : i32
    %c0_i32_0 = arith.constant 0 : i32
    %c0_i32_1 = arith.constant 0 : i32
    return %c0_i32, %c0_i32_0 : i32, i32
  }
  func.func @transform_4(%arg0: i32) -> (i32, i32) {
    %c0_i32 = arith.constant 0 : i32
    %c0_i32_0 = arith.constant 0 : i32
    %c0_i32_1 = arith.constant 0 : i32
    return %c0_i32, %c0_i32_0 : i32, i32
  }
  func.func @transform_5(%arg0: i32) -> (i32, i32) {
    %c0_i32 = arith.constant 0 : i32
    %c0_i32_0 = arith.constant 0 : i32
    return %arg0, %c0_i32 : i32, i32
  }
}

module attributes {stable_mosaic.version = 14 : i64} {
  func.func @_c_body(%arg0: i32, %arg1: memref<1024x1024xf32, #tpu.memory_space<vmem>>, %arg2: memref<64x64xf32, #tpu.memory_space<vmem>>, %arg3: memref<1x64xf32, #tpu.memory_space<vmem>>, %arg4: memref<1x64xi32, #tpu.memory_space<vmem>>, %arg5: memref<64x1xi32, #tpu.memory_space<vmem>>, %arg6: memref<1024x1024xf32, #tpu.memory_space<vmem>>, %arg7: memref<128x128xf32, #tpu.memory_space<vmem>>, %arg8: memref<128x128xf32, #tpu.memory_space<vmem>>, %arg9: memref<2x128xf32, #tpu.memory_space<vmem>>) attributes {dimension_semantics = [#tpu.dimension_semantics<arbitrary>], iteration_bounds = array<i64: 16>, scalar_prefetch = 0 : i64, scratch_operands = 3 : i64, tpu.core_type = #tpu.core_type<tc>, window_params = [{transform_indices = @transform_0, window_bounds = array<i64: 1024, 1024>}, {pipeline_mode = #tpu.pipeline_mode<synchronous>, transform_indices = @transform_1, window_bounds = array<i64: 64, 64>}, {pipeline_mode = #tpu.pipeline_mode<synchronous>, transform_indices = @transform_2, window_bounds = array<i64: 1, 64>}, {pipeline_mode = #tpu.pipeline_mode<synchronous>, transform_indices = @transform_3, window_bounds = array<i64: 1, 64>}, {pipeline_mode = #tpu.pipeline_mode<synchronous>, transform_indices = @transform_4, window_bounds = array<i64: 64, 1>}, {transform_indices = @transform_5, window_bounds = array<i64: 1024, 1024>}]} {
    %eq3A = arith.constant 0 : i32
    %eq3A_0 = arith.cmpi eq, %arg0, %eq3A : i32
    %convert_element_type3A = arith.extui %eq3A_0 : i1 to i32
    %cond3A = arith.constant 0 : i32
    %cond3A_1 = arith.cmpi ne, %convert_element_type3A, %cond3A : i32
    scf.if %cond3A_1 {
      %get3A_25 = arith.constant 0 : index
      %get3A_26 = arith.constant 0 : index
      %get3A_27 = vector.load %arg4[%get3A_25, %get3A_26] : memref<1x64xi32, #tpu.memory_space<vmem>>, vector<1x64xi32>
      %get3A_28 = arith.constant 0 : index
      %get3A_29 = arith.constant 0 : index
      %get3A_30 = vector.load %arg5[%get3A_28, %get3A_29] : memref<64x1xi32, #tpu.memory_space<vmem>>, vector<64x1xi32>
      %iota3A = tpu.iota {dimensions = array<i32: 0>} : vector<128x64xi32>
      %iota3A_31 = tpu.iota {dimensions = array<i32: 1>} : vector<64x128xi32>
      %eq3A_32 = vector.broadcast %get3A_27 : vector<1x64xi32> to vector<128x64xi32>
      %eq3A_33 = arith.cmpi eq, %iota3A, %eq3A_32 : vector<128x64xi32>
      %convert_element_type3A_34 = arith.extui %eq3A_33 : vector<128x64xi1> to vector<128x64xi32>
      %convert_element_type3A_35 = arith.sitofp %convert_element_type3A_34 : vector<128x64xi32> to vector<128x64xf32>
      %eq3A_36 = vector.broadcast %get3A_30 : vector<64x1xi32> to vector<64x128xi32>
      %eq3A_37 = arith.cmpi eq, %iota3A_31, %eq3A_36 : vector<64x128xi32>
      %convert_element_type3A_38 = arith.extui %eq3A_37 : vector<64x128xi1> to vector<64x128xi32>
      %convert_element_type3A_39 = arith.sitofp %convert_element_type3A_38 : vector<64x128xi32> to vector<64x128xf32>
      %get3A_40 = arith.constant 0 : index
      %get3A_41 = arith.constant 0 : index
      %get3A_42 = vector.load %arg2[%get3A_40, %get3A_41] : memref<64x64xf32, #tpu.memory_space<vmem>>, vector<64x64xf32>
      %abs3A = math.absf %get3A_42 : vector<64x64xf32>
      %dot_general3A_43 = arith.constant dense<0.000000e+00> : vector<128x64xf32>
      %dot_general3A_44 = tpu.matmul %convert_element_type3A_35, %abs3A, %dot_general3A_43 {dimension_numbers = #tpu.dot_dimension_numbers<[1], [1], [0], [0], [0, 0, 1, 0], [], []>, transpose_lhs_hint = false} : vector<128x64xf32>, vector<64x64xf32>, vector<128x64xf32> -> vector<128x64xf32>
      %dot_general3A_45 = arith.constant dense<0.000000e+00> : vector<128x128xf32>
      %dot_general3A_46 = tpu.matmul %dot_general3A_44, %convert_element_type3A_39, %dot_general3A_45 {dimension_numbers = #tpu.dot_dimension_numbers<[1], [0], [0], [1], [0, 0, 1, 1], [], []>, transpose_lhs_hint = false} : vector<128x64xf32>, vector<64x128xf32>, vector<128x128xf32> -> vector<128x128xf32>
      %swap3A_47 = arith.constant 0 : index
      %swap3A_48 = arith.constant 0 : index
      %swap3A_49 = vector.load %arg8[%swap3A_47, %swap3A_48] : memref<128x128xf32, #tpu.memory_space<vmem>>, vector<128x128xf32>
      tpu.vector_store %arg8[%swap3A_47, %swap3A_48], %dot_general3A_46 {strides = array<i32>} : memref<128x128xf32, #tpu.memory_space<vmem>>, vector<128x128xf32>,
      %dot_general3A_50 = arith.constant dense<0.000000e+00> : vector<128x64xf32>
      %dot_general3A_51 = tpu.matmul %convert_element_type3A_35, %get3A_42, %dot_general3A_50 {dimension_numbers = #tpu.dot_dimension_numbers<[1], [1], [0], [0], [0, 0, 1, 0], [], []>, transpose_lhs_hint = false} : vector<128x64xf32>, vector<64x64xf32>, vector<128x64xf32> -> vector<128x64xf32>
      %dot_general3A_52 = arith.constant dense<0.000000e+00> : vector<128x128xf32>
      %dot_general3A_53 = tpu.matmul %dot_general3A_51, %convert_element_type3A_39, %dot_general3A_52 {dimension_numbers = #tpu.dot_dimension_numbers<[1], [0], [0], [1], [0, 0, 1, 1], [], []>, transpose_lhs_hint = false} : vector<128x64xf32>, vector<64x128xf32>, vector<128x128xf32> -> vector<128x128xf32>
      %swap3A_54 = arith.constant 0 : index
      %swap3A_55 = arith.constant 0 : index
      %swap3A_56 = vector.load %arg7[%swap3A_54, %swap3A_55] : memref<128x128xf32, #tpu.memory_space<vmem>>, vector<128x128xf32>
      tpu.vector_store %arg7[%swap3A_54, %swap3A_55], %dot_general3A_53 {strides = array<i32>} : memref<128x128xf32, #tpu.memory_space<vmem>>, vector<128x128xf32>,
      %get3A_57 = arith.constant 0 : index
      %get3A_58 = arith.constant 0 : index
      %get3A_59 = vector.load %arg3[%get3A_57, %get3A_58] : memref<1x64xf32, #tpu.memory_space<vmem>>, vector<1x64xf32>
      %dot_general3A_60 = arith.constant dense<0.000000e+00> : vector<1x128xf32>
      %dot_general3A_61 = tpu.matmul %get3A_59, %convert_element_type3A_39, %dot_general3A_60 {dimension_numbers = #tpu.dot_dimension_numbers<[1], [0], [0], [1], [0, 0, 1, 1], [], []>, transpose_lhs_hint = false} : vector<1x64xf32>, vector<64x128xf32>, vector<1x128xf32> -> vector<1x128xf32>
      %swap3A_62 = arith.constant 0 : index
      %swap3A_63 = arith.constant 0 : index
      %swap3A_64 = vector.load %arg9[%swap3A_62, %swap3A_63] : memref<2x128xf32, #tpu.memory_space<vmem>>, vector<1x128xf32>
      tpu.vector_store %arg9[%swap3A_62, %swap3A_63], %dot_general3A_61 {strides = array<i32>} : memref<2x128xf32, #tpu.memory_space<vmem>>, vector<1x128xf32>,
      %reduce_max3A = arith.constant dense<0xFF800000> : vector<128xf32>
      %reduce_max3A_65 = vector.multi_reduction <maximumf>, %convert_element_type3A_39, %reduce_max3A [0] : vector<64x128xf32> to vector<128xf32>
      %broadcast_in_dim3A = vector.shape_cast %reduce_max3A_65 : vector<128xf32> to vector<1x128xf32>
      %sub3A = arith.constant 1.000000e+00 : f32
      %sub3A_66 = vector.broadcast %sub3A : f32 to vector<1x128xf32>
      %sub3A_67 = arith.subf %sub3A_66, %broadcast_in_dim3A : vector<1x128xf32>
      %swap3A_68 = arith.constant 1 : index
      %swap3A_69 = arith.constant 0 : index
      %swap3A_70 = vector.load %arg9[%swap3A_68, %swap3A_69] : memref<2x128xf32, #tpu.memory_space<vmem>>, vector<1x128xf32>
      tpu.vector_store %arg9[%swap3A_68, %swap3A_69], %sub3A_67 {strides = array<i32>} : memref<2x128xf32, #tpu.memory_space<vmem>>, vector<1x128xf32>,
    } else {
    }
    %get3A = arith.constant 0 : index
    %get3A_2 = arith.constant 0 : index
    %get3A_3 = vector.load %arg1[%get3A, %get3A_2] : memref<1024x1024xf32, #tpu.memory_space<vmem>>, vector<1024x1024xf32>
    %swap3A = arith.constant 0 : index
    %swap3A_4 = arith.constant 0 : index
    %swap3A_5 = vector.load %arg6[%swap3A, %swap3A_4] : memref<1024x1024xf32, #tpu.memory_space<vmem>>, vector<1024x1024xf32>
    tpu.vector_store %arg6[%swap3A, %swap3A_4], %get3A_3 {strides = array<i32>} : memref<1024x1024xf32, #tpu.memory_space<vmem>>, vector<1024x1024xf32>,
    %get3A_6 = arith.constant 0 : index
    %get3A_7 = arith.constant 0 : index
    %get3A_8 = vector.load %arg1[%get3A_6, %get3A_7] : memref<1024x1024xf32, #tpu.memory_space<vmem>>, vector<1024x128xf32>
    %get3A_9 = arith.constant 0 : index
    %get3A_10 = arith.constant 0 : index
    %get3A_11 = vector.load %arg7[%get3A_9, %get3A_10] : memref<128x128xf32, #tpu.memory_space<vmem>>, vector<128x128xf32>
    %dot_general3A = arith.constant dense<0.000000e+00> : vector<1024x128xf32>
    %dot_general3A_12 = tpu.matmul %get3A_8, %get3A_11, %dot_general3A {dimension_numbers = #tpu.dot_dimension_numbers<[1], [0], [0], [1], [0, 0, 1, 1], [], []>, transpose_lhs_hint = false} : vector<1024x128xf32>, vector<128x128xf32>, vector<1024x128xf32> -> vector<1024x128xf32>
    %get3A_13 = arith.constant 1 : index
    %get3A_14 = arith.constant 0 : index
    %get3A_15 = vector.load %arg9[%get3A_13, %get3A_14] : memref<2x128xf32, #tpu.memory_space<vmem>>, vector<1x128xf32>
    %mul3A = vector.broadcast %get3A_15 : vector<1x128xf32> to vector<1024x128xf32>
    %mul3A_16 = arith.mulf %get3A_8, %mul3A : vector<1024x128xf32>
    %add3A = arith.addf %mul3A_16, %dot_general3A_12 : vector<1024x128xf32>
    %get3A_17 = arith.constant 0 : index
    %get3A_18 = arith.constant 0 : index
    %get3A_19 = vector.load %arg9[%get3A_17, %get3A_18] : memref<2x128xf32, #tpu.memory_space<vmem>>, vector<1x128xf32>
    %add3A_20 = vector.broadcast %get3A_19 : vector<1x128xf32> to vector<1024x128xf32>
    %add3A_21 = arith.addf %add3A, %add3A_20 : vector<1024x128xf32>
    %swap3A_22 = arith.constant 0 : index
    %swap3A_23 = arith.constant 0 : index
    %swap3A_24 = vector.load %arg6[%swap3A_22, %swap3A_23] : memref<1024x1024xf32, #tpu.memory_space<vmem>>, vector<1024x128xf32>
    tpu.vector_store %arg6[%swap3A_22, %swap3A_23], %add3A_21 {strides = array<i32>} : memref<1024x1024xf32, #tpu.memory_space<vmem>>, vector<1024x128xf32>,
    return
  }
  func.func @transform_0(%arg0: i32) -> (i32, i32) {
    %c0_i32 = arith.constant 0 : i32
    %c0_i32_0 = arith.constant 0 : i32
    return %arg0, %c0_i32 : i32, i32
  }
  func.func @transform_1(%arg0: i32) -> (i32, i32) {
    %c0_i32 = arith.constant 0 : i32
    %c0_i32_0 = arith.constant 0 : i32
    %c0_i32_1 = arith.constant 0 : i32
    return %c0_i32, %c0_i32_0 : i32, i32
  }
  func.func @transform_2(%arg0: i32) -> (i32, i32) {
    %c0_i32 = arith.constant 0 : i32
    %c0_i32_0 = arith.constant 0 : i32
    %c0_i32_1 = arith.constant 0 : i32
    return %c0_i32, %c0_i32_0 : i32, i32
  }
  func.func @transform_3(%arg0: i32) -> (i32, i32) {
    %c0_i32 = arith.constant 0 : i32
    %c0_i32_0 = arith.constant 0 : i32
    %c0_i32_1 = arith.constant 0 : i32
    return %c0_i32, %c0_i32_0 : i32, i32
  }
  func.func @transform_4(%arg0: i32) -> (i32, i32) {
    %c0_i32 = arith.constant 0 : i32
    %c0_i32_0 = arith.constant 0 : i32
    %c0_i32_1 = arith.constant 0 : i32
    return %c0_i32, %c0_i32_0 : i32, i32
  }
  func.func @transform_5(%arg0: i32) -> (i32, i32) {
    %c0_i32 = arith.constant 0 : i32
    %c0_i32_0 = arith.constant 0 : i32
    return %arg0, %c0_i32 : i32, i32
  }
}

</mosaic_0001>

<sc_bundles>
// kernel: kernel.5.cloned.1.call-start
scs
__scs_entry_jumppad:
0x0: {  	(pc) =	sbr.rel $0x88, $3  }
0x1: {  	(tag) =	ssettag $0x0;
	lr =	simm.s32 $0x1  }
0x2: {  	[smem:$0x3F9B] =	sst lr;
	_ =	strace $0xD0000000  }
0x3: {  	_ = 	snop  }
0x4: {  	_ = 	snop  }
0x5: {  	_ = 	snop  }
0x6: {  	_ = 	snop  }
0x7: {  	_ = 	snop  }
__scs_overlays_trampoline_lowered:
0x8: {  	[smem:$0x3FAA] =	sst s0  }
0x9: {  	[smem:$0x3FAB] =	sst s1  }
0xa: {  	[smem:$0x3FAC] =	sst s2  }
0xb: {  	[smem:$0x3FAD] =	sst s3  }
0xc: {  	[smem:$0x3FAE] =	sst s4  }
0xd: {  	[smem:$0x3FAF] =	sst s5  }
0xe: {  	[smem:$0x3FB0] =	sst s6  }
0xf: {  	[smem:$0x3FB1] =	sst s7  }
0x10: {  	[smem:$0x3FB2] =	sst s8  }
0x11: {  	[smem:$0x3FB3] =	sst s9;
	s0 =	simm.s32 @!p0 $0x0  }
0x12: {  	s1 =	sld [smem:$0x3F99];
	s0 =	simm.s32 @p0 $0x1  }
0x13: {  	[smem:$0x3FB4] =	sst s0;
	s0 =	simm.s32 @!p1 $0x0  }
0x14: {  	s2 =	sld [smem:$0x3F98];
	s0 =	simm.s32 @p1 $0x1  }
0x15: {  	[smem:$0x3FB5] =	sst s0;
	s0 =	simm.s32 @!p2 $0x0  }
0x16: {  	s3 =	sld [smem:$0x3FDB];
	s0 =	simm.s32 @p2 $0x1  }
0x17: {  	s4 =	simm.s32 $0x1BF5;
	[smem:$0x3FB7] =	sst s0  }
0x18: {  	s0 =	sld [smem:$0x3F9A];
	_ =	swait.ge [sflag:s4], $0x0  }
0x19: {  	s7 =	sld [smem:$0x3F9B]  }
0x1a: {  	s8 =	sadd.s32 $0xFFFFE003, lr  }
0x1b: {  	s9 =	sadd.s32 $0xFFFFFEF7, lr;
	s5 =	simm.s32 $0xFFFFFFFF;
	p2 =	slt.u32 s8, $0xFFFFF086  }
0x1c: {  	p1 =	slt.u32 s9, $0xF7A;
	s5 =	simm.s32 @!p2 $0x0  }
0x1d: {  	s5 =	simm.s32 @p1 $0x1;
	p0 =	seq.s32 s7, s2  }
0x1e: {  	s7 =	smul.u32 @!p0 $0xF7A, s2;
	p2 =	seq.s32 @!p0 s5, $0x0  }
0x1f: {  	s9 =	smul.u32 $0xF7A, s1;
	s8 =	simm.s32 @!p0 $0x1BF5;
	p2 =	por !p2, p0  }
0x20: {  	[sflag:s8] =	ssyncset.s32 @!p0 $0xFFFFF086;
	s6 =	sadd.s32 @!p0 s3, s7;
	s7 =	simm.s32 @!p0 $0x108  }
0x21: {  	s3 =	sadd.s32 s3, s9;
	s6 =	sadd.s32 @!p0 $0x88, s6;
	s7 =	simm.s32 @p2 $0x1082  }
0x22: {  	[simem:s7], [sflag:s8] =	dma.local @!p0 [hbm:s6], $0xF7A  }
0x23: {  	s9 =	sor.u32 $0xD0000000, s2;
	s6 =	simm.s32 $0x108;
	_ =	swait.ge @!p0 [sflag:s8], $0x0  }
0x24: {  	s3 =	sadd.s32 $0x88, s3;
	s6 =	simm.s32 @!p1 $0x1082;
	[sflag:s4] =	ssyncset.s32 $0xFFFFF086  }
0x25: {  	[simem:s6], [sflag:s4] =	dma.local [hbm:s3], $0xF7A  }
0x26: {  	[smem:$0x3F9B] =	sst s1;
	(tag) =	ssettag s2;
	_ =	strace s9  }
0x27: {  	s1 =	sld [smem:$0x3FAB]  }
0x28: {  	s2 =	sld [smem:$0x3FAC]  }
0x29: {  	s4 =	sld [smem:$0x3FAE]  }
0x2a: {  	p0 =	seq.s32 s5, $0x0;
	s5 =	sld [smem:$0x3FAF]  }
0x2b: {  	s6 =	sld [smem:$0x3FB0]  }
0x2c: {  	s7 =	sld [smem:$0x3FB1]  }
0x2d: {  	s3 =	simm.s32 $0x108;
	s8 =	sld [smem:$0x3FB2]  }
0x2e: {  	s3 =	simm.s32 @!p0 $0x1082;
	s9 =	sld [smem:$0x3FB3]  }
0x2f: {  	lr =	sadd.s32 s0, s3;
	s0 =	sld [smem:$0x3FAA]  }
0x30: {  	s3 =	sld [smem:$0x3FAD]  }
0x31: {  	[smem:$0x3FB6] =	sst s10  }
0x32: {  	s10 =	sld [smem:$0x3FB4];
	_ =	sdelay $0x3  }
0x33: {  	p0 =	seq.s32 s10, $0x1;
	s10 =	sld [smem:$0x3FB6];
	_ =	sdelay $0x3  }
0x34: {  	[smem:$0x3FB6] =	sst s10  }
0x35: {  	s10 =	sld [smem:$0x3FB5];
	_ =	sdelay $0x3  }
0x36: {  	p1 =	seq.s32 s10, $0x1;
	s10 =	sld [smem:$0x3FB6];
	_ =	sdelay $0x3  }
0x37: {  	[smem:$0x3FB6] =	sst s10  }
0x38: {  	s10 =	sld [smem:$0x3FB7]  }
0x39: {  	_ = 	snop;
	(pc) =	sbr.ind lr, $3  }
0x3a: {  	_ = 	snop  }
0x3b: {  	_ = 	snop  }
0x3c: {  	p2 =	seq.s32 s10, $0x1;
	s10 =	sld [smem:$0x3FB6]  }
0x3d: {  	_ =	shalt  }
0x3e: {  	_ =	shalt  }
0x3f: {  	_ =	shalt  }
0x40: {  	_ =	shalt  }
0x41: {  	_ =	shalt  }
0x42: {  	_ =	shalt  }
0x43: {  	_ =	shalt  }
0x44: {  	_ =	shalt  }
0x45: {  	_ =	shalt  }
0x46: {  	_ =	shalt  }
0x47: {  	_ =	shalt  }
0x48: {  	_ =	shalt  }
0x49: {  	_ =	shalt  }
0x4a: {  	_ =	shalt  }
0x4b: {  	_ =	shalt  }
0x4c: {  	_ =	shalt  }
0x4d: {  	_ =	shalt  }
0x4e: {  	_ =	shalt  }
0x4f: {  	_ =	shalt  }
0x50: {  	_ =	shalt  }
0x51: {  	_ =	shalt  }
0x52: {  	_ =	shalt  }
0x53: {  	_ =	shalt  }
0x54: {  	_ =	shalt  }
0x55: {  	_ =	shalt  }
0x56: {  	_ =	shalt  }
0x57: {  	_ =	shalt  }
0x58: {  	_ =	shalt  }
0x59: {  	_ =	shalt  }
0x5a: {  	_ =	shalt  }
0x5b: {  	_ =	shalt  }
0x5c: {  	_ =	shalt  }
0x5d: {  	_ =	shalt  }
0x5e: {  	_ =	shalt  }
0x5f: {  	_ =	shalt  }
0x60: {  	_ =	shalt  }
0x61: {  	_ =	shalt  }
0x62: {  	_ =	shalt  }
0x63: {  	_ =	shalt  }
0x64: {  	_ =	shalt  }
0x65: {  	_ =	shalt  }
0x66: {  	_ =	shalt  }
0x67: {  	_ =	shalt  }
0x68: {  	_ =	shalt  }
0x69: {  	_ =	shalt  }
0x6a: {  	_ =	shalt  }
0x6b: {  	_ =	shalt  }
0x6c: {  	_ =	shalt  }
0x6d: {  	_ =	shalt  }
0x6e: {  	_ =	shalt  }
0x6f: {  	_ =	shalt  }
0x70: {  	_ =	shalt  }
0x71: {  	_ =	shalt  }
0x72: {  	_ =	shalt  }
0x73: {  	_ =	shalt  }
0x74: {  	_ =	shalt  }
0x75: {  	_ =	shalt  }
0x76: {  	_ =	shalt  }
0x77: {  	_ =	shalt  }
0x78: {  	_ =	shalt  }
0x79: {  	_ =	shalt  }
0x7a: {  	_ =	shalt  }
0x7b: {  	_ =	shalt  }
0x7c: {  	_ =	shalt  }
0x7d: {  	_ =	shalt  }
0x7e: {  	_ =	shalt  }
0x7f: {  	_ =	shalt  }
0x80: {  	_ =	shalt  }
0x81: {  	_ =	shalt  }
0x82: {  	_ =	shalt  }
0x83: {  	_ =	shalt  }
0x84: {  	_ =	shalt  }
0x85: {  	_ =	shalt  }
0x86: {  	_ =	shalt  }
0x87: {  	_ =	shalt  }
.Lfunc_end0:
.L_simem_size_0:
called_computation_lowered:
.L_overlay_start_0:
0x88: {  	s2 =	sld [smem:$0x3FD9]  }
0x89: {  	s3 =	sld [smem:$0x3FFE];
	_ =	sdelay $0x1  }
0x8a: {  	s1 =	srdreg.scid  }
0x8b: {  	s0 =	sand.u32 $0x1, s1  }
0x8c: {  	s14 =	sshll.u32 s0, $0xA;
	s2 =	sadd.s32 s3, s2  }
0x8d: {  	s2 =	sadd.s32 s2, s14  }
0x8e: {  	[smem:$0x3FC2] =	sst s2  }
0x8f: {  	_ = 	snop  }
0x90: {  	s2 =	sld [smem:$0x3FD0];
	_ =	sdelay $0x2  }
0x91: {  	s4 =	simm.s32 $0xA;
	s5 =	simm.s32 $0x10;
	s15 =	sld [smem:$0x3FC8]  }
0x92: {  	[smem:s5], [sflag:s4] =	dma.local [hbm:s2], $0x1  }
0x93: {  	_ =	swait.eq [sflag:s4], $0x1  }
0x94: {  	[sflag:s4] =	ssyncset.done $0x0  }
0x95: {  	[sflag:s4] =	ssyncadd.s32 $0xFFFFFFFF  }
0x96: {  	s16 =	sld [smem:$0x11];
	(tm) =	ssettm $0x1  }
0x97: {  	s17 =	sld [smem:$0x3FFB];
	_ =	sdelay $0x3  }
0x98: {  	_ =	strace s17  }
0x99: {  	s4 =	sld [smem:$0x3FFC];
	_ =	sdelay $0x3  }
0x9a: {  	_ =	strace s4  }
0x9b: {  	s4 =	sld [smem:$0x3FFD];
	_ =	sdelay $0x3  }
0x9c: {  	_ =	strace s4  }
0x9d: {  	_ =	strace $0x8FFFFFFF  }
0x9e: {  	s18 =	sld [smem:$0x3FDB];
	_ =	sdelay $0x1  }
0x9f: {  	s19 =	simm.s32 $_scs_section_size  }
0xa0: {  	s6 =	simm.s32 $_size__tile_overlayer_lowered;
	s7 =	simm.s32 $_tile_overlayer_lowered  }
0xa1: {  	s22 =	simm.s32 $0x1BFF;
	s21 =	sshll.u32 s7, $0x1;
	s4 =	sadd.s32 s19, s18  }
0xa2: {  	s8 =	simm.s32 $0x0;
	s20 =	sshll.u32 s6, $0x1;
	s6 =	sadd.s32 s21, s4  }
0xa3: {  	[timem:s8], [sflag:s22] =	dma.local [hbm:s6], s20  }
0xa4: {  	_ =	swait.ge [sflag:s22], s20  }
0xa5: {  	s5 =	ssub.s32 $0x0, s20;
	[sflag:s22] =	ssyncset.done $0x0  }
0xa6: {  	[sflag:s22] =	ssyncadd.s32 s5;
	_ =	sdelay $0x1  }
0xa7: {  	s23 =	simm.s32 $0x1B8B  }
0xa8: {  	_ =	swait.ge [sflag:s23], $0x1  }
0xa9: {  	[sflag:s23] =	ssyncset.done $0x0  }
0xaa: {  	s25 =	simm.s32 $0x1B8E;
	s24 =	sld [smem:$0x3FFE];
	[sflag:s23] =	ssyncadd.s32 $0xFFFFFFFF  }
0xab: {  	s26 =	simm.s32 $execute0_lowered;
	[smem:$0x3FD2] =	sst s25  }
0xac: {  	s6 =	sshll.u32 s26, $0x1;
	_ =	strace $0x80000046;
	[dreg:$0x1] =	wrdreg $0xFFFFFFFF  }
0xad: {  	s28 =	simm.s32 $_size_execute0_lowered;
	s4 =	sadd.s32 s4, s6;
	[dreg:$0x0] =	wrdreg $0x0  }
0xae: {  	s6 =	sshll.u32 s28, $0x1;
	[dreg:$0x2] =	wrdreg s4  }
0xaf: {  	[dreg:$0x3] =	wrdreg s6  }
0xb0: {  	[dreg:$0x4] =	wrdreg $0xC0  }
0xb1: {  	_ =	task [dreg:s8], $0x5FFFF  }
0xb2: {  	[dreg:$0x1] =	wrdreg $0xFFFFFFFF  }
0xb3: {  	[dreg:$0x0] =	wrdreg $0x60  }
0xb4: {  	[dreg:$0x2] =	wrdreg s24  }
0xb5: {  	[dreg:$0x3] =	wrdreg s15  }
0xb6: {  	[dreg:$0x4] =	wrdreg s16  }
0xb7: {  	[dreg:$0x5] =	wrdreg $0x9  }
0xb8: {  	_ =	task.clear_ibuf [dreg:s8], $0x6FFFF;
	_ =	strace $0x90000046  }
0xb9: {  	s29 =	simm.s32 $0x9;
	_ =	strace $0x80000048  }
0xba: {  	_ =	swait.ge [sflag:s29], $0x1  }
0xbb: {  	[sflag:s29] =	ssyncadd.s32 $0xFFFFFFFF  }
0xbc: {  	_ =	strace $0x90000048  }
0xbd: {  	_ =	sfence  }
0xbe: {  	s30 =	sld [smem:$0x0];
	_ =	sdelay $0x2  }
0xbf: {  	s31 =	sshll.u32 s1, $0xD;
	s1 =	sshrl.u32 s1, $0x2  }
0xc0: {  	s3 =	sand.u32 $0x4000, s31;
	s1 =	sadd.s32 s1, s30  }
0xc1: {  	s0 =	sor.u32 s3, s0;
	s1 =	sshll.u32 s1, $0x11  }
0xc2: {  	s0 =	sor.u32 s1, s0  }
0xc3: {  	s0 =	sadd.s32 $0x8F2B, s0  }
0xc4: {  	[sflag:s0] =	ssyncadd.remote.s32 $0x1  }
0xc5: {  	_ =	sfence.sel $0xFFFF  }
0xc6: {  	[dreg:$0x0] =	wrdreg $0xFFFFFFFF;
	(pc) =	sbr.abs _section_cstart, $3  }
0xc7: {  	[dreg:$0x1] =	wrdreg $0xFFFFFFFF  }
0xc8: {  	_ =	task.clear_ibuf [dreg:s8], $0x2FFFF;
	_ =	strace $0x9FFFFFFF  }
0xc9: {  	(tm) =	ssettm $0x7FFFFFFF  }
tec
execute0_lowered:
.L_overlay_start_1:
0x0: {  	(tag) =	ssettag $0x1  }
0x1: {  	s0 =	rddreg [dreg:$0x0];
	s1 =	srdreg.scid  }
0x2: {  	s2 =	stileid.u32;
	s9 =	sand.u32 $0x1, s1;
	s1 =	rddreg [dreg:$0x2]  }
0x3: {  	s3 =	sshll.u32 s2, $0xA;
	s2 =	simm.s32 $0x0;
	s4 =	sshll.u32 s9, $0x9  }
0x4: {  	s0 =	sadd.s32 $0xC00, s0;
	[smem:$0x7FF] =	sst s2;
	s21 =	sor.u32 s4, s3  }
0x5: {  	_ =	strace $0x80000047;
	s4 =	sshrl.u32 s21, $0x3;
	s6 =	sshll.u32 s21, $0x7  }
0x6: {  	s3 =	sshll.u32 s21, $0x4;
	s29 =	sor.u32 $0x4, s4;
	s23 =	sadd.s32 s1, s6  }
0x7: {  	s16 =	sor.u32 $0x8, s4;
	s3 =	sadd.s32 s0, s3;
	[dreg:$0x4] =	wrdreg s23  }
0x8: {  	s12 =	sor.u32 $0xC, s4;
	s5 =	sshll.u32 s16, $0xA;
	[smem:$0x7D5] =	sst s3  }
0x9: {  	s15 =	sor.u32 $0x10, s4;
	s7 =	sshll.u32 s12, $0xA;
	[smem:$0x7E9] =	sst s5  }
0xa: {  	s17 =	sor.u32 $0x14, s4;
	s26 =	sshll.u32 s15, $0xA;
	[smem:$0x7EA] =	sst s7  }
0xb: {  	s18 =	sor.u32 $0x18, s4;
	s8 =	sshll.u32 s17, $0xA;
	[smem:$0x7EC] =	sst s26  }
0xc: {  	s22 =	sshll.u32 s29, $0xA;
	s30 =	sshll.u32 s18, $0xA;
	[smem:$0x7EE] =	sst s8  }
0xd: {  	s24 =	sadd.s32 s1, s22;
	[smem:$0x7F0] =	sst s30  }
0xe: {  	s25 =	sadd.s32 s1, s5;
	[dreg:$0x5] =	wrdreg s24  }
0xf: {  	s28 =	sadd.s32 s1, s7;
	[dreg:$0x6] =	wrdreg s25  }
0x10: {  	s19 =	sor.u32 $0x1C, s4;
	s31 =	sadd.s32 s1, s26;
	[dreg:$0x7] =	wrdreg s28  }
0x11: {  	s5 =	sadd.s32 s1, s8;
	s8 =	sshll.u32 s19, $0xA;
	[dreg:$0x8] =	wrdreg s31  }
0x12: {  	s23 =	sor.u32 $0x20, s4;
	[smem:$0x7F2] =	sst s8  }
0x13: {  	s10 =	sadd.s32 s1, s30;
	s7 =	sshll.u32 s23, $0xA;
	[dreg:$0x9] =	wrdreg s5  }
0x14: {  	s26 =	sor.u32 $0x28, s4;
	s30 =	sor.u32 $0x30, s4;
	[dreg:$0xa] =	wrdreg s10  }
0x15: {  	s11 =	sadd.s32 s1, s8;
	s24 =	sor.u32 $0x24, s4;
	s13 =	sadd.s32 s1, s7  }
0x16: {  	s10 =	sshll.u32 s26, $0xA;
	s28 =	sor.u32 $0x2C, s4;
	[dreg:$0xb] =	wrdreg s11  }
0x17: {  	s31 =	sor.u32 $0x34, s4;
	s8 =	sshll.u32 s24, $0xA;
	[dreg:$0xc] =	wrdreg s13  }
0x18: {  	s20 =	sadd.s32 s1, s10;
	s11 =	sshll.u32 s28, $0xA;
	s13 =	sshll.u32 s30, $0xA  }
0x19: {  	s14 =	sadd.s32 s1, s8;
	[dreg:$0xe] =	wrdreg s20;
	s25 =	sadd.s32 s1, s11  }
0x1a: {  	s5 =	sadd.s32 s1, s13;
	[dreg:$0xd] =	wrdreg s14;
	s14 =	sshll.u32 s31, $0xA  }
0x1b: {  	[dreg:$0x10] =	wrdreg s5;
	s5 =	sor.u32 $0x38, s4;
	s20 =	sadd.s32 s1, s14  }
0x1c: {  	s4 =	sor.u32 $0x3C, s4;
	[dreg:$0x11] =	wrdreg s20;
	s20 =	sshll.u32 s5, $0xA  }
0x1d: {  	[dreg:$0xf] =	wrdreg s25;
	s21 =	sshll.u32 s4, $0xA;
	s25 =	sadd.s32 s1, s20  }
0x1e: {  	s1 =	sadd.s32 s1, s21;
	[dreg:$0x12] =	wrdreg s25  }
0x1f: {  	[dreg:$0x13] =	wrdreg s1;
	s25 =	sadd.s32 $0x80, s3  }
0x20: {  	[dreg:$0x14] =	wrdreg s25  }
0x21: {  	s1 =	sadd.s32 $0x100, s3;
	s25 =	rddreg [dreg:$0x1]  }
0x22: {  	s3 =	sadd.s32 $0x180, s3;
	[dreg:$0x15] =	wrdreg s1;
	s25 =	sadd.s32 $0x80, s25  }
0x23: {  	[dreg:$0x16] =	wrdreg s3;
	s6 =	sadd.s32 s6, s25  }
0x24: {  	s16 =	sshll.u32 s16, $0x7;
	s3 =	sadd.s32 $0x400, s6;
	[smem:$0x7D6] =	sst s6  }
0x25: {  	s15 =	sshll.u32 s15, $0x7;
	[dreg:$0x17] =	wrdreg s3;
	s3 =	sadd.s32 $0x800, s6  }
0x26: {  	s1 =	sshll.u32 s29, $0x7;
	s6 =	sadd.s32 $0xC00, s6;
	[dreg:$0x18] =	wrdreg s3  }
0x27: {  	s3 =	sadd.s32 s0, s1;
	[dreg:$0x19] =	wrdreg s6;
	s1 =	ssub.s32 $0x2, s9  }
0x28: {  	s9 =	sadd.s32 s0, s16;
	s16 =	sadd.s32 s0, s15;
	[smem:$0x7D7] =	sst s3  }
0x29: {  	[smem:$0x7DB] =	sst s16  }
0x2a: {  	s6 =	sadd.s32 $0x80, s3;
	[smem:$0x7E7] =	sst s9  }
0x2b: {  	s16 =	sshll.u32 s26, $0x7;
	s26 =	sshll.u32 s4, $0x7;
	s4 =	sld [smem:$0x7EA]  }
0x2c: {  	[dreg:$0x1a] =	wrdreg s6;
	s6 =	sadd.s32 $0x100, s3  }
0x2d: {  	s3 =	sadd.s32 $0x180, s3;
	[dreg:$0x1b] =	wrdreg s6  }
0x2e: {  	s6 =	sadd.s32 s22, s25;
	[dreg:$0x1c] =	wrdreg s3  }
0x2f: {  	s22 =	sadd.s32 $0x400, s6;
	[smem:$0x7D8] =	sst s6  }
0x30: {  	s12 =	sshll.u32 s12, $0x7;
	s3 =	sadd.s32 $0x800, s6;
	[dreg:$0x1d] =	wrdreg s22  }
0x31: {  	s17 =	sshll.u32 s17, $0x7;
	s6 =	sadd.s32 $0xC00, s6;
	[dreg:$0x1e] =	wrdreg s3  }
0x32: {  	s18 =	sshll.u32 s18, $0x7;
	[dreg:$0x1f] =	wrdreg s6;
	s6 =	sadd.s32 $0x80, s9  }
0x33: {  	s22 =	sshrl.u32 s1, $0x1;
	s3 =	sadd.s32 s0, s12;
	[smem:$0x7D9] =	sst s6  }
0x34: {  	s1 =	ssub.s32 s1, s22;
	[smem:$0x7DA] =	sst s3;
	s3 =	sadd.s32 s0, s17  }
0x35: {  	s22 =	sshll.u32 s19, $0x7;
	s17 =	sadd.s32 s0, s16;
	[smem:$0x7DC] =	sst s3  }
0x36: {  	s19 =	sshll.u32 s30, $0x7;
	s30 =	sadd.s32 $0x180, s9;
	[smem:$0x7E1] =	sst s17  }
0x37: {  	s16 =	sadd.s32 s7, s25;
	s3 =	sadd.s32 s0, s18;
	[smem:$0x7E8] =	sst s30  }
0x38: {  	s6 =	sadd.s32 s0, s22;
	s22 =	sshll.u32 s31, $0x7;
	s31 =	sld [smem:$0x7E9]  }
0x39: {  	s18 =	sshll.u32 s28, $0x7;
	s28 =	sadd.s32 $0x100, s9;
	s9 =	sld [smem:$0x7EE]  }
0x3a: {  	[smem:$0x7F4] =	sst s16  }
0x3b: {  	p0 =	por $0x0, $0x0;
	s20 =	sadd.s32 s20, s25;
	[smem:$0x7DD] =	sst s3  }
0x3c: {  	s29 =	sadd.s32 s21, s25;
	s21 =	simm.s32 $0x2;
	[smem:$0x7DE] =	sst s6  }
0x3d: {  	s15 =	sshll.u32 s24, $0x7;
	s24 =	sshll.u32 s5, $0x7;
	[smem:$0x7E6] =	sst s28  }
0x3e: {  	s5 =	simm.s32 $0x6;
	s12 =	sshll.u32 s23, $0x7;
	s6 =	sld [smem:$0x7EC]  }
0x3f: {  	s17 =	sadd.s32 s8, s25;
	s3 =	sadd.s32 s0, s12;
	s12 =	sld [smem:$0x7F0]  }
0x40: {  	s26 =	sadd.s32 s0, s26;
	s7 =	simm.s32 $0x4000;
	[smem:$0x7F5] =	sst s17  }
0x41: {  	s30 =	smax.u32 s1, $0x1;
	s23 =	sadd.s32 s0, s22;
	[smem:$0x7DF] =	sst s3  }
0x42: {  	s16 =	simm.s32 $0x6000;
	s8 =	simm.s32 $0x8000;
	[smem:$0x7E4] =	sst s23  }
0x43: {  	s22 =	sadd.s32 s13, s25;
	s3 =	sadd.s32 s0, s15;
	s15 =	sld [smem:$0x7F2]  }
0x44: {  	s1 =	simm.s32 $0x14000;
	p1 =	sne.s32 s30, $0x1;
	[smem:$0x7F8] =	sst s22  }
0x45: {  	s17 =	simm.s32 $0x2400;
	s23 =	sadd.s32 s14, s25;
	[smem:$0x7E0] =	sst s3  }
0x46: {  	s13 =	simm.s32 $0x6400;
	s3 =	sadd.s32 s0, s18;
	[smem:$0x7F9] =	sst s23  }
0x47: {  	s14 =	simm.s32 $0x4400;
	s18 =	sadd.s32 s10, s25;
	[smem:$0x7E2] =	sst s3  }
0x48: {  	s23 =	simm.s32 $0x2000;
	s3 =	sadd.s32 s0, s19;
	[smem:$0x7F6] =	sst s18  }
0x49: {  	s10 =	simm.s32 $0x1;
	s19 =	sadd.s32 s11, s25;
	[smem:$0x7E3] =	sst s3  }
0x4a: {  	s11 =	simm.s32 $0x16000;
	s3 =	sadd.s32 s0, s24;
	[smem:$0x7F7] =	sst s19  }
0x4b: {  	s18 =	simm.s32 $0x4;
	s0 =	sadd.s32 s4, s25;
	[smem:$0x7E5] =	sst s3  }
0x4c: {  	s4 =	simm.s32 $0x12400;
	[smem:$0x7EB] =	sst s0;
	s0 =	sadd.s32 s6, s25  }
0x4d: {  	s19 =	simm.s32 $0x3;
	s3 =	sadd.s32 s31, s25;
	[smem:$0x7ED] =	sst s0  }
0x4e: {  	s6 =	simm.s32 $0x5;
	s0 =	sadd.s32 s9, s25;
	[smem:$0x7FC] =	sst s3  }
0x4f: {  	s24 =	sadd.s32 $0x400, s3;
	s28 =	sadd.s32 $0x800, s3;
	[smem:$0x7EF] =	sst s0  }
.Ltmp0:
0x50: {  	s31 =	sadd.s32 $0xC00, s3;
	[smem:$0x7FA] =	sst s24;
	(pc) =	sbr.rel @!p1 .LBB2_5-.Ltmp0, $4  }
0x51: {  	s9 =	simm.s32 $0x10000;
	s3 =	simm.s32 $0x10400;
	[smem:$0x7FB] =	sst s28  }
0x52: {  	s0 =	sadd.s32 s12, s25;
	[smem:$0x7FD] =	sst s31;
	s12 =	simm.s32 $0xE400  }
0x53: {  	[smem:$0x7F1] =	sst s0;
	s0 =	sadd.s32 s15, s25;
	s25 =	simm.s32 $0x400  }
0x54: {  	s15 =	simm.s32 $0x12000;
	[smem:$0x7F3] =	sst s0;
	s0 =	sadd.s32 $0xFFFFFFFF, s30  }
0x55: {  	s24 =	sld [smem:$0x7D5]  }
0x56: {  	[smem:$0x7D1] =	sst s0  }
0x57: {  	s31 =	rddreg [dreg:$0x14]  }
0x58: {  	[tilespmem:s2], [sflag:$0x1] =	stream.linear.gather [hbm4b:s24+s2], $0x400, $0x38;
	[tilespmem:$0x18000] =	vst v63  }
0x59: {  	s5 =	rddreg [dreg:$0x15]  }
0x5a: {  	[tilespmem:s23], [sflag:$0x1] =	stream.linear.gather [hbm4b:s31+s2], $0x400, $0x38;
	[tilespmem:$0x18000] =	vst v63  }
0x5b: {  	s6 =	rddreg [dreg:$0x16]  }
0x5c: {  	[tilespmem:s7], [sflag:$0x1] =	stream.linear.gather [hbm4b:s5+s2], $0x400, $0x38;
	[tilespmem:$0x18000] =	vst v63  }
0x5d: {  	s23 =	sld [smem:$0x7D6]  }
0x5e: {  	[tilespmem:s16], [sflag:$0x1] =	stream.linear.gather [hbm4b:s6+s2], $0x400, $0x38;
	[tilespmem:$0x18000] =	vst v63  }
0x5f: {  	s22 =	rddreg [dreg:$0x17]  }
0x60: {  	[tilespmem:s25], [sflag:$0x1] =	stream.linear.gather [hbm4b:s23+s2], $0x1C00, $0x38;
	[tilespmem:$0x18000] =	vst v63  }
0x61: {  	s30 =	sld [smem:$0x7D7]  }
0x62: {  	[tilespmem:s17], [sflag:$0x1] =	stream.linear.gather [hbm4b:s22+s2], $0x1C00, $0x38;
	[tilespmem:$0x18000] =	vst v63  }
0x63: {  	s24 =	rddreg [dreg:$0x18]  }
0x64: {  	[tilespmem:s14], [sflag:$0x1] =	stream.linear.gather [hbm4b:s24+s2], $0x1C00, $0x38;
	[tilespmem:$0x18000] =	vst v63  }
0x65: {  	s25 =	rddreg [dreg:$0x19]  }
0x66: {  	[tilespmem:s13], [sflag:$0x1] =	stream.linear.gather [hbm4b:s25+s2], $0x1C00, $0x38;
	[tilespmem:$0x18000] =	vst v63  }
0x67: {  	s28 =	rddreg [dreg:$0x1a]  }
0x68: {  	[tilespmem:s8], [sflag:$0x2] =	stream.linear.gather [hbm4b:s30+s2], $0x400, $0x38;
	[tilespmem:$0x18000] =	vst v63  }
0x69: {  	s31 =	simm.s32 $0xA000;
	s7 =	rddreg [dreg:$0x1c]  }
0x6a: {  	[tilespmem:s31], [sflag:$0x2] =	stream.linear.gather [hbm4b:s28+s2], $0x400, $0x38;
	[tilespmem:$0x18000] =	vst v63  }
0x6b: {  	s6 =	rddreg [dreg:$0x1b];
	s13 =	simm.s32 $0xC000  }
0x6c: {  	[tilespmem:s13], [sflag:$0x2] =	stream.linear.gather [hbm4b:s6+s2], $0x400, $0x38;
	[tilespmem:$0x18000] =	vst v63  }
0x6d: {  	s22 =	sld [smem:$0x7D8];
	s14 =	simm.s32 $0xE000  }
0x6e: {  	[tilespmem:s14], [sflag:$0x2] =	stream.linear.gather [hbm4b:s7+s2], $0x400, $0x38;
	[tilespmem:$0x18000] =	vst v63  }
0x6f: {  	s16 =	rddreg [dreg:$0x1d];
	s17 =	simm.s32 $0x8400  }
0x70: {  	[tilespmem:s17], [sflag:$0x2] =	stream.linear.gather [hbm4b:s22+s2], $0x1C00, $0x38;
	[tilespmem:$0x18000] =	vst v63  }
0x71: {  	s23 =	rddreg [dreg:$0x1e];
	s24 =	simm.s32 $0xA400  }
0x72: {  	[tilespmem:s24], [sflag:$0x2] =	stream.linear.gather [hbm4b:s16+s2], $0x1C00, $0x38;
	[tilespmem:$0x18000] =	vst v63  }
0x73: {  	s28 =	rddreg [dreg:$0x1f];
	s31 =	simm.s32 $0xC400  }
0x74: {  	[tilespmem:s31], [sflag:$0x2] =	stream.linear.gather [hbm4b:s23+s2], $0x1C00, $0x38;
	[tilespmem:$0x18000] =	vst v63  }
0x75: {  	s13 =	sld [smem:$0x7E7]  }
0x76: {  	[tilespmem:s12], [sflag:$0x2] =	stream.linear.gather [hbm4b:s28+s2], $0x1C00, $0x38;
	[tilespmem:$0x18000] =	vst v63  }
0x77: {  	s7 =	sld [smem:$0x7D9]  }
0x78: {  	[tilespmem:s9], [sflag:$0x3] =	stream.linear.gather [hbm4b:s13+s2], $0x400, $0x38;
	[tilespmem:$0x18000] =	vst v63  }
0x79: {  	s14 =	sld [smem:$0x7E6]  }
0x7a: {  	[tilespmem:s15], [sflag:$0x3] =	stream.linear.gather [hbm4b:s7+s2], $0x400, $0x38;
	[tilespmem:$0x18000] =	vst v63  }
0x7b: {  	s16 =	sld [smem:$0x7E8]  }
0x7c: {  	[tilespmem:s1], [sflag:$0x3] =	stream.linear.gather [hbm4b:s14+s2], $0x400, $0x38;
	[tilespmem:$0x18000] =	vst v63  }
0x7d: {  	s22 =	sld [smem:$0x7FC]  }
0x7e: {  	[tilespmem:s11], [sflag:$0x3] =	stream.linear.gather [hbm4b:s16+s2], $0x400, $0x38;
	[tilespmem:$0x18000] =	vst v63  }
0x7f: {  	s17 =	sld [smem:$0x7FA]  }
0x80: {  	[tilespmem:s3], [sflag:$0x3] =	stream.linear.gather [hbm4b:s22+s2], $0x1C00, $0x38;
	[tilespmem:$0x18000] =	vst v63  }
0x81: {  	s24 =	sld [smem:$0x7FB]  }
0x82: {  	[tilespmem:s4], [sflag:$0x3] =	stream.linear.gather [hbm4b:s17+s2], $0x1C00, $0x38;
	[tilespmem:$0x18000] =	vst v63  }
0x83: {  	s0 =	sld [smem:$0x7FD];
	s4 =	simm.s32 $0x14400  }
0x84: {  	[tilespmem:s4], [sflag:$0x3] =	stream.linear.gather [hbm4b:s24+s2], $0x1C00, $0x38;
	[tilespmem:$0x18000] =	vst v63  }
0x85: {  	s24 =	simm.s32 $0x16400  }
0x86: {  	[tilespmem:s24], [sflag:$0x3] =	stream.linear.gather [hbm4b:s0+s2], $0x1C00, $0x38;
	[tilespmem:$0x18000] =	vst v63  }
0x87: {  	_ =	swait.ge [sflag:s10], $0x1000  }
0x88: {  	[sflag:s10] =	ssyncset.done $0x0  }
0x89: {  	[sflag:s10] =	ssyncadd.s32 $0xFFFFF000  }
0x8a: {  	_ =	swait.ge [sflag:s10], $0x7000  }
0x8b: {  	[sflag:s10] =	ssyncset.done $0x0  }
0x8c: {  	s4 =	rddreg [dreg:$0x4];
	[sflag:s10] =	ssyncadd.s32 $0xFFFF9000  }
0x8d: {  	[hbm4b:s4+s2] =	stream.linear.scatter [tilespmem:s2], [sflag:$0x4], $0x8000, $0x38;
	[tilespmem:$0x18000] =	vst v63  }
0x8e: {  	_ =	swait.ge [sflag:s18], $0x8000  }
0x8f: {  	s0 =	sld [smem:$0x7DA]  }
0x90: {  	[sflag:s18] =	ssyncset.done $0x0  }
0x91: {  	[sflag:s18] =	ssyncadd.s32 $0xFFFF8000  }
0x92: {  	[tilespmem:s2], [sflag:$0x1] =	stream.linear.gather [hbm4b:s0+s2], $0x400, $0x38;
	[tilespmem:$0x18000] =	vst v63  }
0x93: {  	s17 =	simm.s32 $0x2000;
	s24 =	sadd.s32 $0x80, s0  }
0x94: {  	[tilespmem:s17], [sflag:$0x1] =	stream.linear.gather [hbm4b:s24+s2], $0x400, $0x38;
	[tilespmem:$0x18000] =	vst v63  }
0x95: {  	s9 =	simm.s32 $0x4000;
	[smem:$0x783] =	sst s24;
	s24 =	sadd.s32 $0x100, s0  }
0x96: {  	[tilespmem:s9], [sflag:$0x1] =	stream.linear.gather [hbm4b:s24+s2], $0x400, $0x38;
	[tilespmem:$0x18000] =	vst v63  }
0x97: {  	s12 =	simm.s32 $0x400;
	s9 =	sld [smem:$0x7EB]  }
0x98: {  	s13 =	simm.s32 $0x6000;
	s0 =	sadd.s32 $0x180, s0;
	[smem:$0x784] =	sst s24  }
0x99: {  	[tilespmem:s13], [sflag:$0x1] =	stream.linear.gather [hbm4b:s0+s2], $0x400, $0x38;
	[tilespmem:$0x18000] =	vst v63  }
0x9a: {  	s11 =	simm.s32 $0x2400;
	[smem:$0x785] =	sst s0;
	s17 =	sadd.s32 $0x800, s9  }
0x9b: {  	[tilespmem:s12], [sflag:$0x1] =	stream.linear.gather [hbm4b:s9+s2], $0x1C00, $0x38;
	[tilespmem:$0x18000] =	vst v63  }
0x9c: {  	s0 =	sadd.s32 $0xC00, s9;
	s12 =	sadd.s32 $0x400, s9;
	[smem:$0x787] =	sst s17  }
0x9d: {  	[tilespmem:s11], [sflag:$0x1] =	stream.linear.gather [hbm4b:s12+s2], $0x1C00, $0x38;
	[tilespmem:$0x18000] =	vst v63  }
0x9e: {  	s3 =	simm.s32 $0x4400;
	[smem:$0x788] =	sst s0  }
0x9f: {  	[tilespmem:s3], [sflag:$0x1] =	stream.linear.gather [hbm4b:s17+s2], $0x1C00, $0x38;
	[tilespmem:$0x18000] =	vst v63  }
0xa0: {  	s1 =	simm.s32 $0x6400;
	[smem:$0x786] =	sst s12  }
0xa1: {  	[tilespmem:s1], [sflag:$0x1] =	stream.linear.gather [hbm4b:s0+s2], $0x1C00, $0x38;
	[tilespmem:$0x18000] =	vst v63  }
0xa2: {  	_ =	swait.ge [sflag:s21], $0x1000  }
0xa3: {  	[sflag:s21] =	ssyncset.done $0x0  }
0xa4: {  	[sflag:s21] =	ssyncadd.s32 $0xFFFFF000  }
0xa5: {  	_ =	swait.ge [sflag:s21], $0x7000  }
0xa6: {  	[sflag:s21] =	ssyncset.done $0x0  }
0xa7: {  	s7 =	simm.s32 $0x5;
	s24 =	rddreg [dreg:$0x5];
	[sflag:s21] =	ssyncadd.s32 $0xFFFF9000  }
0xa8: {  	[hbm4b:s24+s2] =	stream.linear.scatter [tilespmem:s8], [sflag:$0x5], $0x8000, $0x38;
	[tilespmem:$0x18000] =	vst v63  }
0xa9: {  	_ =	swait.ge [sflag:s7], $0x8000  }
0xaa: {  	s1 =	sld [smem:$0x7DB]  }
0xab: {  	[sflag:s7] =	ssyncset.done $0x0  }
0xac: {  	[sflag:s7] =	ssyncadd.s32 $0xFFFF8000  }
0xad: {  	[tilespmem:s8], [sflag:$0x2] =	stream.linear.gather [hbm4b:s1+s2], $0x400, $0x38;
	[tilespmem:$0x18000] =	vst v63  }
0xae: {  	s25 =	simm.s32 $0xA000;
	s11 =	sld [smem:$0x7ED];
	s3 =	sadd.s32 $0x80, s1  }
0xaf: {  	[tilespmem:s25], [sflag:$0x2] =	stream.linear.gather [hbm4b:s3+s2], $0x400, $0x38;
	[tilespmem:$0x18000] =	vst v63  }
0xb0: {  	s9 =	sadd.s32 $0x100, s1;
	[smem:$0x789] =	sst s3;
	s3 =	simm.s32 $0xC000  }
0xb1: {  	[tilespmem:s3], [sflag:$0x2] =	stream.linear.gather [hbm4b:s9+s2], $0x400, $0x38;
	[tilespmem:$0x18000] =	vst v63  }
0xb2: {  	s0 =	sadd.s32 $0x180, s1;
	s1 =	simm.s32 $0xE000;
	[smem:$0x78A] =	sst s9  }
0xb3: {  	[tilespmem:s1], [sflag:$0x2] =	stream.linear.gather [hbm4b:s0+s2], $0x400, $0x38;
	[tilespmem:$0x18000] =	vst v63  }
0xb4: {  	s30 =	simm.s32 $0x8400;
	s24 =	sadd.s32 $0x400, s11;
	[smem:$0x78B] =	sst s0  }
0xb5: {  	[tilespmem:s30], [sflag:$0x2] =	stream.linear.gather [hbm4b:s11+s2], $0x1C00, $0x38;
	[tilespmem:$0x18000] =	vst v63  }
0xb6: {  	[smem:$0x78C] =	sst s24;
	s25 =	sadd.s32 $0x800, s11;
	s9 =	simm.s32 $0xA400  }
0xb7: {  	[tilespmem:s9], [sflag:$0x2] =	stream.linear.gather [hbm4b:s24+s2], $0x1C00, $0x38;
	[tilespmem:$0x18000] =	vst v63  }
0xb8: {  	s23 =	simm.s32 $0xC400;
	[smem:$0x78D] =	sst s25;
	s0 =	sadd.s32 $0xC00, s11  }
0xb9: {  	[tilespmem:s23], [sflag:$0x2] =	stream.linear.gather [hbm4b:s25+s2], $0x1C00, $0x38;
	[tilespmem:$0x18000] =	vst v63  }
0xba: {  	s5 =	simm.s32 $0xE400;
	[smem:$0x78E] =	sst s0  }
0xbb: {  	[tilespmem:s5], [sflag:$0x2] =	stream.linear.gather [hbm4b:s0+s2], $0x1C00, $0x38;
	[tilespmem:$0x18000] =	vst v63  }
0xbc: {  	_ =	swait.ge [sflag:s19], $0x1000  }
0xbd: {  	[sflag:s19] =	ssyncset.done $0x0  }
0xbe: {  	[sflag:s19] =	ssyncadd.s32 $0xFFFFF000  }
0xbf: {  	_ =	swait.ge [sflag:s19], $0x7000  }
0xc0: {  	s6 =	simm.s32 $0x6;
	[sflag:s19] =	ssyncset.done $0x0  }
0xc1: {  	s15 =	simm.s32 $0x10000;
	s4 =	rddreg [dreg:$0x6];
	[sflag:s19] =	ssyncadd.s32 $0xFFFF9000  }
0xc2: {  	[hbm4b:s4+s2] =	stream.linear.scatter [tilespmem:s15], [sflag:$0x6], $0x8000, $0x38;
	[tilespmem:$0x18000] =	vst v63  }
0xc3: {  	_ =	swait.ge [sflag:s6], $0x8000  }
0xc4: {  	s5 =	sld [smem:$0x7DC]  }
0xc5: {  	[sflag:s6] =	ssyncset.done $0x0  }
0xc6: {  	[sflag:s6] =	ssyncadd.s32 $0xFFFF8000  }
0xc7: {  	[tilespmem:s15], [sflag:$0x3] =	stream.linear.gather [hbm4b:s5+s2], $0x400, $0x38;
	[tilespmem:$0x18000] =	vst v63  }
0xc8: {  	s14 =	simm.s32 $0x12000;
	s11 =	sadd.s32 $0x80, s5  }
0xc9: {  	s23 =	sadd.s32 $0x100, s5;
	s0 =	sadd.s32 $0x180, s5;
	s5 =	sld [smem:$0x7EF]  }
0xca: {  	[tilespmem:s14], [sflag:$0x3] =	stream.linear.gather [hbm4b:s11+s2], $0x400, $0x38;
	[tilespmem:$0x18000] =	vst v63  }
0xcb: {  	s16 =	simm.s32 $0x14000;
	[smem:$0x78F] =	sst s11  }
0xcc: {  	[tilespmem:s16], [sflag:$0x3] =	stream.linear.gather [hbm4b:s23+s2], $0x400, $0x38;
	[tilespmem:$0x18000] =	vst v63  }
0xcd: {  	s28 =	simm.s32 $0x16000;
	[smem:$0x790] =	sst s23  }
0xce: {  	[tilespmem:s28], [sflag:$0x3] =	stream.linear.gather [hbm4b:s0+s2], $0x400, $0x38;
	[tilespmem:$0x18000] =	vst v63  }
0xcf: {  	s31 =	simm.s32 $0x10400;
	[smem:$0x791] =	sst s0;
	s11 =	sadd.s32 $0x400, s5  }
0xd0: {  	[tilespmem:s31], [sflag:$0x3] =	stream.linear.gather [hbm4b:s5+s2], $0x1C00, $0x38;
	[tilespmem:$0x18000] =	vst v63  }
0xd1: {  	s22 =	simm.s32 $0x12400;
	s14 =	sadd.s32 $0x800, s5;
	[smem:$0x792] =	sst s11  }
0xd2: {  	[tilespmem:s22], [sflag:$0x3] =	stream.linear.gather [hbm4b:s11+s2], $0x1C00, $0x38;
	[tilespmem:$0x18000] =	vst v63  }
0xd3: {  	[smem:$0x793] =	sst s14;
	s0 =	sadd.s32 $0xC00, s5;
	s22 =	simm.s32 $0x14400  }
0xd4: {  	[tilespmem:s22], [sflag:$0x3] =	stream.linear.gather [hbm4b:s14+s2], $0x1C00, $0x38;
	[tilespmem:$0x18000] =	vst v63  }
0xd5: {  	[smem:$0x794] =	sst s0;
	s11 =	simm.s32 $0x16400  }
0xd6: {  	[tilespmem:s11], [sflag:$0x3] =	stream.linear.gather [hbm4b:s0+s2], $0x1C00, $0x38;
	[tilespmem:$0x18000] =	vst v63  }
0xd7: {  	_ =	swait.ge [sflag:s10], $0x1000  }
0xd8: {  	[sflag:s10] =	ssyncset.done $0x0  }
0xd9: {  	[sflag:s10] =	ssyncadd.s32 $0xFFFFF000  }
0xda: {  	_ =	swait.ge [sflag:s10], $0x7000  }
0xdb: {  	[sflag:s10] =	ssyncset.done $0x0  }
0xdc: {  	s16 =	rddreg [dreg:$0x7];
	[sflag:s10] =	ssyncadd.s32 $0xFFFF9000  }
0xdd: {  	[hbm4b:s16+s2] =	stream.linear.scatter [tilespmem:s2], [sflag:$0x4], $0x8000, $0x38;
	[tilespmem:$0x18000] =	vst v63  }
0xde: {  	_ =	swait.ge [sflag:s18], $0x8000  }
0xdf: {  	s0 =	sld [smem:$0x7DD]  }
0xe0: {  	[sflag:s18] =	ssyncset.done $0x0  }
0xe1: {  	[sflag:s18] =	ssyncadd.s32 $0xFFFF8000  }
0xe2: {  	[tilespmem:s2], [sflag:$0x1] =	stream.linear.gather [hbm4b:s0+s2], $0x400, $0x38;
	[tilespmem:$0x18000] =	vst v63  }
0xe3: {  	s16 =	simm.s32 $0x2000;
	s31 =	sadd.s32 $0x80, s0;
	s5 =	sadd.s32 $0x100, s0  }
0xe4: {  	[tilespmem:s16], [sflag:$0x1] =	stream.linear.gather [hbm4b:s31+s2], $0x400, $0x38;
	[tilespmem:$0x18000] =	vst v63  }
0xe5: {  	s14 =	simm.s32 $0x4000;
	s0 =	sadd.s32 $0x180, s0;
	[smem:$0x796] =	sst s5  }
0xe6: {  	[tilespmem:s14], [sflag:$0x1] =	stream.linear.gather [hbm4b:s5+s2], $0x400, $0x38;
	[tilespmem:$0x18000] =	vst v63  }
0xe7: {  	[smem:$0x797] =	sst s0;
	s5 =	simm.s32 $0x6000  }
0xe8: {  	[tilespmem:s5], [sflag:$0x1] =	stream.linear.gather [hbm4b:s0+s2], $0x400, $0x38;
	[tilespmem:$0x18000] =	vst v63  }
0xe9: {  	s0 =	sld [smem:$0x7F1];
	_ =	sdelay $0x1  }
0xea: {  	s13 =	simm.s32 $0x400  }
0xeb: {  	[tilespmem:s13], [sflag:$0x1] =	stream.linear.gather [hbm4b:s0+s2], $0x1C00, $0x38;
	[tilespmem:$0x18000] =	vst v63  }
0xec: {  	[smem:$0x795] =	sst s31;
	s31 =	sadd.s32 $0x400, s0  }
0xed: {  	s12 =	simm.s32 $0x2400;
	s4 =	sadd.s32 $0x800, s0;
	[smem:$0x798] =	sst s31  }
0xee: {  	[tilespmem:s12], [sflag:$0x1] =	stream.linear.gather [hbm4b:s31+s2], $0x1C00, $0x38;
	[tilespmem:$0x18000] =	vst v63  }
0xef: {  	s0 =	sadd.s32 $0xC00, s0;
	[smem:$0x799] =	sst s4;
	s31 =	simm.s32 $0x4400  }
0xf0: {  	[tilespmem:s31], [sflag:$0x1] =	stream.linear.gather [hbm4b:s4+s2], $0x1C00, $0x38;
	[tilespmem:$0x18000] =	vst v63  }
0xf1: {  	s17 =	simm.s32 $0x6400;
	[smem:$0x79A] =	sst s0  }
0xf2: {  	[tilespmem:s17], [sflag:$0x1] =	stream.linear.gather [hbm4b:s0+s2], $0x1C00, $0x38;
	[tilespmem:$0x18000] =	vst v63  }
0xf3: {  	_ =	swait.ge [sflag:s21], $0x1000  }
0xf4: {  	[sflag:s21] =	ssyncset.done $0x0  }
0xf5: {  	[sflag:s21] =	ssyncadd.s32 $0xFFFFF000  }
0xf6: {  	_ =	swait.ge [sflag:s21], $0x7000  }
0xf7: {  	[sflag:s21] =	ssyncset.done $0x0  }
0xf8: {  	s31 =	rddreg [dreg:$0x8];
	[sflag:s21] =	ssyncadd.s32 $0xFFFF9000  }
0xf9: {  	[hbm4b:s31+s2] =	stream.linear.scatter [tilespmem:s8], [sflag:$0x5], $0x8000, $0x38;
	[tilespmem:$0x18000] =	vst v63  }
0xfa: {  	_ =	swait.ge [sflag:s7], $0x8000  }
0xfb: {  	s0 =	sld [smem:$0x7DE]  }
0xfc: {  	[sflag:s7] =	ssyncset.done $0x0  }
0xfd: {  	[sflag:s7] =	ssyncadd.s32 $0xFFFF8000  }
0xfe: {  	[tilespmem:s8], [sflag:$0x2] =	stream.linear.gather [hbm4b:s0+s2], $0x400, $0x38;
	[tilespmem:$0x18000] =	vst v63  }
0xff: {  	s31 =	simm.s32 $0xA000;
	s4 =	sadd.s32 $0x80, s0  }
0x100: {  	[tilespmem:s31], [sflag:$0x2] =	stream.linear.gather [hbm4b:s4+s2], $0x400, $0x38;
	[tilespmem:$0x18000] =	vst v63  }
0x101: {  	[smem:$0x79B] =	sst s4;
	s4 =	sadd.s32 $0x100, s0;
	s0 =	sadd.s32 $0x180, s0  }
0x102: {  	[tilespmem:s3], [sflag:$0x2] =	stream.linear.gather [hbm4b:s4+s2], $0x400, $0x38;
	[tilespmem:$0x18000] =	vst v63  }
0x103: {  	[smem:$0x79D] =	sst s0  }
0x104: {  	[tilespmem:s1], [sflag:$0x2] =	stream.linear.gather [hbm4b:s0+s2], $0x400, $0x38;
	[tilespmem:$0x18000] =	vst v63  }
0x105: {  	s0 =	sld [smem:$0x7F3];
	_ =	sdelay $0x1  }
0x106: {  	s30 =	simm.s32 $0x8400  }
0x107: {  	[tilespmem:s30], [sflag:$0x2] =	stream.linear.gather [hbm4b:s0+s2], $0x1C00, $0x38;
	[tilespmem:$0x18000] =	vst v63  }
0x108: {  	[smem:$0x79C] =	sst s4;
	s1 =	sadd.s32 $0x400, s0  }
0x109: {  	[tilespmem:s9], [sflag:$0x2] =	stream.linear.gather [hbm4b:s1+s2], $0x1C00, $0x38;
	[tilespmem:$0x18000] =	vst v63  }
0x10a: {  	[smem:$0x79E] =	sst s1;
	s9 =	sadd.s32 $0x800, s0  }
0x10b: {  	s30 =	simm.s32 $0xC400;
	s0 =	sadd.s32 $0xC00, s0;
	[smem:$0x79F] =	sst s9  }
0x10c: {  	[tilespmem:s30], [sflag:$0x2] =	stream.linear.gather [hbm4b:s9+s2], $0x1C00, $0x38;
	[tilespmem:$0x18000] =	vst v63  }
0x10d: {  	s25 =	simm.s32 $0xE400;
	[smem:$0x7A0] =	sst s0  }
0x10e: {  	[tilespmem:s25], [sflag:$0x2] =	stream.linear.gather [hbm4b:s0+s2], $0x1C00, $0x38;
	[tilespmem:$0x18000] =	vst v63  }
0x10f: {  	_ =	swait.ge [sflag:s19], $0x1000  }
0x110: {  	[sflag:s19] =	ssyncset.done $0x0  }
0x111: {  	[sflag:s19] =	ssyncadd.s32 $0xFFFFF000  }
0x112: {  	_ =	swait.ge [sflag:s19], $0x7000  }
0x113: {  	[sflag:s19] =	ssyncset.done $0x0  }
0x114: {  	s9 =	rddreg [dreg:$0x9];
	[sflag:s19] =	ssyncadd.s32 $0xFFFF9000  }
0x115: {  	[hbm4b:s9+s2] =	stream.linear.scatter [tilespmem:s15], [sflag:$0x6], $0x8000, $0x38;
	[tilespmem:$0x18000] =	vst v63  }
0x116: {  	_ =	swait.ge [sflag:s6], $0x8000  }
0x117: {  	s0 =	sld [smem:$0x7DF]  }
0x118: {  	[sflag:s6] =	ssyncset.done $0x0  }
0x119: {  	[sflag:s6] =	ssyncadd.s32 $0xFFFF8000  }
0x11a: {  	[tilespmem:s15], [sflag:$0x3] =	stream.linear.gather [hbm4b:s0+s2], $0x400, $0x38;
	[tilespmem:$0x18000] =	vst v63  }
0x11b: {  	s24 =	simm.s32 $0x12000;
	s25 =	sadd.s32 $0x80, s0;
	s9 =	sadd.s32 $0x100, s0  }
0x11c: {  	[tilespmem:s24], [sflag:$0x3] =	stream.linear.gather [hbm4b:s25+s2], $0x400, $0x38;
	[tilespmem:$0x18000] =	vst v63  }
0x11d: {  	[smem:$0x7A2] =	sst s9;
	s24 =	simm.s32 $0x14000  }
0x11e: {  	[tilespmem:s24], [sflag:$0x3] =	stream.linear.gather [hbm4b:s9+s2], $0x400, $0x38;
	[tilespmem:$0x18000] =	vst v63  }
0x11f: {  	s9 =	sld [smem:$0x7F4]  }
0x120: {  	s0 =	sadd.s32 $0x180, s0;
	[smem:$0x7A1] =	sst s25;
	s24 =	simm.s32 $0x16000  }
0x121: {  	[tilespmem:s24], [sflag:$0x3] =	stream.linear.gather [hbm4b:s0+s2], $0x400, $0x38;
	[tilespmem:$0x18000] =	vst v63  }
0x122: {  	s23 =	simm.s32 $0x10400;
	[smem:$0x7A3] =	sst s0;
	s0 =	sadd.s32 $0xC00, s9  }
0x123: {  	[tilespmem:s23], [sflag:$0x3] =	stream.linear.gather [hbm4b:s9+s2], $0x1C00, $0x38;
	[tilespmem:$0x18000] =	vst v63  }
0x124: {  	s28 =	simm.s32 $0x12400;
	s23 =	sadd.s32 $0x400, s9;
	[smem:$0x7A6] =	sst s0  }
0x125: {  	[tilespmem:s28], [sflag:$0x3] =	stream.linear.gather [hbm4b:s23+s2], $0x1C00, $0x38;
	[tilespmem:$0x18000] =	vst v63  }
0x126: {  	[smem:$0x7A4] =	sst s23;
	s28 =	sadd.s32 $0x800, s9  }
0x127: {  	[tilespmem:s22], [sflag:$0x3] =	stream.linear.gather [hbm4b:s28+s2], $0x1C00, $0x38;
	[tilespmem:$0x18000] =	vst v63  }
0x128: {  	[smem:$0x7A5] =	sst s28  }
0x129: {  	[tilespmem:s11], [sflag:$0x3] =	stream.linear.gather [hbm4b:s0+s2], $0x1C00, $0x38;
	[tilespmem:$0x18000] =	vst v63  }
0x12a: {  	_ =	swait.ge [sflag:s10], $0x1000  }
0x12b: {  	[sflag:s10] =	ssyncset.done $0x0  }
0x12c: {  	[sflag:s10] =	ssyncadd.s32 $0xFFFFF000  }
0x12d: {  	_ =	swait.ge [sflag:s10], $0x7000  }
0x12e: {  	[sflag:s10] =	ssyncset.done $0x0  }
0x12f: {  	s4 =	rddreg [dreg:$0xa];
	[sflag:s10] =	ssyncadd.s32 $0xFFFF9000  }
0x130: {  	[hbm4b:s4+s2] =	stream.linear.scatter [tilespmem:s2], [sflag:$0x4], $0x8000, $0x38;
	[tilespmem:$0x18000] =	vst v63  }
0x131: {  	_ =	swait.ge [sflag:s18], $0x8000  }
0x132: {  	s0 =	sld [smem:$0x7E0]  }
0x133: {  	[sflag:s18] =	ssyncset.done $0x0  }
0x134: {  	[sflag:s18] =	ssyncadd.s32 $0xFFFF8000  }
0x135: {  	[tilespmem:s2], [sflag:$0x1] =	stream.linear.gather [hbm4b:s0+s2], $0x400, $0x38;
	[tilespmem:$0x18000] =	vst v63  }
0x136: {  	s11 =	sadd.s32 $0x80, s0  }
0x137: {  	[tilespmem:s16], [sflag:$0x1] =	stream.linear.gather [hbm4b:s11+s2], $0x400, $0x38;
	[tilespmem:$0x18000] =	vst v63  }
0x138: {  	s28 =	sadd.s32 $0x100, s0;
	s0 =	sadd.s32 $0x180, s0  }
0x139: {  	[tilespmem:s14], [sflag:$0x1] =	stream.linear.gather [hbm4b:s28+s2], $0x400, $0x38;
	[tilespmem:$0x18000] =	vst v63  }
0x13a: {  	[smem:$0x7A9] =	sst s0  }
0x13b: {  	[tilespmem:s5], [sflag:$0x1] =	stream.linear.gather [hbm4b:s0+s2], $0x400, $0x38;
	[tilespmem:$0x18000] =	vst v63  }
0x13c: {  	s0 =	sld [smem:$0x7F5];
	_ =	sdelay $0x1  }
0x13d: {  	s13 =	simm.s32 $0x400;
	[smem:$0x7A7] =	sst s11  }
0x13e: {  	[tilespmem:s13], [sflag:$0x1] =	stream.linear.gather [hbm4b:s0+s2], $0x1C00, $0x38;
	[tilespmem:$0x18000] =	vst v63  }
0x13f: {  	[smem:$0x7A8] =	sst s28;
	s16 =	sadd.s32 $0x400, s0  }
0x140: {  	s12 =	simm.s32 $0x2400;
	s5 =	sadd.s32 $0x800, s0;
	[smem:$0x7AA] =	sst s16  }
0x141: {  	[tilespmem:s12], [sflag:$0x1] =	stream.linear.gather [hbm4b:s16+s2], $0x1C00, $0x38;
	[tilespmem:$0x18000] =	vst v63  }
0x142: {  	s13 =	simm.s32 $0x4400;
	s0 =	sadd.s32 $0xC00, s0;
	[smem:$0x7AB] =	sst s5  }
0x143: {  	[tilespmem:s13], [sflag:$0x1] =	stream.linear.gather [hbm4b:s5+s2], $0x1C00, $0x38;
	[tilespmem:$0x18000] =	vst v63  }
0x144: {  	s17 =	simm.s32 $0x6400;
	[smem:$0x7AC] =	sst s0  }
0x145: {  	[tilespmem:s17], [sflag:$0x1] =	stream.linear.gather [hbm4b:s0+s2], $0x1C00, $0x38;
	[tilespmem:$0x18000] =	vst v63  }
0x146: {  	_ =	swait.ge [sflag:s21], $0x1000  }
0x147: {  	[sflag:s21] =	ssyncset.done $0x0  }
0x148: {  	[sflag:s21] =	ssyncadd.s32 $0xFFFFF000  }
0x149: {  	_ =	swait.ge [sflag:s21], $0x7000  }
0x14a: {  	[sflag:s21] =	ssyncset.done $0x0  }
0x14b: {  	s16 =	rddreg [dreg:$0xb];
	[sflag:s21] =	ssyncadd.s32 $0xFFFF9000  }
0x14c: {  	[hbm4b:s16+s2] =	stream.linear.scatter [tilespmem:s8], [sflag:$0x5], $0x8000, $0x38;
	[tilespmem:$0x18000] =	vst v63  }
0x14d: {  	_ =	swait.ge [sflag:s7], $0x8000  }
0x14e: {  	s17 =	sld [smem:$0x7E1]  }
0x14f: {  	[sflag:s7] =	ssyncset.done $0x0  }
0x150: {  	[sflag:s7] =	ssyncadd.s32 $0xFFFF8000  }
0x151: {  	[tilespmem:s8], [sflag:$0x2] =	stream.linear.gather [hbm4b:s17+s2], $0x400, $0x38;
	[tilespmem:$0x18000] =	vst v63  }
0x152: {  	s31 =	simm.s32 $0xA000;
	s5 =	sadd.s32 $0x80, s17  }
0x153: {  	[tilespmem:s31], [sflag:$0x2] =	stream.linear.gather [hbm4b:s5+s2], $0x400, $0x38;
	[tilespmem:$0x18000] =	vst v63  }
0x154: {  	s3 =	simm.s32 $0xC000;
	s16 =	sadd.s32 $0x100, s17;
	s0 =	sadd.s32 $0x180, s17  }
0x155: {  	[tilespmem:s3], [sflag:$0x2] =	stream.linear.gather [hbm4b:s16+s2], $0x400, $0x38;
	[tilespmem:$0x18000] =	vst v63  }
0x156: {  	s17 =	simm.s32 $0xE000;
	[smem:$0x7AF] =	sst s0  }
0x157: {  	[tilespmem:s17], [sflag:$0x2] =	stream.linear.gather [hbm4b:s0+s2], $0x400, $0x38;
	[tilespmem:$0x18000] =	vst v63  }
0x158: {  	s0 =	sld [smem:$0x7F6];
	_ =	sdelay $0x1  }
0x159: {  	s4 =	simm.s32 $0x8400;
	[smem:$0x7AD] =	sst s5  }
0x15a: {  	[tilespmem:s4], [sflag:$0x2] =	stream.linear.gather [hbm4b:s0+s2], $0x1C00, $0x38;
	[tilespmem:$0x18000] =	vst v63  }
0x15b: {  	[smem:$0x7AE] =	sst s16;
	s5 =	sadd.s32 $0x400, s0  }
0x15c: {  	s1 =	simm.s32 $0xA400;
	s16 =	sadd.s32 $0x800, s0;
	[smem:$0x7B0] =	sst s5  }
0x15d: {  	[tilespmem:s1], [sflag:$0x2] =	stream.linear.gather [hbm4b:s5+s2], $0x1C00, $0x38;
	[tilespmem:$0x18000] =	vst v63  }
0x15e: {  	s17 =	simm.s32 $0xC400;
	s0 =	sadd.s32 $0xC00, s0;
	[smem:$0x7B1] =	sst s16  }
0x15f: {  	[tilespmem:s17], [sflag:$0x2] =	stream.linear.gather [hbm4b:s16+s2], $0x1C00, $0x38;
	[tilespmem:$0x18000] =	vst v63  }
0x160: {  	s30 =	simm.s32 $0xE400;
	[smem:$0x7B2] =	sst s0  }
0x161: {  	[tilespmem:s30], [sflag:$0x2] =	stream.linear.gather [hbm4b:s0+s2], $0x1C00, $0x38;
	[tilespmem:$0x18000] =	vst v63  }
0x162: {  	_ =	swait.ge [sflag:s19], $0x1000  }
0x163: {  	[sflag:s19] =	ssyncset.done $0x0  }
0x164: {  	[sflag:s19] =	ssyncadd.s32 $0xFFFFF000  }
0x165: {  	_ =	swait.ge [sflag:s19], $0x7000  }
0x166: {  	[sflag:s19] =	ssyncset.done $0x0  }
0x167: {  	s4 =	rddreg [dreg:$0xc];
	[sflag:s19] =	ssyncadd.s32 $0xFFFF9000  }
0x168: {  	[hbm4b:s4+s2] =	stream.linear.scatter [tilespmem:s15], [sflag:$0x6], $0x8000, $0x38;
	[tilespmem:$0x18000] =	vst v63  }
0x169: {  	_ =	swait.ge [sflag:s6], $0x8000  }
0x16a: {  	s5 =	sld [smem:$0x7E2]  }
0x16b: {  	[sflag:s6] =	ssyncset.done $0x0  }
0x16c: {  	[sflag:s6] =	ssyncadd.s32 $0xFFFF8000  }
0x16d: {  	[tilespmem:s15], [sflag:$0x3] =	stream.linear.gather [hbm4b:s5+s2], $0x400, $0x38;
	[tilespmem:$0x18000] =	vst v63  }
0x16e: {  	s25 =	simm.s32 $0x12000;
	s16 =	sadd.s32 $0x80, s5  }
0x16f: {  	[tilespmem:s25], [sflag:$0x3] =	stream.linear.gather [hbm4b:s16+s2], $0x400, $0x38;
	[tilespmem:$0x18000] =	vst v63  }
0x170: {  	s30 =	simm.s32 $0x14000;
	s0 =	sadd.s32 $0x180, s5;
	s25 =	sadd.s32 $0x100, s5  }
0x171: {  	[tilespmem:s30], [sflag:$0x3] =	stream.linear.gather [hbm4b:s25+s2], $0x400, $0x38;
	[tilespmem:$0x18000] =	vst v63  }
0x172: {  	[smem:$0x7B5] =	sst s0;
	s5 =	simm.s32 $0x16000  }
0x173: {  	[tilespmem:s5], [sflag:$0x3] =	stream.linear.gather [hbm4b:s0+s2], $0x400, $0x38;
	[tilespmem:$0x18000] =	vst v63  }
0x174: {  	s0 =	sld [smem:$0x7F7];
	_ =	sdelay $0x1  }
0x175: {  	s24 =	simm.s32 $0x10400;
	[smem:$0x7B3] =	sst s16  }
0x176: {  	[tilespmem:s24], [sflag:$0x3] =	stream.linear.gather [hbm4b:s0+s2], $0x1C00, $0x38;
	[tilespmem:$0x18000] =	vst v63  }
0x177: {  	[smem:$0x7B4] =	sst s25;
	s25 =	sadd.s32 $0x400, s0  }
0x178: {  	s23 =	simm.s32 $0x12400;
	s24 =	sadd.s32 $0x800, s0;
	[smem:$0x7B6] =	sst s25  }
0x179: {  	[tilespmem:s23], [sflag:$0x3] =	stream.linear.gather [hbm4b:s25+s2], $0x1C00, $0x38;
	[tilespmem:$0x18000] =	vst v63  }
0x17a: {  	s22 =	simm.s32 $0x14400;
	s0 =	sadd.s32 $0xC00, s0;
	[smem:$0x7B7] =	sst s24  }
0x17b: {  	[tilespmem:s22], [sflag:$0x3] =	stream.linear.gather [hbm4b:s24+s2], $0x1C00, $0x38;
	[tilespmem:$0x18000] =	vst v63  }
0x17c: {  	s9 =	simm.s32 $0x16400;
	[smem:$0x7B8] =	sst s0  }
0x17d: {  	[tilespmem:s9], [sflag:$0x3] =	stream.linear.gather [hbm4b:s0+s2], $0x1C00, $0x38;
	[tilespmem:$0x18000] =	vst v63  }
0x17e: {  	_ =	swait.ge [sflag:s10], $0x1000  }
0x17f: {  	[sflag:s10] =	ssyncset.done $0x0  }
0x180: {  	[sflag:s10] =	ssyncadd.s32 $0xFFFFF000  }
0x181: {  	_ =	swait.ge [sflag:s10], $0x7000  }
0x182: {  	[sflag:s10] =	ssyncset.done $0x0  }
0x183: {  	s9 =	rddreg [dreg:$0xd];
	[sflag:s10] =	ssyncadd.s32 $0xFFFF9000  }
0x184: {  	[hbm4b:s9+s2] =	stream.linear.scatter [tilespmem:s2], [sflag:$0x4], $0x8000, $0x38;
	[tilespmem:$0x18000] =	vst v63  }
0x185: {  	_ =	swait.ge [sflag:s18], $0x8000  }
0x186: {  	s0 =	sld [smem:$0x7E3]  }
0x187: {  	[sflag:s18] =	ssyncset.done $0x0  }
0x188: {  	[sflag:s18] =	ssyncadd.s32 $0xFFFF8000  }
0x189: {  	[tilespmem:s2], [sflag:$0x1] =	stream.linear.gather [hbm4b:s0+s2], $0x400, $0x38;
	[tilespmem:$0x18000] =	vst v63  }
0x18a: {  	s11 =	simm.s32 $0x2000;
	s23 =	sadd.s32 $0x80, s0  }
0x18b: {  	[tilespmem:s11], [sflag:$0x1] =	stream.linear.gather [hbm4b:s23+s2], $0x400, $0x38;
	[tilespmem:$0x18000] =	vst v63  }
0x18c: {  	s28 =	simm.s32 $0x4000;
	s9 =	sadd.s32 $0x100, s0;
	s0 =	sadd.s32 $0x180, s0  }
0x18d: {  	[tilespmem:s28], [sflag:$0x1] =	stream.linear.gather [hbm4b:s9+s2], $0x400, $0x38;
	[tilespmem:$0x18000] =	vst v63  }
0x18e: {  	[smem:$0x7BB] =	sst s0;
	s11 =	simm.s32 $0x6000  }
0x18f: {  	[tilespmem:s11], [sflag:$0x1] =	stream.linear.gather [hbm4b:s0+s2], $0x400, $0x38;
	[tilespmem:$0x18000] =	vst v63  }
0x190: {  	s0 =	sld [smem:$0x7F8];
	_ =	sdelay $0x1  }
0x191: {  	s14 =	simm.s32 $0x400;
	[smem:$0x7B9] =	sst s23  }
0x192: {  	[tilespmem:s14], [sflag:$0x1] =	stream.linear.gather [hbm4b:s0+s2], $0x1C00, $0x38;
	[tilespmem:$0x18000] =	vst v63  }
0x193: {  	s12 =	simm.s32 $0x2400;
	[smem:$0x7BA] =	sst s9;
	s28 =	sadd.s32 $0x400, s0  }
0x194: {  	[tilespmem:s12], [sflag:$0x1] =	stream.linear.gather [hbm4b:s28+s2], $0x1C00, $0x38;
	[tilespmem:$0x18000] =	vst v63  }
0x195: {  	[smem:$0x7BC] =	sst s28;
	s12 =	sadd.s32 $0x800, s0  }
0x196: {  	s14 =	simm.s32 $0x4400;
	s0 =	sadd.s32 $0xC00, s0;
	[smem:$0x7BD] =	sst s12  }
0x197: {  	[tilespmem:s14], [sflag:$0x1] =	stream.linear.gather [hbm4b:s12+s2], $0x1C00, $0x38;
	[tilespmem:$0x18000] =	vst v63  }
0x198: {  	s13 =	simm.s32 $0x6400;
	[smem:$0x7BE] =	sst s0  }
0x199: {  	[tilespmem:s13], [sflag:$0x1] =	stream.linear.gather [hbm4b:s0+s2], $0x1C00, $0x38;
	[tilespmem:$0x18000] =	vst v63  }
0x19a: {  	_ =	swait.ge [sflag:s21], $0x1000  }
0x19b: {  	[sflag:s21] =	ssyncset.done $0x0  }
0x19c: {  	[sflag:s21] =	ssyncadd.s32 $0xFFFFF000  }
0x19d: {  	_ =	swait.ge [sflag:s21], $0x7000  }
0x19e: {  	[sflag:s21] =	ssyncset.done $0x0  }
0x19f: {  	s4 =	rddreg [dreg:$0xe];
	[sflag:s21] =	ssyncadd.s32 $0xFFFF9000  }
0x1a0: {  	[hbm4b:s4+s2] =	stream.linear.scatter [tilespmem:s8], [sflag:$0x5], $0x8000, $0x38;
	[tilespmem:$0x18000] =	vst v63  }
0x1a1: {  	_ =	swait.ge [sflag:s7], $0x8000  }
0x1a2: {  	s4 =	sld [smem:$0x7E4]  }
0x1a3: {  	[sflag:s7] =	ssyncset.done $0x0  }
0x1a4: {  	[sflag:s7] =	ssyncadd.s32 $0xFFFF8000  }
0x1a5: {  	[tilespmem:s8], [sflag:$0x2] =	stream.linear.gather [hbm4b:s4+s2], $0x400, $0x38;
	[tilespmem:$0x18000] =	vst v63  }
0x1a6: {  	s7 =	sadd.s32 $0x80, s4  }
0x1a7: {  	s31 =	simm.s32 $0xA000;
	s13 =	sadd.s32 $0x100, s4;
	[smem:$0x7BF] =	sst s7  }
0x1a8: {  	[tilespmem:s31], [sflag:$0x2] =	stream.linear.gather [hbm4b:s7+s2], $0x400, $0x38;
	[tilespmem:$0x18000] =	vst v63  }
0x1a9: {  	s31 =	simm.s32 $0xC000;
	s7 =	sadd.s32 $0x180, s4;
	s4 =	sld [smem:$0x7F9]  }
0x1aa: {  	[tilespmem:s31], [sflag:$0x2] =	stream.linear.gather [hbm4b:s13+s2], $0x400, $0x38;
	[tilespmem:$0x18000] =	vst v63  }
0x1ab: {  	[smem:$0x7C0] =	sst s13;
	s13 =	simm.s32 $0xE000  }
0x1ac: {  	[tilespmem:s13], [sflag:$0x2] =	stream.linear.gather [hbm4b:s7+s2], $0x400, $0x38;
	[tilespmem:$0x18000] =	vst v63  }
0x1ad: {  	[smem:$0x7C1] =	sst s7;
	s31 =	simm.s32 $0x8400;
	s7 =	sadd.s32 $0x400, s4  }
0x1ae: {  	[tilespmem:s31], [sflag:$0x2] =	stream.linear.gather [hbm4b:s4+s2], $0x1C00, $0x38;
	[tilespmem:$0x18000] =	vst v63  }
0x1af: {  	s1 =	simm.s32 $0xA400;
	s13 =	sadd.s32 $0x800, s4;
	[smem:$0x7C2] =	sst s7  }
0x1b0: {  	[tilespmem:s1], [sflag:$0x2] =	stream.linear.gather [hbm4b:s7+s2], $0x1C00, $0x38;
	[tilespmem:$0x18000] =	vst v63  }
0x1b1: {  	[smem:$0x7C3] =	sst s13;
	s31 =	simm.s32 $0xC400;
	s1 =	sadd.s32 $0xC00, s4  }
0x1b2: {  	[tilespmem:s31], [sflag:$0x2] =	stream.linear.gather [hbm4b:s13+s2], $0x1C00, $0x38;
	[tilespmem:$0x18000] =	vst v63  }
0x1b3: {  	s17 =	simm.s32 $0xE400;
	[smem:$0x7C4] =	sst s1  }
0x1b4: {  	[tilespmem:s17], [sflag:$0x2] =	stream.linear.gather [hbm4b:s1+s2], $0x1C00, $0x38;
	[tilespmem:$0x18000] =	vst v63  }
0x1b5: {  	_ =	swait.ge [sflag:s19], $0x1000  }
0x1b6: {  	[sflag:s19] =	ssyncset.done $0x0  }
0x1b7: {  	[sflag:s19] =	ssyncadd.s32 $0xFFFFF000  }
0x1b8: {  	_ =	swait.ge [sflag:s19], $0x7000  }
0x1b9: {  	[sflag:s19] =	ssyncset.done $0x0  }
0x1ba: {  	s4 =	rddreg [dreg:$0xf];
	[sflag:s19] =	ssyncadd.s32 $0xFFFF9000  }
0x1bb: {  	[hbm4b:s4+s2] =	stream.linear.scatter [tilespmem:s15], [sflag:$0x6], $0x8000, $0x38;
	[tilespmem:$0x18000] =	vst v63  }
0x1bc: {  	_ =	swait.ge [sflag:s6], $0x8000  }
0x1bd: {  	s7 =	sld [smem:$0x7E5]  }
0x1be: {  	[sflag:s6] =	ssyncset.done $0x0  }
0x1bf: {  	s3 =	simm.s32 $0x14000;
	[sflag:s6] =	ssyncadd.s32 $0xFFFF8000  }
0x1c0: {  	[tilespmem:s15], [sflag:$0x3] =	stream.linear.gather [hbm4b:s7+s2], $0x400, $0x38;
	[tilespmem:$0x18000] =	vst v63  }
0x1c1: {  	s16 =	simm.s32 $0x12000;
	s1 =	sadd.s32 $0x400, s20;
	s13 =	sadd.s32 $0x80, s7  }
0x1c2: {  	[tilespmem:s16], [sflag:$0x3] =	stream.linear.gather [hbm4b:s13+s2], $0x400, $0x38;
	[tilespmem:$0x18000] =	vst v63  }
0x1c3: {  	s4 =	sadd.s32 $0xC00, s20;
	[smem:$0x7C8] =	sst s1;
	s17 =	sadd.s32 $0x100, s7  }
0x1c4: {  	[tilespmem:s3], [sflag:$0x3] =	stream.linear.gather [hbm4b:s17+s2], $0x400, $0x38;
	[tilespmem:$0x18000] =	vst v63  }
0x1c5: {  	s30 =	simm.s32 $0x16000;
	[smem:$0x7CA] =	sst s4;
	s31 =	sadd.s32 $0x180, s7  }
0x1c6: {  	[tilespmem:s30], [sflag:$0x3] =	stream.linear.gather [hbm4b:s31+s2], $0x400, $0x38;
	[tilespmem:$0x18000] =	vst v63  }
0x1c7: {  	s5 =	simm.s32 $0x10400;
	[smem:$0x7C5] =	sst s13  }
0x1c8: {  	[tilespmem:s5], [sflag:$0x3] =	stream.linear.gather [hbm4b:s20+s2], $0x1C00, $0x38;
	[tilespmem:$0x18000] =	vst v63  }
0x1c9: {  	s25 =	simm.s32 $0x12400;
	[smem:$0x7C6] =	sst s17  }
0x1ca: {  	[tilespmem:s25], [sflag:$0x3] =	stream.linear.gather [hbm4b:s1+s2], $0x1C00, $0x38;
	[tilespmem:$0x18000] =	vst v63  }
0x1cb: {  	s24 =	simm.s32 $0x14400;
	[smem:$0x7C7] =	sst s31;
	s3 =	sadd.s32 $0x800, s20  }
0x1cc: {  	[tilespmem:s24], [sflag:$0x3] =	stream.linear.gather [hbm4b:s3+s2], $0x1C00, $0x38;
	[tilespmem:$0x18000] =	vst v63  }
0x1cd: {  	s22 =	simm.s32 $0x16400;
	[smem:$0x7C9] =	sst s3  }
0x1ce: {  	[tilespmem:s22], [sflag:$0x3] =	stream.linear.gather [hbm4b:s4+s2], $0x1C00, $0x38;
	[tilespmem:$0x18000] =	vst v63  }
0x1cf: {  	_ =	swait.ge [sflag:s10], $0x1000  }
0x1d0: {  	[sflag:s10] =	ssyncset.done $0x0  }
0x1d1: {  	[sflag:s10] =	ssyncadd.s32 $0xFFFFF000  }
0x1d2: {  	_ =	swait.ge [sflag:s10], $0x7000  }
0x1d3: {  	[sflag:s10] =	ssyncset.done $0x0  }
0x1d4: {  	s5 =	rddreg [dreg:$0x10];
	[sflag:s10] =	ssyncadd.s32 $0xFFFF9000  }
0x1d5: {  	[hbm4b:s5+s2] =	stream.linear.scatter [tilespmem:s2], [sflag:$0x4], $0x8000, $0x38;
	[tilespmem:$0x18000] =	vst v63  }
0x1d6: {  	_ =	swait.ge [sflag:s18], $0x8000  }
0x1d7: {  	[sflag:s18] =	ssyncset.done $0x0  }
0x1d8: {  	[sflag:s18] =	ssyncadd.s32 $0xFFFF8000  }
0x1d9: {  	[tilespmem:s2], [sflag:$0x1] =	stream.linear.gather [hbm4b:s26+s2], $0x400, $0x38;
	[tilespmem:$0x18000] =	vst v63  }
0x1da: {  	s23 =	simm.s32 $0x2000;
	s7 =	sadd.s32 $0x80, s26  }
0x1db: {  	[tilespmem:s23], [sflag:$0x1] =	stream.linear.gather [hbm4b:s7+s2], $0x400, $0x38;
	[tilespmem:$0x18000] =	vst v63  }
0x1dc: {  	s13 =	sadd.s32 $0x100, s26;
	s16 =	simm.s32 $0x4000;
	[smem:$0x7CB] =	sst s7  }
0x1dd: {  	[tilespmem:s16], [sflag:$0x1] =	stream.linear.gather [hbm4b:s13+s2], $0x400, $0x38;
	[tilespmem:$0x18000] =	vst v63  }
0x1de: {  	s11 =	simm.s32 $0x6000;
	s17 =	sadd.s32 $0x180, s26;
	[smem:$0x7CC] =	sst s13  }
0x1df: {  	[tilespmem:s11], [sflag:$0x1] =	stream.linear.gather [hbm4b:s17+s2], $0x400, $0x38;
	[tilespmem:$0x18000] =	vst v63  }
0x1e0: {  	s9 =	simm.s32 $0x400;
	s22 =	sadd.s32 $0x400, s29;
	[smem:$0x7CD] =	sst s17  }
0x1e1: {  	[tilespmem:s9], [sflag:$0x1] =	stream.linear.gather [hbm4b:s29+s2], $0x1C00, $0x38;
	[tilespmem:$0x18000] =	vst v63  }
0x1e2: {  	s28 =	simm.s32 $0x2400;
	s24 =	sadd.s32 $0xC00, s29;
	[smem:$0x7CE] =	sst s22  }
0x1e3: {  	[tilespmem:s28], [sflag:$0x1] =	stream.linear.gather [hbm4b:s22+s2], $0x1C00, $0x38;
	[tilespmem:$0x18000] =	vst v63  }
0x1e4: {  	s14 =	simm.s32 $0x4400;
	[smem:$0x7D0] =	sst s24;
	s23 =	sadd.s32 $0x800, s29  }
0x1e5: {  	[tilespmem:s14], [sflag:$0x1] =	stream.linear.gather [hbm4b:s23+s2], $0x1C00, $0x38;
	[tilespmem:$0x18000] =	vst v63  }
0x1e6: {  	s12 =	simm.s32 $0x6400;
	[smem:$0x7CF] =	sst s23  }
0x1e7: {  	[tilespmem:s12], [sflag:$0x1] =	stream.linear.gather [hbm4b:s24+s2], $0x1C00, $0x38;
	[tilespmem:$0x18000] =	vst v63  }
0x1e8: {  	_ =	swait.ge [sflag:s21], $0x1000  }
0x1e9: {  	[sflag:s21] =	ssyncset.done $0x0  }
0x1ea: {  	[sflag:s21] =	ssyncadd.s32 $0xFFFFF000  }
0x1eb: {  	_ =	swait.ge [sflag:s21], $0x7000  }
0x1ec: {  	[sflag:s21] =	ssyncset.done $0x0  }
0x1ed: {  	s25 =	rddreg [dreg:$0x11];
	[sflag:s21] =	ssyncadd.s32 $0xFFFF9000  }
0x1ee: {  	[hbm4b:s25+s2] =	stream.linear.scatter [tilespmem:s8], [sflag:$0x5], $0x8000, $0x38;
	[tilespmem:$0x18000] =	vst v63  }
0x1ef: {  	_ =	swait.ge [sflag:s19], $0x1000  }
0x1f0: {  	[sflag:s19] =	ssyncset.done $0x0  }
0x1f1: {  	[sflag:s19] =	ssyncadd.s32 $0xFFFFF000  }
0x1f2: {  	_ =	swait.ge [sflag:s19], $0x7000  }
0x1f3: {  	[sflag:s19] =	ssyncset.done $0x0  }
0x1f4: {  	s28 =	rddreg [dreg:$0x12];
	[sflag:s19] =	ssyncadd.s32 $0xFFFF9000  }
0x1f5: {  	[hbm4b:s28+s2] =	stream.linear.scatter [tilespmem:s15], [sflag:$0x6], $0x8000, $0x38;
	[tilespmem:$0x18000] =	vst v63  }
0x1f6: {  	_ =	swait.ge [sflag:s10], $0x1000  }
0x1f7: {  	[sflag:s10] =	ssyncset.done $0x0  }
0x1f8: {  	[sflag:s10] =	ssyncadd.s32 $0xFFFFF000  }
0x1f9: {  	_ =	swait.ge [sflag:s10], $0x7000  }
0x1fa: {  	[sflag:s10] =	ssyncset.done $0x0  }
0x1fb: {  	s30 =	rddreg [dreg:$0x13];
	[sflag:s10] =	ssyncadd.s32 $0xFFFF9000  }
0x1fc: {  	[hbm4b:s30+s2] =	stream.linear.scatter [tilespmem:s2], [sflag:$0x4], $0x8000, $0x38;
	[tilespmem:$0x18000] =	vst v63  }
0x1fd: {  	_ =	swait.ge [sflag:s18], $0x8000  }
0x1fe: {  	[sflag:s18] =	ssyncset.done $0x0  }
0x1ff: {  	s6 =	simm.s32 $0x5;
	[sflag:s18] =	ssyncadd.s32 $0xFFFF8000  }
0x200: {  	_ =	swait.ge [sflag:s6], $0x8000  }
0x201: {  	s31 =	sld [smem:$0x7D1];
	_ =	sdelay $0x2  }
0x202: {  	[sflag:s6] =	ssyncset.done $0x0;
	p1 =	sne.s32 s31, $0x1  }
.Ltmp1:
0x203: {  	s5 =	simm.s32 $0x6;
	[sflag:s6] =	ssyncadd.s32 $0xFFFF8000;
	(pc) =	sbr.rel @!p1 .LBB2_6-.Ltmp1, $4  }
0x204: {  	_ =	swait.ge [sflag:s5], $0x8000  }
0x205: {  	[smem:$0x7D2] =	sst s29  }
0x206: {  	p0 =	por $0x1, $0x1;
	s9 =	simm.s32 $0x8000;
	[smem:$0x7D3] =	sst s26  }
0x207: {  	s16 =	sadd.s32 $0xFFFFFFFF, s31;
	[sflag:s5] =	ssyncset.done $0x0;
	[smem:$0x7D4] =	sst s20  }
0x208: {  	s8 =	simm.s32 $0x10000  }
.LBB2_3:
0x209: {  	s3 =	sld [smem:$0x7D5];
	_ =	sdelay $0x1  }
0x20a: {  	s24 =	rddreg [dreg:$0x14];
	[sflag:s5] =	ssyncadd.s32 $0xFFFF8000  }
0x20b: {  	[tilespmem:s2], [sflag:$0x1] =	stream.linear.gather [hbm4b:s3+s2], $0x400, $0x38;
	[tilespmem:$0x18000] =	vst v63  }
0x20c: {  	s25 =	rddreg [dreg:$0x15];
	s1 =	simm.s32 $0x2000  }
0x20d: {  	[tilespmem:s1], [sflag:$0x1] =	stream.linear.gather [hbm4b:s24+s2], $0x400, $0x38;
	[tilespmem:$0x18000] =	vst v63  }
0x20e: {  	s5 =	simm.s32 $0x4000;
	s12 =	sld [smem:$0x7D6]  }
0x20f: {  	[tilespmem:s5], [sflag:$0x1] =	stream.linear.gather [hbm4b:s25+s2], $0x400, $0x38;
	[tilespmem:$0x18000] =	vst v63  }
0x210: {  	s4 =	simm.s32 $0x6000;
	s3 =	rddreg [dreg:$0x16]  }
0x211: {  	[tilespmem:s4], [sflag:$0x1] =	stream.linear.gather [hbm4b:s3+s2], $0x400, $0x38;
	[tilespmem:$0x18000] =	vst v63  }
0x212: {  	s11 =	rddreg [dreg:$0x17];
	s13 =	simm.s32 $0x400  }
0x213: {  	[tilespmem:s13], [sflag:$0x1] =	stream.linear.gather [hbm4b:s12+s2], $0x1C00, $0x38;
	[tilespmem:$0x18000] =	vst v63  }
0x214: {  	s14 =	rddreg [dreg:$0x18];
	s20 =	simm.s32 $0x2400  }
0x215: {  	[tilespmem:s20], [sflag:$0x1] =	stream.linear.gather [hbm4b:s11+s2], $0x1C00, $0x38;
	[tilespmem:$0x18000] =	vst v63  }
0x216: {  	s22 =	rddreg [dreg:$0x19];
	s26 =	simm.s32 $0x4400  }
0x217: {  	[tilespmem:s26], [sflag:$0x1] =	stream.linear.gather [hbm4b:s14+s2], $0x1C00, $0x38;
	[tilespmem:$0x18000] =	vst v63  }
0x218: {  	s28 =	simm.s32 $0x6400;
	s30 =	sld [smem:$0x7D7]  }
0x219: {  	[tilespmem:s28], [sflag:$0x1] =	stream.linear.gather [hbm4b:s22+s2], $0x1C00, $0x38;
	[tilespmem:$0x18000] =	vst v63  }
0x21a: {  	s29 =	rddreg [dreg:$0x1a]  }
0x21b: {  	[tilespmem:s9], [sflag:$0x2] =	stream.linear.gather [hbm4b:s30+s2], $0x400, $0x38;
	[tilespmem:$0x18000] =	vst v63  }
0x21c: {  	s31 =	rddreg [dreg:$0x1b];
	s0 =	simm.s32 $0xA000  }
0x21d: {  	[tilespmem:s0], [sflag:$0x2] =	stream.linear.gather [hbm4b:s29+s2], $0x400, $0x38;
	[tilespmem:$0x18000] =	vst v63  }
0x21e: {  	s1 =	rddreg [dreg:$0x1c];
	s3 =	simm.s32 $0xC000  }
0x21f: {  	[tilespmem:s3], [sflag:$0x2] =	stream.linear.gather [hbm4b:s31+s2], $0x400, $0x38;
	[tilespmem:$0x18000] =	vst v63  }
0x220: {  	s4 =	simm.s32 $0xE000;
	s12 =	sld [smem:$0x7D8]  }
0x221: {  	[tilespmem:s4], [sflag:$0x2] =	stream.linear.gather [hbm4b:s1+s2], $0x400, $0x38;
	[tilespmem:$0x18000] =	vst v63  }
0x222: {  	s5 =	rddreg [dreg:$0x1d];
	s11 =	simm.s32 $0x8400  }
0x223: {  	[tilespmem:s11], [sflag:$0x2] =	stream.linear.gather [hbm4b:s12+s2], $0x1C00, $0x38;
	[tilespmem:$0x18000] =	vst v63  }
0x224: {  	s13 =	rddreg [dreg:$0x1e];
	s14 =	simm.s32 $0xA400  }
0x225: {  	[tilespmem:s14], [sflag:$0x2] =	stream.linear.gather [hbm4b:s5+s2], $0x1C00, $0x38;
	[tilespmem:$0x18000] =	vst v63  }
0x226: {  	s20 =	rddreg [dreg:$0x1f];
	s30 =	simm.s32 $0xC400  }
0x227: {  	[tilespmem:s30], [sflag:$0x2] =	stream.linear.gather [hbm4b:s13+s2], $0x1C00, $0x38;
	[tilespmem:$0x18000] =	vst v63  }
0x228: {  	s31 =	simm.s32 $0xE400;
	s1 =	sld [smem:$0x7E7]  }
0x229: {  	[tilespmem:s31], [sflag:$0x2] =	stream.linear.gather [hbm4b:s20+s2], $0x1C00, $0x38;
	[tilespmem:$0x18000] =	vst v63  }
0x22a: {  	s0 =	sld [smem:$0x7D9]  }
0x22b: {  	[tilespmem:s8], [sflag:$0x3] =	stream.linear.gather [hbm4b:s1+s2], $0x400, $0x38;
	[tilespmem:$0x18000] =	vst v63  }
0x22c: {  	s4 =	sld [smem:$0x7E6];
	s12 =	simm.s32 $0x12000  }
0x22d: {  	[tilespmem:s12], [sflag:$0x3] =	stream.linear.gather [hbm4b:s0+s2], $0x400, $0x38;
	[tilespmem:$0x18000] =	vst v63  }
0x22e: {  	s14 =	simm.s32 $0x14000;
	s13 =	sld [smem:$0x7E8]  }
0x22f: {  	[tilespmem:s14], [sflag:$0x3] =	stream.linear.gather [hbm4b:s4+s2], $0x400, $0x38;
	[tilespmem:$0x18000] =	vst v63  }
0x230: {  	s30 =	sld [smem:$0x7FC];
	s20 =	simm.s32 $0x16000  }
0x231: {  	[tilespmem:s20], [sflag:$0x3] =	stream.linear.gather [hbm4b:s13+s2], $0x400, $0x38;
	[tilespmem:$0x18000] =	vst v63  }
0x232: {  	s25 =	sld [smem:$0x7FA];
	s31 =	simm.s32 $0x10400  }
0x233: {  	[tilespmem:s31], [sflag:$0x3] =	stream.linear.gather [hbm4b:s30+s2], $0x1C00, $0x38;
	[tilespmem:$0x18000] =	vst v63  }
0x234: {  	s0 =	sld [smem:$0x7FB];
	s4 =	simm.s32 $0x12400  }
0x235: {  	[tilespmem:s4], [sflag:$0x3] =	stream.linear.gather [hbm4b:s25+s2], $0x1C00, $0x38;
	[tilespmem:$0x18000] =	vst v63  }
0x236: {  	s12 =	sld [smem:$0x7FD];
	s13 =	simm.s32 $0x14400  }
0x237: {  	[tilespmem:s13], [sflag:$0x3] =	stream.linear.gather [hbm4b:s0+s2], $0x1C00, $0x38;
	[tilespmem:$0x18000] =	vst v63  }
0x238: {  	s20 =	simm.s32 $0x16400  }
0x239: {  	[tilespmem:s20], [sflag:$0x3] =	stream.linear.gather [hbm4b:s12+s2], $0x1C00, $0x38;
	[tilespmem:$0x18000] =	vst v63  }
0x23a: {  	_ =	swait.ge [sflag:s10], $0x1000  }
0x23b: {  	[sflag:s10] =	ssyncset.done $0x0  }
0x23c: {  	[sflag:s10] =	ssyncadd.s32 $0xFFFFF000  }
0x23d: {  	_ =	swait.ge [sflag:s10], $0x7000  }
0x23e: {  	[sflag:s10] =	ssyncset.done $0x0  }
0x23f: {  	s14 =	rddreg [dreg:$0x4];
	[sflag:s10] =	ssyncadd.s32 $0xFFFF9000  }
0x240: {  	[hbm4b:s14+s2] =	stream.linear.scatter [tilespmem:s2], [sflag:$0x4], $0x8000, $0x38;
	[tilespmem:$0x18000] =	vst v63  }
0x241: {  	_ =	swait.ge [sflag:s18], $0x8000  }
0x242: {  	[sflag:s18] =	ssyncset.done $0x0  }
0x243: {  	[sflag:s18] =	ssyncadd.s32 $0xFFFF8000;
	s18 =	sld [smem:$0x7DA];
	_ =	sdelay $0x1  }
0x244: {  	s20 =	sld [smem:$0x783]  }
0x245: {  	[tilespmem:s2], [sflag:$0x1] =	stream.linear.gather [hbm4b:s18+s2], $0x400, $0x38;
	[tilespmem:$0x18000] =	vst v63  }
0x246: {  	s17 =	simm.s32 $0x2000;
	s25 =	sld [smem:$0x784]  }
0x247: {  	[tilespmem:s17], [sflag:$0x1] =	stream.linear.gather [hbm4b:s20+s2], $0x400, $0x38;
	[tilespmem:$0x18000] =	vst v63  }
0x248: {  	s15 =	simm.s32 $0x4000;
	s30 =	sld [smem:$0x785]  }
0x249: {  	[tilespmem:s15], [sflag:$0x1] =	stream.linear.gather [hbm4b:s25+s2], $0x400, $0x38;
	[tilespmem:$0x18000] =	vst v63  }
0x24a: {  	s31 =	sld [smem:$0x7EB];
	s17 =	simm.s32 $0x6000  }
0x24b: {  	[tilespmem:s17], [sflag:$0x1] =	stream.linear.gather [hbm4b:s30+s2], $0x400, $0x38;
	[tilespmem:$0x18000] =	vst v63  }
0x24c: {  	s4 =	sld [smem:$0x786];
	s15 =	simm.s32 $0x400  }
0x24d: {  	[tilespmem:s15], [sflag:$0x1] =	stream.linear.gather [hbm4b:s31+s2], $0x1C00, $0x38;
	[tilespmem:$0x18000] =	vst v63  }
0x24e: {  	s12 =	sld [smem:$0x787];
	s25 =	simm.s32 $0x2400  }
0x24f: {  	[tilespmem:s25], [sflag:$0x1] =	stream.linear.gather [hbm4b:s4+s2], $0x1C00, $0x38;
	[tilespmem:$0x18000] =	vst v63  }
0x250: {  	s23 =	simm.s32 $0x4400;
	s13 =	sld [smem:$0x788]  }
0x251: {  	[tilespmem:s23], [sflag:$0x1] =	stream.linear.gather [hbm4b:s12+s2], $0x1C00, $0x38;
	[tilespmem:$0x18000] =	vst v63  }
0x252: {  	s23 =	simm.s32 $0x6400  }
0x253: {  	[tilespmem:s23], [sflag:$0x1] =	stream.linear.gather [hbm4b:s13+s2], $0x1C00, $0x38;
	[tilespmem:$0x18000] =	vst v63  }
0x254: {  	_ =	swait.ge [sflag:s21], $0x1000  }
0x255: {  	[sflag:s21] =	ssyncset.done $0x0  }
0x256: {  	[sflag:s21] =	ssyncadd.s32 $0xFFFFF000  }
0x257: {  	_ =	swait.ge [sflag:s21], $0x7000  }
0x258: {  	s7 =	simm.s32 $0x5;
	[sflag:s21] =	ssyncset.done $0x0  }
0x259: {  	s9 =	simm.s32 $0x8000;
	s14 =	rddreg [dreg:$0x5];
	[sflag:s21] =	ssyncadd.s32 $0xFFFF9000  }
0x25a: {  	[hbm4b:s14+s2] =	stream.linear.scatter [tilespmem:s9], [sflag:$0x5], $0x8000, $0x38;
	[tilespmem:$0x18000] =	vst v63  }
0x25b: {  	_ =	swait.ge [sflag:s7], $0x8000  }
0x25c: {  	s20 =	sld [smem:$0x7DB]  }
0x25d: {  	[sflag:s7] =	ssyncset.done $0x0  }
0x25e: {  	s31 =	sld [smem:$0x789];
	[sflag:s7] =	ssyncadd.s32 $0xFFFF8000  }
0x25f: {  	[tilespmem:s9], [sflag:$0x2] =	stream.linear.gather [hbm4b:s20+s2], $0x400, $0x38;
	[tilespmem:$0x18000] =	vst v63  }
0x260: {  	s22 =	simm.s32 $0xA000;
	s4 =	sld [smem:$0x78A]  }
0x261: {  	[tilespmem:s22], [sflag:$0x2] =	stream.linear.gather [hbm4b:s31+s2], $0x400, $0x38;
	[tilespmem:$0x18000] =	vst v63  }
0x262: {  	s28 =	simm.s32 $0xC000;
	s12 =	sld [smem:$0x78B]  }
0x263: {  	[tilespmem:s28], [sflag:$0x2] =	stream.linear.gather [hbm4b:s4+s2], $0x400, $0x38;
	[tilespmem:$0x18000] =	vst v63  }
0x264: {  	s26 =	simm.s32 $0xE000;
	s14 =	sld [smem:$0x7ED]  }
0x265: {  	[tilespmem:s26], [sflag:$0x2] =	stream.linear.gather [hbm4b:s12+s2], $0x400, $0x38;
	[tilespmem:$0x18000] =	vst v63  }
0x266: {  	s29 =	simm.s32 $0x8400;
	s20 =	sld [smem:$0x78C]  }
0x267: {  	[tilespmem:s29], [sflag:$0x2] =	stream.linear.gather [hbm4b:s14+s2], $0x1C00, $0x38;
	[tilespmem:$0x18000] =	vst v63  }
0x268: {  	s3 =	simm.s32 $0xA400;
	s22 =	sld [smem:$0x78D]  }
0x269: {  	[tilespmem:s3], [sflag:$0x2] =	stream.linear.gather [hbm4b:s20+s2], $0x1C00, $0x38;
	[tilespmem:$0x18000] =	vst v63  }
0x26a: {  	s5 =	simm.s32 $0xC400;
	s26 =	sld [smem:$0x78E]  }
0x26b: {  	[tilespmem:s5], [sflag:$0x2] =	stream.linear.gather [hbm4b:s22+s2], $0x1C00, $0x38;
	[tilespmem:$0x18000] =	vst v63  }
0x26c: {  	s11 =	simm.s32 $0xE400  }
0x26d: {  	[tilespmem:s11], [sflag:$0x2] =	stream.linear.gather [hbm4b:s26+s2], $0x1C00, $0x38;
	[tilespmem:$0x18000] =	vst v63  }
0x26e: {  	_ =	swait.ge [sflag:s19], $0x1000  }
0x26f: {  	[sflag:s19] =	ssyncset.done $0x0  }
0x270: {  	[sflag:s19] =	ssyncadd.s32 $0xFFFFF000  }
0x271: {  	_ =	swait.ge [sflag:s19], $0x7000  }
0x272: {  	[sflag:s19] =	ssyncset.done $0x0  }
0x273: {  	s6 =	simm.s32 $0x6;
	s28 =	rddreg [dreg:$0x6];
	[sflag:s19] =	ssyncadd.s32 $0xFFFF9000  }
0x274: {  	[hbm4b:s28+s2] =	stream.linear.scatter [tilespmem:s8], [sflag:$0x6], $0x8000, $0x38;
	[tilespmem:$0x18000] =	vst v63  }
0x275: {  	_ =	swait.ge [sflag:s6], $0x8000  }
0x276: {  	s29 =	sld [smem:$0x7DC]  }
0x277: {  	[sflag:s6] =	ssyncset.done $0x0  }
0x278: {  	s31 =	sld [smem:$0x78F];
	[sflag:s6] =	ssyncadd.s32 $0xFFFF8000  }
0x279: {  	[tilespmem:s8], [sflag:$0x3] =	stream.linear.gather [hbm4b:s29+s2], $0x400, $0x38;
	[tilespmem:$0x18000] =	vst v63  }
0x27a: {  	s26 =	simm.s32 $0x12000;
	s3 =	sld [smem:$0x790]  }
0x27b: {  	[tilespmem:s26], [sflag:$0x3] =	stream.linear.gather [hbm4b:s31+s2], $0x400, $0x38;
	[tilespmem:$0x18000] =	vst v63  }
0x27c: {  	s20 =	simm.s32 $0x14000;
	s4 =	sld [smem:$0x791]  }
0x27d: {  	[tilespmem:s20], [sflag:$0x3] =	stream.linear.gather [hbm4b:s3+s2], $0x400, $0x38;
	[tilespmem:$0x18000] =	vst v63  }
0x27e: {  	s5 =	sld [smem:$0x7EF];
	s29 =	simm.s32 $0x16000  }
0x27f: {  	[tilespmem:s29], [sflag:$0x3] =	stream.linear.gather [hbm4b:s4+s2], $0x400, $0x38;
	[tilespmem:$0x18000] =	vst v63  }
0x280: {  	s28 =	simm.s32 $0x10400;
	s11 =	sld [smem:$0x792]  }
0x281: {  	[tilespmem:s28], [sflag:$0x3] =	stream.linear.gather [hbm4b:s5+s2], $0x1C00, $0x38;
	[tilespmem:$0x18000] =	vst v63  }
0x282: {  	s12 =	sld [smem:$0x793];
	s31 =	simm.s32 $0x12400  }
0x283: {  	[tilespmem:s31], [sflag:$0x3] =	stream.linear.gather [hbm4b:s11+s2], $0x1C00, $0x38;
	[tilespmem:$0x18000] =	vst v63  }
0x284: {  	s22 =	simm.s32 $0x14400;
	s14 =	sld [smem:$0x794]  }
0x285: {  	[tilespmem:s22], [sflag:$0x3] =	stream.linear.gather [hbm4b:s12+s2], $0x1C00, $0x38;
	[tilespmem:$0x18000] =	vst v63  }
0x286: {  	s1 =	simm.s32 $0x16400  }
0x287: {  	[tilespmem:s1], [sflag:$0x3] =	stream.linear.gather [hbm4b:s14+s2], $0x1C00, $0x38;
	[tilespmem:$0x18000] =	vst v63  }
0x288: {  	_ =	swait.ge [sflag:s10], $0x1000  }
0x289: {  	[sflag:s10] =	ssyncset.done $0x0  }
0x28a: {  	[sflag:s10] =	ssyncadd.s32 $0xFFFFF000  }
0x28b: {  	_ =	swait.ge [sflag:s10], $0x7000  }
0x28c: {  	[sflag:s10] =	ssyncset.done $0x0  }
0x28d: {  	s0 =	simm.s32 $0x4;
	s3 =	rddreg [dreg:$0x7];
	[sflag:s10] =	ssyncadd.s32 $0xFFFF9000  }
0x28e: {  	[hbm4b:s3+s2] =	stream.linear.scatter [tilespmem:s2], [sflag:$0x4], $0x8000, $0x38;
	[tilespmem:$0x18000] =	vst v63  }
0x28f: {  	_ =	swait.ge [sflag:s0], $0x8000  }
0x290: {  	s4 =	sld [smem:$0x7DD]  }
0x291: {  	[sflag:s0] =	ssyncset.done $0x0  }
0x292: {  	s5 =	sld [smem:$0x795];
	[sflag:s0] =	ssyncadd.s32 $0xFFFF8000  }
0x293: {  	[tilespmem:s2], [sflag:$0x1] =	stream.linear.gather [hbm4b:s4+s2], $0x400, $0x38;
	[tilespmem:$0x18000] =	vst v63  }
0x294: {  	s12 =	sld [smem:$0x796];
	s0 =	simm.s32 $0x2000  }
0x295: {  	[tilespmem:s0], [sflag:$0x1] =	stream.linear.gather [hbm4b:s5+s2], $0x400, $0x38;
	[tilespmem:$0x18000] =	vst v63  }
0x296: {  	s18 =	simm.s32 $0x4000;
	s14 =	sld [smem:$0x797]  }
0x297: {  	[tilespmem:s18], [sflag:$0x1] =	stream.linear.gather [hbm4b:s12+s2], $0x400, $0x38;
	[tilespmem:$0x18000] =	vst v63  }
0x298: {  	_ = 	snop  }
0x299: {  	[tilespmem:s17], [sflag:$0x1] =	stream.linear.gather [hbm4b:s14+s2], $0x400, $0x38;
	[tilespmem:$0x18000] =	vst v63  }
0x29a: {  	s17 =	sld [smem:$0x7F1];
	_ =	sdelay $0x1  }
0x29b: {  	s1 =	sld [smem:$0x798]  }
0x29c: {  	[tilespmem:s15], [sflag:$0x1] =	stream.linear.gather [hbm4b:s17+s2], $0x1C00, $0x38;
	[tilespmem:$0x18000] =	vst v63  }
0x29d: {  	s4 =	sld [smem:$0x799]  }
0x29e: {  	[tilespmem:s25], [sflag:$0x1] =	stream.linear.gather [hbm4b:s1+s2], $0x1C00, $0x38;
	[tilespmem:$0x18000] =	vst v63  }
0x29f: {  	s30 =	simm.s32 $0x4400;
	s12 =	sld [smem:$0x79A]  }
0x2a0: {  	[tilespmem:s30], [sflag:$0x1] =	stream.linear.gather [hbm4b:s4+s2], $0x1C00, $0x38;
	[tilespmem:$0x18000] =	vst v63  }
0x2a1: {  	_ = 	snop  }
0x2a2: {  	[tilespmem:s23], [sflag:$0x1] =	stream.linear.gather [hbm4b:s12+s2], $0x1C00, $0x38;
	[tilespmem:$0x18000] =	vst v63  }
0x2a3: {  	_ =	swait.ge [sflag:s21], $0x1000  }
0x2a4: {  	[sflag:s21] =	ssyncset.done $0x0  }
0x2a5: {  	[sflag:s21] =	ssyncadd.s32 $0xFFFFF000  }
0x2a6: {  	_ =	swait.ge [sflag:s21], $0x7000  }
0x2a7: {  	[sflag:s21] =	ssyncset.done $0x0  }
0x2a8: {  	s15 =	rddreg [dreg:$0x8];
	[sflag:s21] =	ssyncadd.s32 $0xFFFF9000  }
0x2a9: {  	[hbm4b:s15+s2] =	stream.linear.scatter [tilespmem:s9], [sflag:$0x5], $0x8000, $0x38;
	[tilespmem:$0x18000] =	vst v63  }
0x2aa: {  	_ =	swait.ge [sflag:s7], $0x8000  }
0x2ab: {  	s17 =	sld [smem:$0x7DE]  }
0x2ac: {  	[sflag:s7] =	ssyncset.done $0x0  }
0x2ad: {  	s23 =	sld [smem:$0x79B];
	[sflag:s7] =	ssyncadd.s32 $0xFFFF8000  }
0x2ae: {  	[tilespmem:s9], [sflag:$0x2] =	stream.linear.gather [hbm4b:s17+s2], $0x400, $0x38;
	[tilespmem:$0x18000] =	vst v63  }
0x2af: {  	s13 =	simm.s32 $0xA000;
	s25 =	sld [smem:$0x79C]  }
0x2b0: {  	[tilespmem:s13], [sflag:$0x2] =	stream.linear.gather [hbm4b:s23+s2], $0x400, $0x38;
	[tilespmem:$0x18000] =	vst v63  }
0x2b1: {  	s30 =	simm.s32 $0xC000;
	s13 =	sld [smem:$0x79D]  }
0x2b2: {  	[tilespmem:s30], [sflag:$0x2] =	stream.linear.gather [hbm4b:s25+s2], $0x400, $0x38;
	[tilespmem:$0x18000] =	vst v63  }
0x2b3: {  	s15 =	simm.s32 $0xE000;
	s25 =	sld [smem:$0x7F3]  }
0x2b4: {  	[tilespmem:s15], [sflag:$0x2] =	stream.linear.gather [hbm4b:s13+s2], $0x400, $0x38;
	[tilespmem:$0x18000] =	vst v63  }
0x2b5: {  	s30 =	simm.s32 $0x8400  }
0x2b6: {  	[tilespmem:s30], [sflag:$0x2] =	stream.linear.gather [hbm4b:s25+s2], $0x1C00, $0x38;
	[tilespmem:$0x18000] =	vst v63  }
0x2b7: {  	s25 =	sld [smem:$0x79E];
	_ =	sdelay $0x1  }
0x2b8: {  	s30 =	simm.s32 $0xA400  }
0x2b9: {  	[tilespmem:s30], [sflag:$0x2] =	stream.linear.gather [hbm4b:s25+s2], $0x1C00, $0x38;
	[tilespmem:$0x18000] =	vst v63  }
0x2ba: {  	s25 =	sld [smem:$0x79F];
	_ =	sdelay $0x1  }
0x2bb: {  	s30 =	simm.s32 $0xC400  }
0x2bc: {  	[tilespmem:s30], [sflag:$0x2] =	stream.linear.gather [hbm4b:s25+s2], $0x1C00, $0x38;
	[tilespmem:$0x18000] =	vst v63  }
0x2bd: {  	s25 =	sld [smem:$0x7A0];
	_ =	sdelay $0x1  }
0x2be: {  	s30 =	simm.s32 $0xE400  }
0x2bf: {  	[tilespmem:s30], [sflag:$0x2] =	stream.linear.gather [hbm4b:s25+s2], $0x1C00, $0x38;
	[tilespmem:$0x18000] =	vst v63  }
0x2c0: {  	_ =	swait.ge [sflag:s19], $0x1000  }
0x2c1: {  	[sflag:s19] =	ssyncset.done $0x0  }
0x2c2: {  	[sflag:s19] =	ssyncadd.s32 $0xFFFFF000  }
0x2c3: {  	_ =	swait.ge [sflag:s19], $0x7000  }
0x2c4: {  	[sflag:s19] =	ssyncset.done $0x0  }
0x2c5: {  	s25 =	rddreg [dreg:$0x9];
	[sflag:s19] =	ssyncadd.s32 $0xFFFF9000  }
0x2c6: {  	[hbm4b:s25+s2] =	stream.linear.scatter [tilespmem:s8], [sflag:$0x6], $0x8000, $0x38;
	[tilespmem:$0x18000] =	vst v63  }
0x2c7: {  	_ =	swait.ge [sflag:s6], $0x8000  }
0x2c8: {  	s30 =	sld [smem:$0x7DF]  }
0x2c9: {  	[sflag:s6] =	ssyncset.done $0x0  }
0x2ca: {  	s25 =	sld [smem:$0x7A1];
	[sflag:s6] =	ssyncadd.s32 $0xFFFF8000  }
0x2cb: {  	[tilespmem:s8], [sflag:$0x3] =	stream.linear.gather [hbm4b:s30+s2], $0x400, $0x38;
	[tilespmem:$0x18000] =	vst v63  }
0x2cc: {  	s30 =	sld [smem:$0x7A2]  }
0x2cd: {  	[tilespmem:s26], [sflag:$0x3] =	stream.linear.gather [hbm4b:s25+s2], $0x400, $0x38;
	[tilespmem:$0x18000] =	vst v63  }
0x2ce: {  	s26 =	sld [smem:$0x7A3]  }
0x2cf: {  	[tilespmem:s20], [sflag:$0x3] =	stream.linear.gather [hbm4b:s30+s2], $0x400, $0x38;
	[tilespmem:$0x18000] =	vst v63  }
0x2d0: {  	_ = 	snop  }
0x2d1: {  	[tilespmem:s29], [sflag:$0x3] =	stream.linear.gather [hbm4b:s26+s2], $0x400, $0x38;
	[tilespmem:$0x18000] =	vst v63  }
0x2d2: {  	s29 =	sld [smem:$0x7F4];
	_ =	sdelay $0x1  }
0x2d3: {  	s30 =	sld [smem:$0x7A4]  }
0x2d4: {  	[tilespmem:s28], [sflag:$0x3] =	stream.linear.gather [hbm4b:s29+s2], $0x1C00, $0x38;
	[tilespmem:$0x18000] =	vst v63  }
0x2d5: {  	_ = 	snop  }
0x2d6: {  	[tilespmem:s31], [sflag:$0x3] =	stream.linear.gather [hbm4b:s30+s2], $0x1C00, $0x38;
	[tilespmem:$0x18000] =	vst v63  }
0x2d7: {  	s31 =	sld [smem:$0x7A5];
	_ =	sdelay $0x1  }
0x2d8: {  	s30 =	sld [smem:$0x7A6]  }
0x2d9: {  	[tilespmem:s22], [sflag:$0x3] =	stream.linear.gather [hbm4b:s31+s2], $0x1C00, $0x38;
	[tilespmem:$0x18000] =	vst v63  }
0x2da: {  	s11 =	simm.s32 $0x16400  }
0x2db: {  	[tilespmem:s11], [sflag:$0x3] =	stream.linear.gather [hbm4b:s30+s2], $0x1C00, $0x38;
	[tilespmem:$0x18000] =	vst v63  }
0x2dc: {  	_ =	swait.ge [sflag:s10], $0x1000  }
0x2dd: {  	[sflag:s10] =	ssyncset.done $0x0  }
0x2de: {  	[sflag:s10] =	ssyncadd.s32 $0xFFFFF000  }
0x2df: {  	_ =	swait.ge [sflag:s10], $0x7000  }
0x2e0: {  	[sflag:s10] =	ssyncset.done $0x0  }
0x2e1: {  	s18 =	simm.s32 $0x4;
	s31 =	rddreg [dreg:$0xa];
	[sflag:s10] =	ssyncadd.s32 $0xFFFF9000  }
0x2e2: {  	[hbm4b:s31+s2] =	stream.linear.scatter [tilespmem:s2], [sflag:$0x4], $0x8000, $0x38;
	[tilespmem:$0x18000] =	vst v63  }
0x2e3: {  	_ =	swait.ge [sflag:s18], $0x8000  }
0x2e4: {  	s30 =	sld [smem:$0x7E0]  }
0x2e5: {  	[sflag:s18] =	ssyncset.done $0x0  }
0x2e6: {  	s31 =	sld [smem:$0x7A7];
	[sflag:s18] =	ssyncadd.s32 $0xFFFF8000  }
0x2e7: {  	[tilespmem:s2], [sflag:$0x1] =	stream.linear.gather [hbm4b:s30+s2], $0x400, $0x38;
	[tilespmem:$0x18000] =	vst v63  }
0x2e8: {  	s30 =	sld [smem:$0x7A8]  }
0x2e9: {  	[tilespmem:s0], [sflag:$0x1] =	stream.linear.gather [hbm4b:s31+s2], $0x400, $0x38;
	[tilespmem:$0x18000] =	vst v63  }
0x2ea: {  	s5 =	simm.s32 $0x4000;
	s31 =	sld [smem:$0x7A9]  }
0x2eb: {  	[tilespmem:s5], [sflag:$0x1] =	stream.linear.gather [hbm4b:s30+s2], $0x400, $0x38;
	[tilespmem:$0x18000] =	vst v63  }
0x2ec: {  	s3 =	simm.s32 $0x6000;
	s5 =	sld [smem:$0x7F5]  }
0x2ed: {  	[tilespmem:s3], [sflag:$0x1] =	stream.linear.gather [hbm4b:s31+s2], $0x400, $0x38;
	[tilespmem:$0x18000] =	vst v63  }
0x2ee: {  	s14 =	simm.s32 $0x400;
	s30 =	sld [smem:$0x7AA]  }
0x2ef: {  	[tilespmem:s14], [sflag:$0x1] =	stream.linear.gather [hbm4b:s5+s2], $0x1C00, $0x38;
	[tilespmem:$0x18000] =	vst v63  }
0x2f0: {  	s1 =	simm.s32 $0x2400  }
0x2f1: {  	[tilespmem:s1], [sflag:$0x1] =	stream.linear.gather [hbm4b:s30+s2], $0x1C00, $0x38;
	[tilespmem:$0x18000] =	vst v63  }
0x2f2: {  	s1 =	sld [smem:$0x7AB];
	_ =	sdelay $0x1  }
0x2f3: {  	s4 =	simm.s32 $0x4400;
	s5 =	sld [smem:$0x7AC]  }
0x2f4: {  	[tilespmem:s4], [sflag:$0x1] =	stream.linear.gather [hbm4b:s1+s2], $0x1C00, $0x38;
	[tilespmem:$0x18000] =	vst v63  }
0x2f5: {  	s12 =	simm.s32 $0x6400  }
0x2f6: {  	[tilespmem:s12], [sflag:$0x1] =	stream.linear.gather [hbm4b:s5+s2], $0x1C00, $0x38;
	[tilespmem:$0x18000] =	vst v63  }
0x2f7: {  	_ =	swait.ge [sflag:s21], $0x1000  }
0x2f8: {  	[sflag:s21] =	ssyncset.done $0x0  }
0x2f9: {  	[sflag:s21] =	ssyncadd.s32 $0xFFFFF000  }
0x2fa: {  	_ =	swait.ge [sflag:s21], $0x7000  }
0x2fb: {  	[sflag:s21] =	ssyncset.done $0x0  }
0x2fc: {  	s12 =	rddreg [dreg:$0xb];
	[sflag:s21] =	ssyncadd.s32 $0xFFFF9000  }
0x2fd: {  	[hbm4b:s12+s2] =	stream.linear.scatter [tilespmem:s9], [sflag:$0x5], $0x8000, $0x38;
	[tilespmem:$0x18000] =	vst v63  }
0x2fe: {  	_ =	swait.ge [sflag:s7], $0x8000  }
0x2ff: {  	s14 =	sld [smem:$0x7E1]  }
0x300: {  	[sflag:s7] =	ssyncset.done $0x0  }
0x301: {  	s1 =	sld [smem:$0x7AD];
	[sflag:s7] =	ssyncadd.s32 $0xFFFF8000  }
0x302: {  	[tilespmem:s9], [sflag:$0x2] =	stream.linear.gather [hbm4b:s14+s2], $0x400, $0x38;
	[tilespmem:$0x18000] =	vst v63  }
0x303: {  	s23 =	simm.s32 $0xA000;
	s5 =	sld [smem:$0x7AE]  }
0x304: {  	[tilespmem:s23], [sflag:$0x2] =	stream.linear.gather [hbm4b:s1+s2], $0x400, $0x38;
	[tilespmem:$0x18000] =	vst v63  }
0x305: {  	s17 =	simm.s32 $0xC000;
	s12 =	sld [smem:$0x7AF]  }
0x306: {  	[tilespmem:s17], [sflag:$0x2] =	stream.linear.gather [hbm4b:s5+s2], $0x400, $0x38;
	[tilespmem:$0x18000] =	vst v63  }
0x307: {  	s15 =	simm.s32 $0xE000  }
0x308: {  	[tilespmem:s15], [sflag:$0x2] =	stream.linear.gather [hbm4b:s12+s2], $0x400, $0x38;
	[tilespmem:$0x18000] =	vst v63  }
0x309: {  	s15 =	sld [smem:$0x7F6];
	_ =	sdelay $0x1  }
0x30a: {  	s13 =	simm.s32 $0x8400;
	s17 =	sld [smem:$0x7B0]  }
0x30b: {  	[tilespmem:s13], [sflag:$0x2] =	stream.linear.gather [hbm4b:s15+s2], $0x1C00, $0x38;
	[tilespmem:$0x18000] =	vst v63  }
0x30c: {  	s23 =	simm.s32 $0xA400;
	s12 =	sld [smem:$0x7B1]  }
0x30d: {  	[tilespmem:s23], [sflag:$0x2] =	stream.linear.gather [hbm4b:s17+s2], $0x1C00, $0x38;
	[tilespmem:$0x18000] =	vst v63  }
0x30e: {  	s13 =	simm.s32 $0xC400;
	s17 =	sld [smem:$0x7B2]  }
0x30f: {  	[tilespmem:s13], [sflag:$0x2] =	stream.linear.gather [hbm4b:s12+s2], $0x1C00, $0x38;
	[tilespmem:$0x18000] =	vst v63  }
0x310: {  	s23 =	simm.s32 $0xE400  }
0x311: {  	[tilespmem:s23], [sflag:$0x2] =	stream.linear.gather [hbm4b:s17+s2], $0x1C00, $0x38;
	[tilespmem:$0x18000] =	vst v63  }
0x312: {  	_ =	swait.ge [sflag:s19], $0x1000  }
0x313: {  	[sflag:s19] =	ssyncset.done $0x0  }
0x314: {  	[sflag:s19] =	ssyncadd.s32 $0xFFFFF000  }
0x315: {  	_ =	swait.ge [sflag:s19], $0x7000  }
0x316: {  	[sflag:s19] =	ssyncset.done $0x0  }
0x317: {  	s12 =	rddreg [dreg:$0xc];
	[sflag:s19] =	ssyncadd.s32 $0xFFFF9000  }
0x318: {  	[hbm4b:s12+s2] =	stream.linear.scatter [tilespmem:s8], [sflag:$0x6], $0x8000, $0x38;
	[tilespmem:$0x18000] =	vst v63  }
0x319: {  	_ =	swait.ge [sflag:s6], $0x8000  }
0x31a: {  	s13 =	sld [smem:$0x7E2]  }
0x31b: {  	[sflag:s6] =	ssyncset.done $0x0  }
0x31c: {  	s17 =	sld [smem:$0x7B3];
	[sflag:s6] =	ssyncadd.s32 $0xFFFF8000  }
0x31d: {  	[tilespmem:s8], [sflag:$0x3] =	stream.linear.gather [hbm4b:s13+s2], $0x400, $0x38;
	[tilespmem:$0x18000] =	vst v63  }
0x31e: {  	s25 =	simm.s32 $0x12000;
	s23 =	sld [smem:$0x7B4]  }
0x31f: {  	[tilespmem:s25], [sflag:$0x3] =	stream.linear.gather [hbm4b:s17+s2], $0x400, $0x38;
	[tilespmem:$0x18000] =	vst v63  }
0x320: {  	s20 =	simm.s32 $0x14000;
	s25 =	sld [smem:$0x7B5]  }
0x321: {  	[tilespmem:s20], [sflag:$0x3] =	stream.linear.gather [hbm4b:s23+s2], $0x400, $0x38;
	[tilespmem:$0x18000] =	vst v63  }
0x322: {  	s26 =	simm.s32 $0x16000  }
0x323: {  	[tilespmem:s26], [sflag:$0x3] =	stream.linear.gather [hbm4b:s25+s2], $0x400, $0x38;
	[tilespmem:$0x18000] =	vst v63  }
0x324: {  	s26 =	sld [smem:$0x7F7];
	_ =	sdelay $0x1  }
0x325: {  	s28 =	simm.s32 $0x10400  }
0x326: {  	[tilespmem:s28], [sflag:$0x3] =	stream.linear.gather [hbm4b:s26+s2], $0x1C00, $0x38;
	[tilespmem:$0x18000] =	vst v63  }
0x327: {  	s28 =	sld [smem:$0x7B6];
	_ =	sdelay $0x1  }
0x328: {  	s29 =	simm.s32 $0x12400;
	s12 =	sld [smem:$0x7B7]  }
0x329: {  	[tilespmem:s29], [sflag:$0x3] =	stream.linear.gather [hbm4b:s28+s2], $0x1C00, $0x38;
	[tilespmem:$0x18000] =	vst v63  }
0x32a: {  	s22 =	simm.s32 $0x14400;
	s13 =	sld [smem:$0x7B8]  }
0x32b: {  	[tilespmem:s22], [sflag:$0x3] =	stream.linear.gather [hbm4b:s12+s2], $0x1C00, $0x38;
	[tilespmem:$0x18000] =	vst v63  }
0x32c: {  	s11 =	simm.s32 $0x16400  }
0x32d: {  	[tilespmem:s11], [sflag:$0x3] =	stream.linear.gather [hbm4b:s13+s2], $0x1C00, $0x38;
	[tilespmem:$0x18000] =	vst v63  }
0x32e: {  	_ =	swait.ge [sflag:s10], $0x1000  }
0x32f: {  	[sflag:s10] =	ssyncset.done $0x0  }
0x330: {  	[sflag:s10] =	ssyncadd.s32 $0xFFFFF000  }
0x331: {  	_ =	swait.ge [sflag:s10], $0x7000  }
0x332: {  	[sflag:s10] =	ssyncset.done $0x0  }
0x333: {  	s22 =	rddreg [dreg:$0xd];
	[sflag:s10] =	ssyncadd.s32 $0xFFFF9000  }
0x334: {  	[hbm4b:s22+s2] =	stream.linear.scatter [tilespmem:s2], [sflag:$0x4], $0x8000, $0x38;
	[tilespmem:$0x18000] =	vst v63  }
0x335: {  	_ =	swait.ge [sflag:s18], $0x8000  }
0x336: {  	s29 =	sld [smem:$0x7E3]  }
0x337: {  	[sflag:s18] =	ssyncset.done $0x0  }
0x338: {  	s11 =	sld [smem:$0x7B9];
	[sflag:s18] =	ssyncadd.s32 $0xFFFF8000  }
0x339: {  	[tilespmem:s2], [sflag:$0x1] =	stream.linear.gather [hbm4b:s29+s2], $0x400, $0x38;
	[tilespmem:$0x18000] =	vst v63  }
0x33a: {  	s13 =	sld [smem:$0x7BA]  }
0x33b: {  	[tilespmem:s0], [sflag:$0x1] =	stream.linear.gather [hbm4b:s11+s2], $0x400, $0x38;
	[tilespmem:$0x18000] =	vst v63  }
0x33c: {  	s22 =	simm.s32 $0x4000;
	s29 =	sld [smem:$0x7BB]  }
0x33d: {  	[tilespmem:s22], [sflag:$0x1] =	stream.linear.gather [hbm4b:s13+s2], $0x400, $0x38;
	[tilespmem:$0x18000] =	vst v63  }
0x33e: {  	s31 =	simm.s32 $0x6000;
	s13 =	sld [smem:$0x7F8]  }
0x33f: {  	[tilespmem:s31], [sflag:$0x1] =	stream.linear.gather [hbm4b:s29+s2], $0x400, $0x38;
	[tilespmem:$0x18000] =	vst v63  }
0x340: {  	s3 =	simm.s32 $0x400;
	s22 =	sld [smem:$0x7BC]  }
0x341: {  	[tilespmem:s3], [sflag:$0x1] =	stream.linear.gather [hbm4b:s13+s2], $0x1C00, $0x38;
	[tilespmem:$0x18000] =	vst v63  }
0x342: {  	s30 =	simm.s32 $0x2400;
	s3 =	sld [smem:$0x7BD]  }
0x343: {  	[tilespmem:s30], [sflag:$0x1] =	stream.linear.gather [hbm4b:s22+s2], $0x1C00, $0x38;
	[tilespmem:$0x18000] =	vst v63  }
0x344: {  	s4 =	simm.s32 $0x4400  }
0x345: {  	[tilespmem:s4], [sflag:$0x1] =	stream.linear.gather [hbm4b:s3+s2], $0x1C00, $0x38;
	[tilespmem:$0x18000] =	vst v63  }
0x346: {  	s4 =	sld [smem:$0x7BE];
	_ =	sdelay $0x1  }
0x347: {  	s30 =	simm.s32 $0x6400  }
0x348: {  	[tilespmem:s30], [sflag:$0x1] =	stream.linear.gather [hbm4b:s4+s2], $0x1C00, $0x38;
	[tilespmem:$0x18000] =	vst v63  }
0x349: {  	_ =	swait.ge [sflag:s21], $0x1000  }
0x34a: {  	[sflag:s21] =	ssyncset.done $0x0  }
0x34b: {  	[sflag:s21] =	ssyncadd.s32 $0xFFFFF000  }
0x34c: {  	_ =	swait.ge [sflag:s21], $0x7000  }
0x34d: {  	[sflag:s21] =	ssyncset.done $0x0  }
0x34e: {  	s4 =	rddreg [dreg:$0xe];
	[sflag:s21] =	ssyncadd.s32 $0xFFFF9000  }
0x34f: {  	[hbm4b:s4+s2] =	stream.linear.scatter [tilespmem:s9], [sflag:$0x5], $0x8000, $0x38;
	[tilespmem:$0x18000] =	vst v63  }
0x350: {  	_ =	swait.ge [sflag:s7], $0x8000  }
0x351: {  	[sflag:s7] =	ssyncset.done $0x0  }
0x352: {  	[sflag:s7] =	ssyncadd.s32 $0xFFFF8000;
	s7 =	sld [smem:$0x7E4];
	_ =	sdelay $0x1  }
0x353: {  	s24 =	sld [smem:$0x7BF]  }
0x354: {  	[tilespmem:s9], [sflag:$0x2] =	stream.linear.gather [hbm4b:s7+s2], $0x400, $0x38;
	[tilespmem:$0x18000] =	vst v63  }
0x355: {  	s14 =	simm.s32 $0xA000;
	s3 =	sld [smem:$0x7C0]  }
0x356: {  	[tilespmem:s14], [sflag:$0x2] =	stream.linear.gather [hbm4b:s24+s2], $0x400, $0x38;
	[tilespmem:$0x18000] =	vst v63  }
0x357: {  	s1 =	simm.s32 $0xC000;
	s4 =	sld [smem:$0x7C1]  }
0x358: {  	[tilespmem:s1], [sflag:$0x2] =	stream.linear.gather [hbm4b:s3+s2], $0x400, $0x38;
	[tilespmem:$0x18000] =	vst v63  }
0x359: {  	s5 =	simm.s32 $0xE000;
	s7 =	sld [smem:$0x7F9]  }
0x35a: {  	[tilespmem:s5], [sflag:$0x2] =	stream.linear.gather [hbm4b:s4+s2], $0x400, $0x38;
	[tilespmem:$0x18000] =	vst v63  }
0x35b: {  	s14 =	simm.s32 $0x8400;
	s24 =	sld [smem:$0x7C2]  }
0x35c: {  	[tilespmem:s14], [sflag:$0x2] =	stream.linear.gather [hbm4b:s7+s2], $0x1C00, $0x38;
	[tilespmem:$0x18000] =	vst v63  }
0x35d: {  	s15 =	simm.s32 $0xA400;
	s1 =	sld [smem:$0x7C3]  }
0x35e: {  	[tilespmem:s15], [sflag:$0x2] =	stream.linear.gather [hbm4b:s24+s2], $0x1C00, $0x38;
	[tilespmem:$0x18000] =	vst v63  }
0x35f: {  	s3 =	simm.s32 $0xC400;
	s4 =	sld [smem:$0x7C4]  }
0x360: {  	[tilespmem:s3], [sflag:$0x2] =	stream.linear.gather [hbm4b:s1+s2], $0x1C00, $0x38;
	[tilespmem:$0x18000] =	vst v63  }
0x361: {  	s5 =	simm.s32 $0xE400  }
0x362: {  	[tilespmem:s5], [sflag:$0x2] =	stream.linear.gather [hbm4b:s4+s2], $0x1C00, $0x38;
	[tilespmem:$0x18000] =	vst v63  }
0x363: {  	_ =	swait.ge [sflag:s19], $0x1000  }
0x364: {  	[sflag:s19] =	ssyncset.done $0x0  }
0x365: {  	[sflag:s19] =	ssyncadd.s32 $0xFFFFF000  }
0x366: {  	_ =	swait.ge [sflag:s19], $0x7000  }
0x367: {  	[sflag:s19] =	ssyncset.done $0x0  }
0x368: {  	s7 =	rddreg [dreg:$0xf];
	[sflag:s19] =	ssyncadd.s32 $0xFFFF9000  }
0x369: {  	[hbm4b:s7+s2] =	stream.linear.scatter [tilespmem:s8], [sflag:$0x6], $0x8000, $0x38;
	[tilespmem:$0x18000] =	vst v63  }
0x36a: {  	_ =	swait.ge [sflag:s6], $0x8000  }
0x36b: {  	s14 =	sld [smem:$0x7E5]  }
0x36c: {  	[sflag:s6] =	ssyncset.done $0x0  }
0x36d: {  	s15 =	sld [smem:$0x7C5];
	[sflag:s6] =	ssyncadd.s32 $0xFFFF8000  }
0x36e: {  	[tilespmem:s8], [sflag:$0x3] =	stream.linear.gather [hbm4b:s14+s2], $0x400, $0x38;
	[tilespmem:$0x18000] =	vst v63  }
0x36f: {  	s17 =	simm.s32 $0x12000  }
0x370: {  	[tilespmem:s17], [sflag:$0x3] =	stream.linear.gather [hbm4b:s15+s2], $0x400, $0x38;
	[tilespmem:$0x18000] =	vst v63  }
0x371: {  	s17 =	sld [smem:$0x7C6];
	_ =	sdelay $0x1  }
0x372: {  	s23 =	simm.s32 $0x14000;
	s24 =	sld [smem:$0x7C7]  }
0x373: {  	[tilespmem:s23], [sflag:$0x3] =	stream.linear.gather [hbm4b:s17+s2], $0x400, $0x38;
	[tilespmem:$0x18000] =	vst v63  }
0x374: {  	s20 =	simm.s32 $0x16000;
	s1 =	sld [smem:$0x7D4]  }
0x375: {  	[tilespmem:s20], [sflag:$0x3] =	stream.linear.gather [hbm4b:s24+s2], $0x400, $0x38;
	[tilespmem:$0x18000] =	vst v63  }
0x376: {  	s25 =	simm.s32 $0x10400;
	s3 =	sld [smem:$0x7C8]  }
0x377: {  	[tilespmem:s25], [sflag:$0x3] =	stream.linear.gather [hbm4b:s1+s2], $0x1C00, $0x38;
	[tilespmem:$0x18000] =	vst v63  }
0x378: {  	s26 =	simm.s32 $0x12400;
	s4 =	sld [smem:$0x7C9]  }
0x379: {  	[tilespmem:s26], [sflag:$0x3] =	stream.linear.gather [hbm4b:s3+s2], $0x1C00, $0x38;
	[tilespmem:$0x18000] =	vst v63  }
0x37a: {  	s28 =	simm.s32 $0x14400;
	s7 =	sld [smem:$0x7CA]  }
0x37b: {  	[tilespmem:s28], [sflag:$0x3] =	stream.linear.gather [hbm4b:s4+s2], $0x1C00, $0x38;
	[tilespmem:$0x18000] =	vst v63  }
0x37c: {  	s12 =	simm.s32 $0x16400  }
0x37d: {  	[tilespmem:s12], [sflag:$0x3] =	stream.linear.gather [hbm4b:s7+s2], $0x1C00, $0x38;
	[tilespmem:$0x18000] =	vst v63  }
0x37e: {  	_ =	swait.ge [sflag:s10], $0x1000  }
0x37f: {  	[sflag:s10] =	ssyncset.done $0x0  }
0x380: {  	[sflag:s10] =	ssyncadd.s32 $0xFFFFF000  }
0x381: {  	_ =	swait.ge [sflag:s10], $0x7000  }
0x382: {  	[sflag:s10] =	ssyncset.done $0x0  }
0x383: {  	s12 =	rddreg [dreg:$0x10];
	[sflag:s10] =	ssyncadd.s32 $0xFFFF9000  }
0x384: {  	[hbm4b:s12+s2] =	stream.linear.scatter [tilespmem:s2], [sflag:$0x4], $0x8000, $0x38;
	[tilespmem:$0x18000] =	vst v63  }
0x385: {  	_ =	swait.ge [sflag:s18], $0x8000  }
0x386: {  	s14 =	sld [smem:$0x7D3]  }
0x387: {  	[sflag:s18] =	ssyncset.done $0x0  }
0x388: {  	s15 =	sld [smem:$0x7CB];
	[sflag:s18] =	ssyncadd.s32 $0xFFFF8000  }
0x389: {  	[tilespmem:s2], [sflag:$0x1] =	stream.linear.gather [hbm4b:s14+s2], $0x400, $0x38;
	[tilespmem:$0x18000] =	vst v63  }
0x38a: {  	s0 =	simm.s32 $0x2000;
	s17 =	sld [smem:$0x7CC]  }
0x38b: {  	[tilespmem:s0], [sflag:$0x1] =	stream.linear.gather [hbm4b:s15+s2], $0x400, $0x38;
	[tilespmem:$0x18000] =	vst v63  }
0x38c: {  	s11 =	simm.s32 $0x4000;
	s23 =	sld [smem:$0x7CD]  }
0x38d: {  	[tilespmem:s11], [sflag:$0x1] =	stream.linear.gather [hbm4b:s17+s2], $0x400, $0x38;
	[tilespmem:$0x18000] =	vst v63  }
0x38e: {  	s29 =	simm.s32 $0x6000;
	s3 =	sld [smem:$0x7D2]  }
0x38f: {  	[tilespmem:s29], [sflag:$0x1] =	stream.linear.gather [hbm4b:s23+s2], $0x400, $0x38;
	[tilespmem:$0x18000] =	vst v63  }
0x390: {  	s31 =	simm.s32 $0x400;
	s24 =	sld [smem:$0x7CE]  }
0x391: {  	[tilespmem:s31], [sflag:$0x1] =	stream.linear.gather [hbm4b:s3+s2], $0x1C00, $0x38;
	[tilespmem:$0x18000] =	vst v63  }
0x392: {  	s22 =	simm.s32 $0x2400;
	s25 =	sld [smem:$0x7CF]  }
0x393: {  	[tilespmem:s22], [sflag:$0x1] =	stream.linear.gather [hbm4b:s24+s2], $0x1C00, $0x38;
	[tilespmem:$0x18000] =	vst v63  }
0x394: {  	s13 =	simm.s32 $0x4400;
	s28 =	sld [smem:$0x7D0]  }
0x395: {  	[tilespmem:s13], [sflag:$0x1] =	stream.linear.gather [hbm4b:s25+s2], $0x1C00, $0x38;
	[tilespmem:$0x18000] =	vst v63  }
0x396: {  	s30 =	simm.s32 $0x6400  }
0x397: {  	[tilespmem:s30], [sflag:$0x1] =	stream.linear.gather [hbm4b:s28+s2], $0x1C00, $0x38;
	[tilespmem:$0x18000] =	vst v63  }
0x398: {  	_ =	swait.ge [sflag:s21], $0x1000  }
0x399: {  	[sflag:s21] =	ssyncset.done $0x0  }
0x39a: {  	[sflag:s21] =	ssyncadd.s32 $0xFFFFF000  }
0x39b: {  	_ =	swait.ge [sflag:s21], $0x7000  }
0x39c: {  	[sflag:s21] =	ssyncset.done $0x0  }
0x39d: {  	s9 =	simm.s32 $0x8000;
	s29 =	rddreg [dreg:$0x11];
	[sflag:s21] =	ssyncadd.s32 $0xFFFF9000  }
0x39e: {  	[hbm4b:s29+s2] =	stream.linear.scatter [tilespmem:s9], [sflag:$0x5], $0x8000, $0x38;
	[tilespmem:$0x18000] =	vst v63  }
0x39f: {  	_ =	swait.ge [sflag:s19], $0x1000  }
0x3a0: {  	[sflag:s19] =	ssyncset.done $0x0  }
0x3a1: {  	[sflag:s19] =	ssyncadd.s32 $0xFFFFF000  }
0x3a2: {  	_ =	swait.ge [sflag:s19], $0x7000  }
0x3a3: {  	[sflag:s19] =	ssyncset.done $0x0  }
0x3a4: {  	s30 =	rddreg [dreg:$0x12];
	[sflag:s19] =	ssyncadd.s32 $0xFFFF9000  }
0x3a5: {  	[hbm4b:s30+s2] =	stream.linear.scatter [tilespmem:s8], [sflag:$0x6], $0x8000, $0x38;
	[tilespmem:$0x18000] =	vst v63  }
0x3a6: {  	_ =	swait.ge [sflag:s10], $0x1000  }
0x3a7: {  	[sflag:s10] =	ssyncset.done $0x0  }
0x3a8: {  	[sflag:s10] =	ssyncadd.s32 $0xFFFFF000  }
0x3a9: {  	_ =	swait.ge [sflag:s10], $0x7000  }
0x3aa: {  	[sflag:s10] =	ssyncset.done $0x0  }
0x3ab: {  	s31 =	rddreg [dreg:$0x13];
	[sflag:s10] =	ssyncadd.s32 $0xFFFF9000  }
0x3ac: {  	[hbm4b:s31+s2] =	stream.linear.scatter [tilespmem:s2], [sflag:$0x4], $0x8000, $0x38;
	[tilespmem:$0x18000] =	vst v63  }
0x3ad: {  	_ =	swait.ge [sflag:s18], $0x8000  }
0x3ae: {  	[sflag:s18] =	ssyncset.done $0x0  }
0x3af: {  	p1 =	sne.s32 s16, $0x1;
	s6 =	simm.s32 $0x5;
	[sflag:s18] =	ssyncadd.s32 $0xFFFF8000  }
.Ltmp2:
0x3b0: {  	_ =	swait.ge [sflag:s6], $0x8000;
	(pc) =	sbr.rel @p1 .LBB2_3-.Ltmp2, $4  }
0x3b1: {  	[sflag:s6] =	ssyncset.done $0x0  }
0x3b2: {  	s5 =	simm.s32 $0x6;
	[sflag:s6] =	ssyncadd.s32 $0xFFFF8000  }
0x3b3: {  	s16 =	sadd.s32 $0xFFFFFFFF, s16;
	_ =	swait.ge [sflag:s5], $0x8000  }
0x3b4: {  	s20 =	smov.u32 s1;
	s26 =	smov.u32 s14;
	[sflag:s5] =	ssyncset.done $0x0  }
0x3b5: {  	s29 =	smov.u32 s3  }
0x3b6: {  	s4 =	simm.s32 $0x12400;
	s11 =	simm.s32 $0x16000;
	s3 =	simm.s32 $0x10400  }
0x3b7: {  	s1 =	simm.s32 $0x14000;
	s15 =	simm.s32 $0x12000;
	s8 =	simm.s32 $0x8000  }
0x3b8: {  	s12 =	simm.s32 $0xE400;
	s13 =	simm.s32 $0x6400;
	s14 =	simm.s32 $0x4400  }
0x3b9: {  	s17 =	simm.s32 $0x2400;
	s16 =	simm.s32 $0x6000;
	s25 =	simm.s32 $0x400  }
0x3ba: {  	s7 =	simm.s32 $0x4000;
	s23 =	simm.s32 $0x2000;
	s9 =	simm.s32 $0x10000  }
.LBB2_5:
0x3bb: {  	s24 =	sld [smem:$0x7D5];
	_ =	sdelay $0x1  }
0x3bc: {  	[sflag:s5] =	ssyncadd.s32 @p0 $0xFFFF8000;
	s0 =	rddreg [dreg:$0x14]  }
0x3bd: {  	[tilespmem:s2], [sflag:$0x1] =	stream.linear.gather [hbm4b:s24+s2], $0x400, $0x38;
	[tilespmem:$0x18000] =	vst v63  }
0x3be: {  	s28 =	rddreg [dreg:$0x15]  }
0x3bf: {  	[tilespmem:s23], [sflag:$0x1] =	stream.linear.gather [hbm4b:s0+s2], $0x400, $0x38;
	[tilespmem:$0x18000] =	vst v63  }
0x3c0: {  	s30 =	rddreg [dreg:$0x16]  }
0x3c1: {  	[tilespmem:s7], [sflag:$0x1] =	stream.linear.gather [hbm4b:s28+s2], $0x400, $0x38;
	[tilespmem:$0x18000] =	vst v63  }
0x3c2: {  	s7 =	sld [smem:$0x7D6]  }
0x3c3: {  	[tilespmem:s16], [sflag:$0x1] =	stream.linear.gather [hbm4b:s30+s2], $0x400, $0x38;
	[tilespmem:$0x18000] =	vst v63  }
0x3c4: {  	s31 =	rddreg [dreg:$0x17]  }
0x3c5: {  	[tilespmem:s25], [sflag:$0x1] =	stream.linear.gather [hbm4b:s7+s2], $0x1C00, $0x38;
	[tilespmem:$0x18000] =	vst v63  }
0x3c6: {  	s22 =	rddreg [dreg:$0x18]  }
0x3c7: {  	[tilespmem:s17], [sflag:$0x1] =	stream.linear.gather [hbm4b:s31+s2], $0x1C00, $0x38;
	[tilespmem:$0x18000] =	vst v63  }
0x3c8: {  	s23 =	rddreg [dreg:$0x19]  }
0x3c9: {  	[tilespmem:s14], [sflag:$0x1] =	stream.linear.gather [hbm4b:s22+s2], $0x1C00, $0x38;
	[tilespmem:$0x18000] =	vst v63  }
0x3ca: {  	s25 =	sld [smem:$0x7D7]  }
0x3cb: {  	[tilespmem:s13], [sflag:$0x1] =	stream.linear.gather [hbm4b:s23+s2], $0x1C00, $0x38;
	[tilespmem:$0x18000] =	vst v63  }
0x3cc: {  	s24 =	rddreg [dreg:$0x1a]  }
0x3cd: {  	[tilespmem:s8], [sflag:$0x2] =	stream.linear.gather [hbm4b:s25+s2], $0x400, $0x38;
	[tilespmem:$0x18000] =	vst v63  }
0x3ce: {  	s28 =	rddreg [dreg:$0x1b];
	s30 =	simm.s32 $0xA000  }
0x3cf: {  	[tilespmem:s30], [sflag:$0x2] =	stream.linear.gather [hbm4b:s24+s2], $0x400, $0x38;
	[tilespmem:$0x18000] =	vst v63  }
0x3d0: {  	s31 =	rddreg [dreg:$0x1c];
	s13 =	simm.s32 $0xC000  }
0x3d1: {  	[tilespmem:s13], [sflag:$0x2] =	stream.linear.gather [hbm4b:s28+s2], $0x400, $0x38;
	[tilespmem:$0x18000] =	vst v63  }
0x3d2: {  	s14 =	simm.s32 $0xE000;
	s24 =	sld [smem:$0x7D8]  }
0x3d3: {  	[tilespmem:s14], [sflag:$0x2] =	stream.linear.gather [hbm4b:s31+s2], $0x400, $0x38;
	[tilespmem:$0x18000] =	vst v63  }
0x3d4: {  	s22 =	rddreg [dreg:$0x1d];
	s23 =	simm.s32 $0x8400  }
0x3d5: {  	[tilespmem:s23], [sflag:$0x2] =	stream.linear.gather [hbm4b:s24+s2], $0x1C00, $0x38;
	[tilespmem:$0x18000] =	vst v63  }
0x3d6: {  	s25 =	rddreg [dreg:$0x1e];
	s28 =	simm.s32 $0xA400  }
0x3d7: {  	[tilespmem:s28], [sflag:$0x2] =	stream.linear.gather [hbm4b:s22+s2], $0x1C00, $0x38;
	[tilespmem:$0x18000] =	vst v63  }
0x3d8: {  	s30 =	rddreg [dreg:$0x1f];
	s31 =	simm.s32 $0xC400  }
0x3d9: {  	[tilespmem:s31], [sflag:$0x2] =	stream.linear.gather [hbm4b:s25+s2], $0x1C00, $0x38;
	[tilespmem:$0x18000] =	vst v63  }
0x3da: {  	s14 =	sld [smem:$0x7E7]  }
0x3db: {  	[tilespmem:s12], [sflag:$0x2] =	stream.linear.gather [hbm4b:s30+s2], $0x1C00, $0x38;
	[tilespmem:$0x18000] =	vst v63  }
0x3dc: {  	s13 =	sld [smem:$0x7D9]  }
0x3dd: {  	[tilespmem:s9], [sflag:$0x3] =	stream.linear.gather [hbm4b:s14+s2], $0x400, $0x38;
	[tilespmem:$0x18000] =	vst v63  }
0x3de: {  	s22 =	sld [smem:$0x7E6]  }
0x3df: {  	[tilespmem:s15], [sflag:$0x3] =	stream.linear.gather [hbm4b:s13+s2], $0x400, $0x38;
	[tilespmem:$0x18000] =	vst v63  }
0x3e0: {  	s23 =	sld [smem:$0x7E8]  }
0x3e1: {  	[tilespmem:s1], [sflag:$0x3] =	stream.linear.gather [hbm4b:s22+s2], $0x400, $0x38;
	[tilespmem:$0x18000] =	vst v63  }
0x3e2: {  	s25 =	sld [smem:$0x7FC]  }
0x3e3: {  	[tilespmem:s11], [sflag:$0x3] =	stream.linear.gather [hbm4b:s23+s2], $0x400, $0x38;
	[tilespmem:$0x18000] =	vst v63  }
0x3e4: {  	s24 =	sld [smem:$0x7FA]  }
0x3e5: {  	[tilespmem:s3], [sflag:$0x3] =	stream.linear.gather [hbm4b:s25+s2], $0x1C00, $0x38;
	[tilespmem:$0x18000] =	vst v63  }
0x3e6: {  	s28 =	sld [smem:$0x7FB]  }
0x3e7: {  	[tilespmem:s4], [sflag:$0x3] =	stream.linear.gather [hbm4b:s24+s2], $0x1C00, $0x38;
	[tilespmem:$0x18000] =	vst v63  }
0x3e8: {  	s30 =	simm.s32 $0x14400;
	s1 =	sld [smem:$0x7FD]  }
0x3e9: {  	[tilespmem:s30], [sflag:$0x3] =	stream.linear.gather [hbm4b:s28+s2], $0x1C00, $0x38;
	[tilespmem:$0x18000] =	vst v63  }
0x3ea: {  	s22 =	simm.s32 $0x16400  }
0x3eb: {  	[tilespmem:s22], [sflag:$0x3] =	stream.linear.gather [hbm4b:s1+s2], $0x1C00, $0x38;
	[tilespmem:$0x18000] =	vst v63  }
0x3ec: {  	_ =	swait.ge [sflag:s10], $0x1000  }
0x3ed: {  	[sflag:s10] =	ssyncset.done $0x0  }
0x3ee: {  	[sflag:s10] =	ssyncadd.s32 $0xFFFFF000  }
0x3ef: {  	_ =	swait.ge [sflag:s10], $0x7000  }
0x3f0: {  	[sflag:s10] =	ssyncset.done $0x0  }
0x3f1: {  	s25 =	rddreg [dreg:$0x4];
	[sflag:s10] =	ssyncadd.s32 $0xFFFF9000  }
0x3f2: {  	[hbm4b:s25+s2] =	stream.linear.scatter [tilespmem:s2], [sflag:$0x4], $0x8000, $0x38;
	[tilespmem:$0x18000] =	vst v63  }
0x3f3: {  	_ =	swait.ge [sflag:s18], $0x8000  }
0x3f4: {  	s28 =	sld [smem:$0x7DA]  }
0x3f5: {  	[sflag:s18] =	ssyncset.done $0x0  }
0x3f6: {  	[sflag:s18] =	ssyncadd.s32 $0xFFFF8000  }
0x3f7: {  	[tilespmem:s2], [sflag:$0x1] =	stream.linear.gather [hbm4b:s28+s2], $0x400, $0x38;
	[tilespmem:$0x18000] =	vst v63  }
0x3f8: {  	s23 =	simm.s32 $0x2000;
	s30 =	sadd.s32 $0x80, s28  }
0x3f9: {  	[tilespmem:s23], [sflag:$0x1] =	stream.linear.gather [hbm4b:s30+s2], $0x400, $0x38;
	[tilespmem:$0x18000] =	vst v63  }
0x3fa: {  	s3 =	simm.s32 $0x4000;
	s1 =	sadd.s32 $0x100, s28  }
0x3fb: {  	[tilespmem:s3], [sflag:$0x1] =	stream.linear.gather [hbm4b:s1+s2], $0x400, $0x38;
	[tilespmem:$0x18000] =	vst v63  }
0x3fc: {  	s4 =	simm.s32 $0x6000;
	s3 =	sadd.s32 $0x180, s28  }
0x3fd: {  	[tilespmem:s4], [sflag:$0x1] =	stream.linear.gather [hbm4b:s3+s2], $0x400, $0x38;
	[tilespmem:$0x18000] =	vst v63  }
0x3fe: {  	s4 =	sld [smem:$0x7EB];
	_ =	sdelay $0x1  }
0x3ff: {  	s7 =	simm.s32 $0x400  }
0x400: {  	[tilespmem:s7], [sflag:$0x1] =	stream.linear.gather [hbm4b:s4+s2], $0x1C00, $0x38;
	[tilespmem:$0x18000] =	vst v63  }
0x401: {  	s11 =	simm.s32 $0x2400;
	s22 =	sadd.s32 $0x400, s4  }
0x402: {  	[tilespmem:s11], [sflag:$0x1] =	stream.linear.gather [hbm4b:s22+s2], $0x1C00, $0x38;
	[tilespmem:$0x18000] =	vst v63  }
0x403: {  	s12 =	simm.s32 $0x4400;
	s23 =	sadd.s32 $0x800, s4  }
0x404: {  	[tilespmem:s12], [sflag:$0x1] =	stream.linear.gather [hbm4b:s23+s2], $0x1C00, $0x38;
	[tilespmem:$0x18000] =	vst v63  }
0x405: {  	s13 =	simm.s32 $0x6400;
	s30 =	sadd.s32 $0xC00, s4  }
0x406: {  	[tilespmem:s13], [sflag:$0x1] =	stream.linear.gather [hbm4b:s30+s2], $0x1C00, $0x38;
	[tilespmem:$0x18000] =	vst v63  }
0x407: {  	_ =	swait.ge [sflag:s21], $0x1000  }
0x408: {  	[sflag:s21] =	ssyncset.done $0x0  }
0x409: {  	[sflag:s21] =	ssyncadd.s32 $0xFFFFF000  }
0x40a: {  	_ =	swait.ge [sflag:s21], $0x7000  }
0x40b: {  	[sflag:s21] =	ssyncset.done $0x0  }
0x40c: {  	s1 =	rddreg [dreg:$0x5];
	[sflag:s21] =	ssyncadd.s32 $0xFFFF9000  }
0x40d: {  	[hbm4b:s1+s2] =	stream.linear.scatter [tilespmem:s8], [sflag:$0x5], $0x8000, $0x38;
	[tilespmem:$0x18000] =	vst v63  }
0x40e: {  	_ =	swait.ge [sflag:s6], $0x8000  }
0x40f: {  	s3 =	sld [smem:$0x7DB]  }
0x410: {  	[sflag:s6] =	ssyncset.done $0x0  }
0x411: {  	[sflag:s6] =	ssyncadd.s32 $0xFFFF8000  }
0x412: {  	[tilespmem:s8], [sflag:$0x2] =	stream.linear.gather [hbm4b:s3+s2], $0x400, $0x38;
	[tilespmem:$0x18000] =	vst v63  }
0x413: {  	s16 =	simm.s32 $0xA000;
	s4 =	sadd.s32 $0x80, s3  }
0x414: {  	[tilespmem:s16], [sflag:$0x2] =	stream.linear.gather [hbm4b:s4+s2], $0x400, $0x38;
	[tilespmem:$0x18000] =	vst v63  }
0x415: {  	s17 =	simm.s32 $0xC000;
	s7 =	sadd.s32 $0x100, s3  }
0x416: {  	[tilespmem:s17], [sflag:$0x2] =	stream.linear.gather [hbm4b:s7+s2], $0x400, $0x38;
	[tilespmem:$0x18000] =	vst v63  }
0x417: {  	s12 =	sld [smem:$0x7ED];
	s11 =	sadd.s32 $0x180, s3;
	s4 =	simm.s32 $0xE000  }
0x418: {  	[tilespmem:s4], [sflag:$0x2] =	stream.linear.gather [hbm4b:s11+s2], $0x400, $0x38;
	[tilespmem:$0x18000] =	vst v63  }
0x419: {  	s1 =	simm.s32 $0x8400  }
0x41a: {  	[tilespmem:s1], [sflag:$0x2] =	stream.linear.gather [hbm4b:s12+s2], $0x1C00, $0x38;
	[tilespmem:$0x18000] =	vst v63  }
0x41b: {  	s13 =	sadd.s32 $0x400, s12;
	s16 =	simm.s32 $0xA400  }
0x41c: {  	[tilespmem:s16], [sflag:$0x2] =	stream.linear.gather [hbm4b:s13+s2], $0x1C00, $0x38;
	[tilespmem:$0x18000] =	vst v63  }
0x41d: {  	s17 =	sadd.s32 $0x800, s12;
	s11 =	simm.s32 $0xC400  }
0x41e: {  	[tilespmem:s11], [sflag:$0x2] =	stream.linear.gather [hbm4b:s17+s2], $0x1C00, $0x38;
	[tilespmem:$0x18000] =	vst v63  }
0x41f: {  	s24 =	sadd.s32 $0xC00, s12;
	s17 =	simm.s32 $0xE400  }
0x420: {  	[tilespmem:s17], [sflag:$0x2] =	stream.linear.gather [hbm4b:s24+s2], $0x1C00, $0x38;
	[tilespmem:$0x18000] =	vst v63  }
0x421: {  	_ =	swait.ge [sflag:s19], $0x1000  }
0x422: {  	[sflag:s19] =	ssyncset.done $0x0  }
0x423: {  	[sflag:s19] =	ssyncadd.s32 $0xFFFFF000  }
0x424: {  	_ =	swait.ge [sflag:s19], $0x7000  }
0x425: {  	[sflag:s19] =	ssyncset.done $0x0  }
0x426: {  	s30 =	rddreg [dreg:$0x6];
	[sflag:s19] =	ssyncadd.s32 $0xFFFF9000  }
0x427: {  	[hbm4b:s30+s2] =	stream.linear.scatter [tilespmem:s9], [sflag:$0x6], $0x8000, $0x38;
	[tilespmem:$0x18000] =	vst v63  }
0x428: {  	_ =	swait.ge [sflag:s5], $0x8000  }
0x429: {  	s3 =	sld [smem:$0x7DC]  }
0x42a: {  	[sflag:s5] =	ssyncset.done $0x0  }
0x42b: {  	[sflag:s5] =	ssyncadd.s32 $0xFFFF8000  }
0x42c: {  	[tilespmem:s9], [sflag:$0x3] =	stream.linear.gather [hbm4b:s3+s2], $0x400, $0x38;
	[tilespmem:$0x18000] =	vst v63  }
0x42d: {  	s12 =	simm.s32 $0x12000;
	s7 =	sadd.s32 $0x80, s3  }
0x42e: {  	[tilespmem:s12], [sflag:$0x3] =	stream.linear.gather [hbm4b:s7+s2], $0x400, $0x38;
	[tilespmem:$0x18000] =	vst v63  }
0x42f: {  	s13 =	sadd.s32 $0x100, s3;
	s7 =	simm.s32 $0x14000  }
0x430: {  	[tilespmem:s7], [sflag:$0x3] =	stream.linear.gather [hbm4b:s13+s2], $0x400, $0x38;
	[tilespmem:$0x18000] =	vst v63  }
0x431: {  	s14 =	simm.s32 $0x16000;
	s30 =	sadd.s32 $0x180, s3;
	s3 =	sld [smem:$0x7EF]  }
0x432: {  	[tilespmem:s14], [sflag:$0x3] =	stream.linear.gather [hbm4b:s30+s2], $0x400, $0x38;
	[tilespmem:$0x18000] =	vst v63  }
0x433: {  	s31 =	simm.s32 $0x10400  }
0x434: {  	[tilespmem:s31], [sflag:$0x3] =	stream.linear.gather [hbm4b:s3+s2], $0x1C00, $0x38;
	[tilespmem:$0x18000] =	vst v63  }
0x435: {  	s15 =	simm.s32 $0x12400;
	s13 =	sadd.s32 $0x400, s3  }
0x436: {  	[tilespmem:s15], [sflag:$0x3] =	stream.linear.gather [hbm4b:s13+s2], $0x1C00, $0x38;
	[tilespmem:$0x18000] =	vst v63  }
0x437: {  	s14 =	sadd.s32 $0x800, s3;
	s15 =	simm.s32 $0x14400  }
0x438: {  	[tilespmem:s15], [sflag:$0x3] =	stream.linear.gather [hbm4b:s14+s2], $0x1C00, $0x38;
	[tilespmem:$0x18000] =	vst v63  }
0x439: {  	s24 =	sadd.s32 $0xC00, s3;
	s31 =	simm.s32 $0x16400  }
0x43a: {  	[tilespmem:s31], [sflag:$0x3] =	stream.linear.gather [hbm4b:s24+s2], $0x1C00, $0x38;
	[tilespmem:$0x18000] =	vst v63  }
0x43b: {  	_ =	swait.ge [sflag:s10], $0x1000  }
0x43c: {  	[sflag:s10] =	ssyncset.done $0x0  }
0x43d: {  	[sflag:s10] =	ssyncadd.s32 $0xFFFFF000  }
0x43e: {  	_ =	swait.ge [sflag:s10], $0x7000  }
0x43f: {  	[sflag:s10] =	ssyncset.done $0x0  }
0x440: {  	s3 =	rddreg [dreg:$0x7];
	[sflag:s10] =	ssyncadd.s32 $0xFFFF9000  }
0x441: {  	[hbm4b:s3+s2] =	stream.linear.scatter [tilespmem:s2], [sflag:$0x4], $0x8000, $0x38;
	[tilespmem:$0x18000] =	vst v63  }
0x442: {  	_ =	swait.ge [sflag:s18], $0x8000  }
0x443: {  	s24 =	sld [smem:$0x7DD]  }
0x444: {  	[sflag:s18] =	ssyncset.done $0x0  }
0x445: {  	[sflag:s18] =	ssyncadd.s32 $0xFFFF8000  }
0x446: {  	[tilespmem:s2], [sflag:$0x1] =	stream.linear.gather [hbm4b:s24+s2], $0x400, $0x38;
	[tilespmem:$0x18000] =	vst v63  }
0x447: {  	s14 =	simm.s32 $0x2000;
	s13 =	sadd.s32 $0x80, s24  }
0x448: {  	[tilespmem:s14], [sflag:$0x1] =	stream.linear.gather [hbm4b:s13+s2], $0x400, $0x38;
	[tilespmem:$0x18000] =	vst v63  }
0x449: {  	s3 =	sadd.s32 $0x100, s24;
	s13 =	simm.s32 $0x4000  }
0x44a: {  	[tilespmem:s13], [sflag:$0x1] =	stream.linear.gather [hbm4b:s3+s2], $0x400, $0x38;
	[tilespmem:$0x18000] =	vst v63  }
0x44b: {  	s24 =	sadd.s32 $0x180, s24;
	s3 =	simm.s32 $0x6000  }
0x44c: {  	[tilespmem:s3], [sflag:$0x1] =	stream.linear.gather [hbm4b:s24+s2], $0x400, $0x38;
	[tilespmem:$0x18000] =	vst v63  }
0x44d: {  	s24 =	sld [smem:$0x7F1];
	_ =	sdelay $0x1  }
0x44e: {  	s28 =	simm.s32 $0x400  }
0x44f: {  	[tilespmem:s28], [sflag:$0x1] =	stream.linear.gather [hbm4b:s24+s2], $0x1C00, $0x38;
	[tilespmem:$0x18000] =	vst v63  }
0x450: {  	s25 =	simm.s32 $0x2400;
	s0 =	sadd.s32 $0x400, s24  }
0x451: {  	[tilespmem:s25], [sflag:$0x1] =	stream.linear.gather [hbm4b:s0+s2], $0x1C00, $0x38;
	[tilespmem:$0x18000] =	vst v63  }
0x452: {  	s23 =	simm.s32 $0x4400;
	s0 =	sadd.s32 $0x800, s24  }
0x453: {  	[tilespmem:s23], [sflag:$0x1] =	stream.linear.gather [hbm4b:s0+s2], $0x1C00, $0x38;
	[tilespmem:$0x18000] =	vst v63  }
0x454: {  	s22 =	simm.s32 $0x6400;
	s24 =	sadd.s32 $0xC00, s24  }
0x455: {  	[tilespmem:s22], [sflag:$0x1] =	stream.linear.gather [hbm4b:s24+s2], $0x1C00, $0x38;
	[tilespmem:$0x18000] =	vst v63  }
0x456: {  	_ =	swait.ge [sflag:s21], $0x1000  }
0x457: {  	[sflag:s21] =	ssyncset.done $0x0  }
0x458: {  	[sflag:s21] =	ssyncadd.s32 $0xFFFFF000  }
0x459: {  	_ =	swait.ge [sflag:s21], $0x7000  }
0x45a: {  	[sflag:s21] =	ssyncset.done $0x0  }
0x45b: {  	s22 =	rddreg [dreg:$0x8];
	[sflag:s21] =	ssyncadd.s32 $0xFFFF9000  }
0x45c: {  	[hbm4b:s22+s2] =	stream.linear.scatter [tilespmem:s8], [sflag:$0x5], $0x8000, $0x38;
	[tilespmem:$0x18000] =	vst v63  }
0x45d: {  	_ =	swait.ge [sflag:s6], $0x8000  }
0x45e: {  	s24 =	sld [smem:$0x7DE]  }
0x45f: {  	[sflag:s6] =	ssyncset.done $0x0  }
0x460: {  	[sflag:s6] =	ssyncadd.s32 $0xFFFF8000  }
0x461: {  	[tilespmem:s8], [sflag:$0x2] =	stream.linear.gather [hbm4b:s24+s2], $0x400, $0x38;
	[tilespmem:$0x18000] =	vst v63  }
0x462: {  	s22 =	simm.s32 $0xA000;
	s0 =	sadd.s32 $0x80, s24  }
0x463: {  	[tilespmem:s22], [sflag:$0x2] =	stream.linear.gather [hbm4b:s0+s2], $0x400, $0x38;
	[tilespmem:$0x18000] =	vst v63  }
0x464: {  	s0 =	sadd.s32 $0x100, s24;
	s22 =	simm.s32 $0xC000  }
0x465: {  	[tilespmem:s22], [sflag:$0x2] =	stream.linear.gather [hbm4b:s0+s2], $0x400, $0x38;
	[tilespmem:$0x18000] =	vst v63  }
0x466: {  	s24 =	sadd.s32 $0x180, s24  }
0x467: {  	[tilespmem:s4], [sflag:$0x2] =	stream.linear.gather [hbm4b:s24+s2], $0x400, $0x38;
	[tilespmem:$0x18000] =	vst v63  }
0x468: {  	s24 =	sld [smem:$0x7F3];
	_ =	sdelay $0x2  }
0x469: {  	[tilespmem:s1], [sflag:$0x2] =	stream.linear.gather [hbm4b:s24+s2], $0x1C00, $0x38;
	[tilespmem:$0x18000] =	vst v63  }
0x46a: {  	s1 =	sadd.s32 $0x400, s24  }
0x46b: {  	[tilespmem:s16], [sflag:$0x2] =	stream.linear.gather [hbm4b:s1+s2], $0x1C00, $0x38;
	[tilespmem:$0x18000] =	vst v63  }
0x46c: {  	s22 =	sadd.s32 $0x800, s24  }
0x46d: {  	[tilespmem:s11], [sflag:$0x2] =	stream.linear.gather [hbm4b:s22+s2], $0x1C00, $0x38;
	[tilespmem:$0x18000] =	vst v63  }
0x46e: {  	s24 =	sadd.s32 $0xC00, s24  }
0x46f: {  	[tilespmem:s17], [sflag:$0x2] =	stream.linear.gather [hbm4b:s24+s2], $0x1C00, $0x38;
	[tilespmem:$0x18000] =	vst v63  }
0x470: {  	_ =	swait.ge [sflag:s19], $0x1000  }
0x471: {  	[sflag:s19] =	ssyncset.done $0x0  }
0x472: {  	[sflag:s19] =	ssyncadd.s32 $0xFFFFF000  }
0x473: {  	_ =	swait.ge [sflag:s19], $0x7000  }
0x474: {  	[sflag:s19] =	ssyncset.done $0x0  }
0x475: {  	s1 =	rddreg [dreg:$0x9];
	[sflag:s19] =	ssyncadd.s32 $0xFFFF9000  }
0x476: {  	[hbm4b:s1+s2] =	stream.linear.scatter [tilespmem:s9], [sflag:$0x6], $0x8000, $0x38;
	[tilespmem:$0x18000] =	vst v63  }
0x477: {  	_ =	swait.ge [sflag:s5], $0x8000  }
0x478: {  	s22 =	sld [smem:$0x7DF]  }
0x479: {  	[sflag:s5] =	ssyncset.done $0x0  }
0x47a: {  	[sflag:s5] =	ssyncadd.s32 $0xFFFF8000  }
0x47b: {  	[tilespmem:s9], [sflag:$0x3] =	stream.linear.gather [hbm4b:s22+s2], $0x400, $0x38;
	[tilespmem:$0x18000] =	vst v63  }
0x47c: {  	s1 =	sadd.s32 $0x80, s22  }
0x47d: {  	[tilespmem:s12], [sflag:$0x3] =	stream.linear.gather [hbm4b:s1+s2], $0x400, $0x38;
	[tilespmem:$0x18000] =	vst v63  }
0x47e: {  	s12 =	sadd.s32 $0x100, s22  }
0x47f: {  	[tilespmem:s7], [sflag:$0x3] =	stream.linear.gather [hbm4b:s12+s2], $0x400, $0x38;
	[tilespmem:$0x18000] =	vst v63  }
0x480: {  	s24 =	simm.s32 $0x16000;
	s22 =	sadd.s32 $0x180, s22  }
0x481: {  	[tilespmem:s24], [sflag:$0x3] =	stream.linear.gather [hbm4b:s22+s2], $0x400, $0x38;
	[tilespmem:$0x18000] =	vst v63  }
0x482: {  	s24 =	sld [smem:$0x7F4];
	_ =	sdelay $0x1  }
0x483: {  	s12 =	simm.s32 $0x10400  }
0x484: {  	[tilespmem:s12], [sflag:$0x3] =	stream.linear.gather [hbm4b:s24+s2], $0x1C00, $0x38;
	[tilespmem:$0x18000] =	vst v63  }
0x485: {  	s30 =	simm.s32 $0x12400;
	s22 =	sadd.s32 $0x400, s24  }
0x486: {  	[tilespmem:s30], [sflag:$0x3] =	stream.linear.gather [hbm4b:s22+s2], $0x1C00, $0x38;
	[tilespmem:$0x18000] =	vst v63  }
0x487: {  	s12 =	sadd.s32 $0x800, s24  }
0x488: {  	[tilespmem:s15], [sflag:$0x3] =	stream.linear.gather [hbm4b:s12+s2], $0x1C00, $0x38;
	[tilespmem:$0x18000] =	vst v63  }
0x489: {  	s22 =	sadd.s32 $0xC00, s24  }
0x48a: {  	[tilespmem:s31], [sflag:$0x3] =	stream.linear.gather [hbm4b:s22+s2], $0x1C00, $0x38;
	[tilespmem:$0x18000] =	vst v63  }
0x48b: {  	_ =	swait.ge [sflag:s10], $0x1000  }
0x48c: {  	[sflag:s10] =	ssyncset.done $0x0  }
0x48d: {  	[sflag:s10] =	ssyncadd.s32 $0xFFFFF000  }
0x48e: {  	_ =	swait.ge [sflag:s10], $0x7000  }
0x48f: {  	[sflag:s10] =	ssyncset.done $0x0  }
0x490: {  	s24 =	rddreg [dreg:$0xa];
	[sflag:s10] =	ssyncadd.s32 $0xFFFF9000  }
0x491: {  	[hbm4b:s24+s2] =	stream.linear.scatter [tilespmem:s2], [sflag:$0x4], $0x8000, $0x38;
	[tilespmem:$0x18000] =	vst v63  }
0x492: {  	_ =	swait.ge [sflag:s18], $0x8000  }
0x493: {  	s24 =	sld [smem:$0x7E0]  }
0x494: {  	[sflag:s18] =	ssyncset.done $0x0  }
0x495: {  	[sflag:s18] =	ssyncadd.s32 $0xFFFF8000  }
0x496: {  	[tilespmem:s2], [sflag:$0x1] =	stream.linear.gather [hbm4b:s24+s2], $0x400, $0x38;
	[tilespmem:$0x18000] =	vst v63  }
0x497: {  	s31 =	sadd.s32 $0x80, s24  }
0x498: {  	[tilespmem:s14], [sflag:$0x1] =	stream.linear.gather [hbm4b:s31+s2], $0x400, $0x38;
	[tilespmem:$0x18000] =	vst v63  }
0x499: {  	s22 =	sadd.s32 $0x100, s24  }
0x49a: {  	[tilespmem:s13], [sflag:$0x1] =	stream.linear.gather [hbm4b:s22+s2], $0x400, $0x38;
	[tilespmem:$0x18000] =	vst v63  }
0x49b: {  	s31 =	sadd.s32 $0x180, s24;
	s22 =	sld [smem:$0x7F5]  }
0x49c: {  	[tilespmem:s3], [sflag:$0x1] =	stream.linear.gather [hbm4b:s31+s2], $0x400, $0x38;
	[tilespmem:$0x18000] =	vst v63  }
0x49d: {  	s28 =	simm.s32 $0x400  }
0x49e: {  	[tilespmem:s28], [sflag:$0x1] =	stream.linear.gather [hbm4b:s22+s2], $0x1C00, $0x38;
	[tilespmem:$0x18000] =	vst v63  }
0x49f: {  	s25 =	simm.s32 $0x2400;
	s28 =	sadd.s32 $0x400, s22  }
0x4a0: {  	[tilespmem:s25], [sflag:$0x1] =	stream.linear.gather [hbm4b:s28+s2], $0x1C00, $0x38;
	[tilespmem:$0x18000] =	vst v63  }
0x4a1: {  	s23 =	simm.s32 $0x4400;
	s3 =	sadd.s32 $0x800, s22  }
0x4a2: {  	[tilespmem:s23], [sflag:$0x1] =	stream.linear.gather [hbm4b:s3+s2], $0x1C00, $0x38;
	[tilespmem:$0x18000] =	vst v63  }
0x4a3: {  	s22 =	sadd.s32 $0xC00, s22;
	s23 =	simm.s32 $0x6400  }
0x4a4: {  	[tilespmem:s23], [sflag:$0x1] =	stream.linear.gather [hbm4b:s22+s2], $0x1C00, $0x38;
	[tilespmem:$0x18000] =	vst v63  }
0x4a5: {  	_ =	swait.ge [sflag:s21], $0x1000  }
0x4a6: {  	[sflag:s21] =	ssyncset.done $0x0  }
0x4a7: {  	[sflag:s21] =	ssyncadd.s32 $0xFFFFF000  }
0x4a8: {  	_ =	swait.ge [sflag:s21], $0x7000  }
0x4a9: {  	[sflag:s21] =	ssyncset.done $0x0  }
0x4aa: {  	s24 =	rddreg [dreg:$0xb];
	[sflag:s21] =	ssyncadd.s32 $0xFFFF9000  }
0x4ab: {  	[hbm4b:s24+s2] =	stream.linear.scatter [tilespmem:s8], [sflag:$0x5], $0x8000, $0x38;
	[tilespmem:$0x18000] =	vst v63  }
0x4ac: {  	_ =	swait.ge [sflag:s6], $0x8000  }
0x4ad: {  	s24 =	sld [smem:$0x7E1]  }
0x4ae: {  	[sflag:s6] =	ssyncset.done $0x0  }
0x4af: {  	[sflag:s6] =	ssyncadd.s32 $0xFFFF8000  }
0x4b0: {  	[tilespmem:s8], [sflag:$0x2] =	stream.linear.gather [hbm4b:s24+s2], $0x400, $0x38;
	[tilespmem:$0x18000] =	vst v63  }
0x4b1: {  	s28 =	simm.s32 $0xA000;
	s25 =	sadd.s32 $0x80, s24  }
0x4b2: {  	[tilespmem:s28], [sflag:$0x2] =	stream.linear.gather [hbm4b:s25+s2], $0x400, $0x38;
	[tilespmem:$0x18000] =	vst v63  }
0x4b3: {  	s22 =	sadd.s32 $0x100, s24;
	s25 =	simm.s32 $0xC000  }
0x4b4: {  	[tilespmem:s25], [sflag:$0x2] =	stream.linear.gather [hbm4b:s22+s2], $0x400, $0x38;
	[tilespmem:$0x18000] =	vst v63  }
0x4b5: {  	s3 =	simm.s32 $0xE000;
	s28 =	sadd.s32 $0x180, s24;
	s22 =	sld [smem:$0x7F6]  }
0x4b6: {  	[tilespmem:s3], [sflag:$0x2] =	stream.linear.gather [hbm4b:s28+s2], $0x400, $0x38;
	[tilespmem:$0x18000] =	vst v63  }
0x4b7: {  	s4 =	simm.s32 $0x8400  }
0x4b8: {  	[tilespmem:s4], [sflag:$0x2] =	stream.linear.gather [hbm4b:s22+s2], $0x1C00, $0x38;
	[tilespmem:$0x18000] =	vst v63  }
0x4b9: {  	s16 =	simm.s32 $0xA400;
	s25 =	sadd.s32 $0x400, s22  }
0x4ba: {  	[tilespmem:s16], [sflag:$0x2] =	stream.linear.gather [hbm4b:s25+s2], $0x1C00, $0x38;
	[tilespmem:$0x18000] =	vst v63  }
0x4bb: {  	s11 =	simm.s32 $0xC400;
	s3 =	sadd.s32 $0x800, s22  }
0x4bc: {  	[tilespmem:s11], [sflag:$0x2] =	stream.linear.gather [hbm4b:s3+s2], $0x1C00, $0x38;
	[tilespmem:$0x18000] =	vst v63  }
0x4bd: {  	s17 =	simm.s32 $0xE400;
	s16 =	sadd.s32 $0xC00, s22  }
0x4be: {  	[tilespmem:s17], [sflag:$0x2] =	stream.linear.gather [hbm4b:s16+s2], $0x1C00, $0x38;
	[tilespmem:$0x18000] =	vst v63  }
0x4bf: {  	_ =	swait.ge [sflag:s19], $0x1000  }
0x4c0: {  	[sflag:s19] =	ssyncset.done $0x0  }
0x4c1: {  	[sflag:s19] =	ssyncadd.s32 $0xFFFFF000  }
0x4c2: {  	_ =	swait.ge [sflag:s19], $0x7000  }
0x4c3: {  	[sflag:s19] =	ssyncset.done $0x0  }
0x4c4: {  	s17 =	rddreg [dreg:$0xc];
	[sflag:s19] =	ssyncadd.s32 $0xFFFF9000  }
0x4c5: {  	[hbm4b:s17+s2] =	stream.linear.scatter [tilespmem:s9], [sflag:$0x6], $0x8000, $0x38;
	[tilespmem:$0x18000] =	vst v63  }
0x4c6: {  	_ =	swait.ge [sflag:s5], $0x8000  }
0x4c7: {  	s22 =	sld [smem:$0x7E2]  }
0x4c8: {  	[sflag:s5] =	ssyncset.done $0x0  }
0x4c9: {  	[sflag:s5] =	ssyncadd.s32 $0xFFFF8000  }
0x4ca: {  	[tilespmem:s9], [sflag:$0x3] =	stream.linear.gather [hbm4b:s22+s2], $0x400, $0x38;
	[tilespmem:$0x18000] =	vst v63  }
0x4cb: {  	s1 =	simm.s32 $0x12000;
	s11 =	sadd.s32 $0x80, s22  }
0x4cc: {  	[tilespmem:s1], [sflag:$0x3] =	stream.linear.gather [hbm4b:s11+s2], $0x400, $0x38;
	[tilespmem:$0x18000] =	vst v63  }
0x4cd: {  	s7 =	simm.s32 $0x14000;
	s17 =	sadd.s32 $0x100, s22  }
0x4ce: {  	[tilespmem:s7], [sflag:$0x3] =	stream.linear.gather [hbm4b:s17+s2], $0x400, $0x38;
	[tilespmem:$0x18000] =	vst v63  }
0x4cf: {  	s24 =	simm.s32 $0x16000;
	s22 =	sadd.s32 $0x180, s22;
	s1 =	sld [smem:$0x7F7]  }
0x4d0: {  	[tilespmem:s24], [sflag:$0x3] =	stream.linear.gather [hbm4b:s22+s2], $0x400, $0x38;
	[tilespmem:$0x18000] =	vst v63  }
0x4d1: {  	s7 =	simm.s32 $0x10400  }
0x4d2: {  	[tilespmem:s7], [sflag:$0x3] =	stream.linear.gather [hbm4b:s1+s2], $0x1C00, $0x38;
	[tilespmem:$0x18000] =	vst v63  }
0x4d3: {  	s30 =	simm.s32 $0x12400;
	s17 =	sadd.s32 $0x400, s1  }
0x4d4: {  	[tilespmem:s30], [sflag:$0x3] =	stream.linear.gather [hbm4b:s17+s2], $0x1C00, $0x38;
	[tilespmem:$0x18000] =	vst v63  }
0x4d5: {  	s15 =	simm.s32 $0x14400;
	s22 =	sadd.s32 $0x800, s1  }
0x4d6: {  	[tilespmem:s15], [sflag:$0x3] =	stream.linear.gather [hbm4b:s22+s2], $0x1C00, $0x38;
	[tilespmem:$0x18000] =	vst v63  }
0x4d7: {  	s12 =	simm.s32 $0x16400;
	s24 =	sadd.s32 $0xC00, s1  }
0x4d8: {  	[tilespmem:s12], [sflag:$0x3] =	stream.linear.gather [hbm4b:s24+s2], $0x1C00, $0x38;
	[tilespmem:$0x18000] =	vst v63  }
0x4d9: {  	_ =	swait.ge [sflag:s10], $0x1000  }
0x4da: {  	[sflag:s10] =	ssyncset.done $0x0  }
0x4db: {  	[sflag:s10] =	ssyncadd.s32 $0xFFFFF000  }
0x4dc: {  	_ =	swait.ge [sflag:s10], $0x7000  }
0x4dd: {  	[sflag:s10] =	ssyncset.done $0x0  }
0x4de: {  	s30 =	rddreg [dreg:$0xd];
	[sflag:s10] =	ssyncadd.s32 $0xFFFF9000  }
0x4df: {  	[hbm4b:s30+s2] =	stream.linear.scatter [tilespmem:s2], [sflag:$0x4], $0x8000, $0x38;
	[tilespmem:$0x18000] =	vst v63  }
0x4e0: {  	_ =	swait.ge [sflag:s18], $0x8000  }
0x4e1: {  	s1 =	sld [smem:$0x7E3]  }
0x4e2: {  	[sflag:s18] =	ssyncset.done $0x0  }
0x4e3: {  	[sflag:s18] =	ssyncadd.s32 $0xFFFF8000  }
0x4e4: {  	[tilespmem:s2], [sflag:$0x1] =	stream.linear.gather [hbm4b:s1+s2], $0x400, $0x38;
	[tilespmem:$0x18000] =	vst v63  }
0x4e5: {  	s14 =	simm.s32 $0x2000;
	s22 =	sadd.s32 $0x80, s1  }
0x4e6: {  	[tilespmem:s14], [sflag:$0x1] =	stream.linear.gather [hbm4b:s22+s2], $0x400, $0x38;
	[tilespmem:$0x18000] =	vst v63  }
0x4e7: {  	s13 =	simm.s32 $0x4000;
	s30 =	sadd.s32 $0x100, s1  }
0x4e8: {  	[tilespmem:s13], [sflag:$0x1] =	stream.linear.gather [hbm4b:s30+s2], $0x400, $0x38;
	[tilespmem:$0x18000] =	vst v63  }
0x4e9: {  	s24 =	sld [smem:$0x7F8];
	s1 =	sadd.s32 $0x180, s1;
	s13 =	simm.s32 $0x6000  }
0x4ea: {  	[tilespmem:s13], [sflag:$0x1] =	stream.linear.gather [hbm4b:s1+s2], $0x400, $0x38;
	[tilespmem:$0x18000] =	vst v63  }
0x4eb: {  	s31 =	simm.s32 $0x400  }
0x4ec: {  	[tilespmem:s31], [sflag:$0x1] =	stream.linear.gather [hbm4b:s24+s2], $0x1C00, $0x38;
	[tilespmem:$0x18000] =	vst v63  }
0x4ed: {  	s22 =	sadd.s32 $0x400, s24;
	s31 =	simm.s32 $0x2400  }
0x4ee: {  	[tilespmem:s31], [sflag:$0x1] =	stream.linear.gather [hbm4b:s22+s2], $0x1C00, $0x38;
	[tilespmem:$0x18000] =	vst v63  }
0x4ef: {  	s1 =	sadd.s32 $0x800, s24;
	s22 =	simm.s32 $0x4400  }
0x4f0: {  	[tilespmem:s22], [sflag:$0x1] =	stream.linear.gather [hbm4b:s1+s2], $0x1C00, $0x38;
	[tilespmem:$0x18000] =	vst v63  }
0x4f1: {  	s23 =	simm.s32 $0x6400;
	s31 =	sadd.s32 $0xC00, s24  }
0x4f2: {  	[tilespmem:s23], [sflag:$0x1] =	stream.linear.gather [hbm4b:s31+s2], $0x1C00, $0x38;
	[tilespmem:$0x18000] =	vst v63  }
0x4f3: {  	_ =	swait.ge [sflag:s21], $0x1000  }
0x4f4: {  	[sflag:s21] =	ssyncset.done $0x0  }
0x4f5: {  	[sflag:s21] =	ssyncadd.s32 $0xFFFFF000  }
0x4f6: {  	_ =	swait.ge [sflag:s21], $0x7000  }
0x4f7: {  	[sflag:s21] =	ssyncset.done $0x0  }
0x4f8: {  	s1 =	rddreg [dreg:$0xe];
	[sflag:s21] =	ssyncadd.s32 $0xFFFF9000  }
0x4f9: {  	[hbm4b:s1+s2] =	stream.linear.scatter [tilespmem:s8], [sflag:$0x5], $0x8000, $0x38;
	[tilespmem:$0x18000] =	vst v63  }
0x4fa: {  	_ =	swait.ge [sflag:s6], $0x8000  }
0x4fb: {  	s24 =	sld [smem:$0x7E4]  }
0x4fc: {  	[sflag:s6] =	ssyncset.done $0x0  }
0x4fd: {  	[sflag:s6] =	ssyncadd.s32 $0xFFFF8000  }
0x4fe: {  	[tilespmem:s8], [sflag:$0x2] =	stream.linear.gather [hbm4b:s24+s2], $0x400, $0x38;
	[tilespmem:$0x18000] =	vst v63  }
0x4ff: {  	s31 =	simm.s32 $0xA000;
	s23 =	sadd.s32 $0x80, s24  }
0x500: {  	[tilespmem:s31], [sflag:$0x2] =	stream.linear.gather [hbm4b:s23+s2], $0x400, $0x38;
	[tilespmem:$0x18000] =	vst v63  }
0x501: {  	s23 =	sadd.s32 $0x100, s24;
	s31 =	simm.s32 $0xC000  }
0x502: {  	[tilespmem:s31], [sflag:$0x2] =	stream.linear.gather [hbm4b:s23+s2], $0x400, $0x38;
	[tilespmem:$0x18000] =	vst v63  }
0x503: {  	s1 =	sadd.s32 $0x180, s24;
	s24 =	sld [smem:$0x7F9];
	s23 =	simm.s32 $0xE000  }
0x504: {  	[tilespmem:s23], [sflag:$0x2] =	stream.linear.gather [hbm4b:s1+s2], $0x400, $0x38;
	[tilespmem:$0x18000] =	vst v63  }
0x505: {  	s28 =	simm.s32 $0x8400  }
0x506: {  	[tilespmem:s28], [sflag:$0x2] =	stream.linear.gather [hbm4b:s24+s2], $0x1C00, $0x38;
	[tilespmem:$0x18000] =	vst v63  }
0x507: {  	s4 =	simm.s32 $0xA400;
	s28 =	sadd.s32 $0x400, s24  }
0x508: {  	[tilespmem:s4], [sflag:$0x2] =	stream.linear.gather [hbm4b:s28+s2], $0x1C00, $0x38;
	[tilespmem:$0x18000] =	vst v63  }
0x509: {  	s3 =	simm.s32 $0xC400;
	s31 =	sadd.s32 $0x800, s24  }
0x50a: {  	[tilespmem:s3], [sflag:$0x2] =	stream.linear.gather [hbm4b:s31+s2], $0x1C00, $0x38;
	[tilespmem:$0x18000] =	vst v63  }
0x50b: {  	s16 =	simm.s32 $0xE400;
	s4 =	sadd.s32 $0xC00, s24  }
0x50c: {  	[tilespmem:s16], [sflag:$0x2] =	stream.linear.gather [hbm4b:s4+s2], $0x1C00, $0x38;
	[tilespmem:$0x18000] =	vst v63  }
0x50d: {  	_ =	swait.ge [sflag:s19], $0x1000  }
0x50e: {  	[sflag:s19] =	ssyncset.done $0x0  }
0x50f: {  	[sflag:s19] =	ssyncadd.s32 $0xFFFFF000  }
0x510: {  	_ =	swait.ge [sflag:s19], $0x7000  }
0x511: {  	[sflag:s19] =	ssyncset.done $0x0  }
0x512: {  	s16 =	rddreg [dreg:$0xf];
	[sflag:s19] =	ssyncadd.s32 $0xFFFF9000  }
0x513: {  	[hbm4b:s16+s2] =	stream.linear.scatter [tilespmem:s9], [sflag:$0x6], $0x8000, $0x38;
	[tilespmem:$0x18000] =	vst v63  }
0x514: {  	_ =	swait.ge [sflag:s5], $0x8000  }
0x515: {  	s23 =	sld [smem:$0x7E5]  }
0x516: {  	[sflag:s5] =	ssyncset.done $0x0  }
0x517: {  	[sflag:s5] =	ssyncadd.s32 $0xFFFF8000  }
0x518: {  	[tilespmem:s9], [sflag:$0x3] =	stream.linear.gather [hbm4b:s23+s2], $0x400, $0x38;
	[tilespmem:$0x18000] =	vst v63  }
0x519: {  	s25 =	simm.s32 $0x12000;
	s24 =	sadd.s32 $0x80, s23  }
0x51a: {  	[tilespmem:s25], [sflag:$0x3] =	stream.linear.gather [hbm4b:s24+s2], $0x400, $0x38;
	[tilespmem:$0x18000] =	vst v63  }
0x51b: {  	s11 =	simm.s32 $0x14000;
	s25 =	sadd.s32 $0x100, s23  }
0x51c: {  	[tilespmem:s11], [sflag:$0x3] =	stream.linear.gather [hbm4b:s25+s2], $0x400, $0x38;
	[tilespmem:$0x18000] =	vst v63  }
0x51d: {  	s31 =	simm.s32 $0x16000;
	s28 =	sadd.s32 $0x180, s23  }
0x51e: {  	[tilespmem:s31], [sflag:$0x3] =	stream.linear.gather [hbm4b:s28+s2], $0x400, $0x38;
	[tilespmem:$0x18000] =	vst v63  }
0x51f: {  	s7 =	simm.s32 $0x10400  }
0x520: {  	[tilespmem:s7], [sflag:$0x3] =	stream.linear.gather [hbm4b:s20+s2], $0x1C00, $0x38;
	[tilespmem:$0x18000] =	vst v63  }
0x521: {  	s17 =	simm.s32 $0x12400;
	s3 =	sadd.s32 $0x400, s20  }
0x522: {  	[tilespmem:s17], [sflag:$0x3] =	stream.linear.gather [hbm4b:s3+s2], $0x1C00, $0x38;
	[tilespmem:$0x18000] =	vst v63  }
0x523: {  	s15 =	simm.s32 $0x14400;
	s4 =	sadd.s32 $0x800, s20  }
0x524: {  	[tilespmem:s15], [sflag:$0x3] =	stream.linear.gather [hbm4b:s4+s2], $0x1C00, $0x38;
	[tilespmem:$0x18000] =	vst v63  }
0x525: {  	s12 =	simm.s32 $0x16400;
	s7 =	sadd.s32 $0xC00, s20  }
0x526: {  	[tilespmem:s12], [sflag:$0x3] =	stream.linear.gather [hbm4b:s7+s2], $0x1C00, $0x38;
	[tilespmem:$0x18000] =	vst v63  }
0x527: {  	_ =	swait.ge [sflag:s10], $0x1000  }
0x528: {  	[sflag:s10] =	ssyncset.done $0x0  }
0x529: {  	[sflag:s10] =	ssyncadd.s32 $0xFFFFF000  }
0x52a: {  	_ =	swait.ge [sflag:s10], $0x7000  }
0x52b: {  	[sflag:s10] =	ssyncset.done $0x0  }
0x52c: {  	s11 =	rddreg [dreg:$0x10];
	[sflag:s10] =	ssyncadd.s32 $0xFFFF9000  }
0x52d: {  	[hbm4b:s11+s2] =	stream.linear.scatter [tilespmem:s2], [sflag:$0x4], $0x8000, $0x38;
	[tilespmem:$0x18000] =	vst v63  }
0x52e: {  	_ =	swait.ge [sflag:s18], $0x8000  }
0x52f: {  	[sflag:s18] =	ssyncset.done $0x0  }
0x530: {  	[sflag:s18] =	ssyncadd.s32 $0xFFFF8000  }
0x531: {  	[tilespmem:s2], [sflag:$0x1] =	stream.linear.gather [hbm4b:s26+s2], $0x400, $0x38;
	[tilespmem:$0x18000] =	vst v63  }
0x532: {  	s14 =	simm.s32 $0x2000;
	s12 =	sadd.s32 $0x80, s26  }
0x533: {  	[tilespmem:s14], [sflag:$0x1] =	stream.linear.gather [hbm4b:s12+s2], $0x400, $0x38;
	[tilespmem:$0x18000] =	vst v63  }
0x534: {  	s30 =	simm.s32 $0x4000;
	s15 =	sadd.s32 $0x100, s26  }
0x535: {  	[tilespmem:s30], [sflag:$0x1] =	stream.linear.gather [hbm4b:s15+s2], $0x400, $0x38;
	[tilespmem:$0x18000] =	vst v63  }
0x536: {  	s16 =	sadd.s32 $0x180, s26;
	s17 =	simm.s32 $0x6000  }
0x537: {  	[tilespmem:s17], [sflag:$0x1] =	stream.linear.gather [hbm4b:s16+s2], $0x400, $0x38;
	[tilespmem:$0x18000] =	vst v63  }
0x538: {  	s13 =	simm.s32 $0x400  }
0x539: {  	[tilespmem:s13], [sflag:$0x1] =	stream.linear.gather [hbm4b:s29+s2], $0x1C00, $0x38;
	[tilespmem:$0x18000] =	vst v63  }
0x53a: {  	s23 =	simm.s32 $0x2400;
	s20 =	sadd.s32 $0x400, s29  }
0x53b: {  	[tilespmem:s23], [sflag:$0x1] =	stream.linear.gather [hbm4b:s20+s2], $0x1C00, $0x38;
	[tilespmem:$0x18000] =	vst v63  }
0x53c: {  	s24 =	sadd.s32 $0x800, s29;
	s25 =	simm.s32 $0x4400  }
0x53d: {  	[tilespmem:s25], [sflag:$0x1] =	stream.linear.gather [hbm4b:s24+s2], $0x1C00, $0x38;
	[tilespmem:$0x18000] =	vst v63  }
0x53e: {  	s22 =	simm.s32 $0x6400;
	s26 =	sadd.s32 $0xC00, s29  }
0x53f: {  	[tilespmem:s22], [sflag:$0x1] =	stream.linear.gather [hbm4b:s26+s2], $0x1C00, $0x38;
	[tilespmem:$0x18000] =	vst v63  }
0x540: {  	_ =	swait.ge [sflag:s21], $0x1000  }
0x541: {  	[sflag:s21] =	ssyncset.done $0x0  }
0x542: {  	[sflag:s21] =	ssyncadd.s32 $0xFFFFF000  }
0x543: {  	_ =	swait.ge [sflag:s21], $0x7000  }
0x544: {  	[sflag:s21] =	ssyncset.done $0x0  }
0x545: {  	s28 =	rddreg [dreg:$0x11];
	[sflag:s21] =	ssyncadd.s32 $0xFFFF9000  }
0x546: {  	[hbm4b:s28+s2] =	stream.linear.scatter [tilespmem:s8], [sflag:$0x5], $0x8000, $0x38;
	[tilespmem:$0x18000] =	vst v63  }
0x547: {  	_ =	swait.ge [sflag:s19], $0x1000  }
0x548: {  	[sflag:s19] =	ssyncset.done $0x0  }
0x549: {  	[sflag:s19] =	ssyncadd.s32 $0xFFFFF000  }
0x54a: {  	_ =	swait.ge [sflag:s19], $0x7000  }
0x54b: {  	[sflag:s19] =	ssyncset.done $0x0  }
0x54c: {  	s29 =	rddreg [dreg:$0x12];
	[sflag:s19] =	ssyncadd.s32 $0xFFFF9000  }
0x54d: {  	[hbm4b:s29+s2] =	stream.linear.scatter [tilespmem:s9], [sflag:$0x6], $0x8000, $0x38;
	[tilespmem:$0x18000] =	vst v63  }
0x54e: {  	_ =	swait.ge [sflag:s10], $0x1000  }
0x54f: {  	[sflag:s10] =	ssyncset.done $0x0  }
0x550: {  	[sflag:s10] =	ssyncadd.s32 $0xFFFFF000  }
0x551: {  	_ =	swait.ge [sflag:s10], $0x7000  }
0x552: {  	[sflag:s10] =	ssyncset.done $0x0  }
0x553: {  	s30 =	rddreg [dreg:$0x13];
	[sflag:s10] =	ssyncadd.s32 $0xFFFF9000  }
0x554: {  	[hbm4b:s30+s2] =	stream.linear.scatter [tilespmem:s2], [sflag:$0x4], $0x8000, $0x38;
	[tilespmem:$0x18000] =	vst v63  }
0x555: {  	_ =	swait.ge [sflag:s18], $0x8000  }
0x556: {  	[sflag:s18] =	ssyncset.done $0x0  }
0x557: {  	[sflag:s18] =	ssyncadd.s32 $0xFFFF8000  }
0x558: {  	_ =	swait.ge [sflag:s6], $0x8000  }
0x559: {  	[sflag:s6] =	ssyncset.done $0x0  }
0x55a: {  	[sflag:s6] =	ssyncadd.s32 $0xFFFF8000  }
0x55b: {  	_ =	swait.ge [sflag:s5], $0x8000  }
0x55c: {  	[sflag:s5] =	ssyncset.done $0x0  }
0x55d: {  	[sflag:s5] =	ssyncadd.s32 $0xFFFF8000  }
0x55e: {  	_ =	sfence.sel $0x180000  }
0x55f: {  	[bflag:$0x0] =	sbarrier.arrive $0xFFFF  }
0x560: {  	_ =	strace $0x90000047  }
0x561: {  	s31 =	stileid.u32;
	[bflag:$0x2] =	sbarrier.arrive $0xFFFF  }
0x562: {  	p0 =	sne.s32 s31, $0x0;
	s0 =	rddreg [dreg:$0x3]  }
0x563: {  	s0 =	sadd.s32 @!p0 $0x100000, s0  }
0x564: {  	[sflag:s0] =	ssyncadd.tile.s32 @!p0 $0x1;
	_ =	shalt  }
.LBB2_6:
0x565: {  	s4 =	simm.s32 $0x12400  }
.Ltmp3:
0x566: {  	s11 =	simm.s32 $0x16000;
	s3 =	simm.s32 $0x10400;
	(pc) =	sbr.rel .LBB2_5-.Ltmp3, $4  }
0x567: {  	s1 =	simm.s32 $0x14000;
	s15 =	simm.s32 $0x12000;
	s8 =	simm.s32 $0x8000  }
0x568: {  	s12 =	simm.s32 $0xE400;
	s13 =	simm.s32 $0x6400;
	s14 =	simm.s32 $0x4400  }
0x569: {  	s17 =	simm.s32 $0x2400;
	s16 =	simm.s32 $0x6000;
	s25 =	simm.s32 $0x400  }
0x56a: {  	s7 =	simm.s32 $0x4000;
	s23 =	simm.s32 $0x2000;
	s9 =	simm.s32 $0x10000  }
.Lfunc_end2:
_tile_overlayer_lowered:
.L_overlay_start_2:
0x56b: {  	(tag) =	ssettag $0x2  }
0x56c: {  	s0 =	rddreg [dreg:$0x0];
	s2 =	stileid.u32  }
0x56d: {  	s1 =	rddreg [dreg:$0x1];
	p0 =	sne.s32 s2, $0x0  }
0x56e: {  	s3 =	rddreg [dreg:$0x2];
	[bflag:$0x3] =	sbarrier.arrive $0xFFFF;
	s2 =	simm.s32 @!p0 $0x1C07  }
0x56f: {  	[timem:s3], [sflag:s2] =	dma.local @!p0 [hbm:s0], s1  }
0x570: {  	s0 =	simm.s32 @!p0 $0x7  }
0x571: {  	_ =	swait.ge @!p0 [sflag:s0], s1  }
0x572: {  	s1 =	ssub.s32 @!p0 $0x0, s1;
	[sflag:s0] =	ssyncset.done @!p0 $0x0  }
0x573: {  	[sflag:s0] =	ssyncadd.s32 @!p0 s1  }
0x574: {  	[bflag:$0x3] =	sbarrier.arrive $0xFFFF  }
0x575: {  	_ =	shalt  }

</sc_bundles>
